<compile_context>
chip_gen: v7x
topology: tpu7x:2x2x1
jax: 0.10.2.dev20260603
libtpu: 0.0.44.dev20260713+nightly
codegen_flags: <defaults>
</compile_context>

<pallas_src>
import functools

import jax
import jax.numpy as jnp
import numpy as np
from jax import lax
from jax.experimental import pallas as pl
from jax.experimental.pallas import tpu as pltpu
from jax.experimental.pallas import tpu_sc as plsc

NUM_LABELS = 64
B, H, W = 4, 512, 512
NC, NS, L = 2, 16, 16
NW = NC * NS

BANDS = B * H // NW
NCK = 8
RC = BANDS // NCK

_LO = np.int32(np.uint32(0x728BBBAF))
_HI = np.int32(np.uint32(0x4C65DA36))


@functools.partial(
    pl.kernel,
    mesh=plsc.VectorSubcoreMesh(core_axis_name="c", subcore_axis_name="s"),
    out_type=jax.ShapeDtypeStruct((B, H, W), jnp.float32),
    scratch_types=[
        pltpu.VMEM((NCK, RC, W), jnp.float32),
        pltpu.VMEM((NCK, RC, W), jnp.int32),
    ]
    + [pltpu.SemaphoreType.DMA] * (2 * NCK),
)
def _sc_clear(inp_hbm, lab_hbm, out_hbm, inp_v, lab_v, *sems):
    wid = lax.axis_index("s") * NC + lax.axis_index("c")
    img = wid // (H // BANDS)
    r0 = (wid % (H // BANDS)) * BANDS
    lo = jnp.full((L,), _LO, dtype=jnp.int32)
    hi = jnp.full((L,), _HI, dtype=jnp.int32)

    in_sems = sems[:NCK]
    out_sems = sems[NCK:]
    in_copies = []
    for k in range(NCK):
        in_copies.append(
            (
                pltpu.async_copy(
                    inp_hbm.at[img, pl.ds(r0 + k * RC, RC)],
                    inp_v.at[k],
                    in_sems[k],
                ),
                pltpu.async_copy(
                    lab_hbm.at[img, pl.ds(r0 + k * RC, RC)],
                    lab_v.at[k],
                    in_sems[k],
                ),
            )
        )
    out_copies = []
    for k in range(NCK):
        for c in in_copies[k]:
            c.wait()

        @plsc.parallel_loop(0, RC * W, step=L, unroll=8)
        def _loop(off):
            r = off // W
            c = off % W
            labs = lab_v[k, r, pl.ds(c, L)]
            word = jnp.where(labs < 32, lo, hi)
            keep = (word >> (labs & 31)) & 1
            x = inp_v[k, r, pl.ds(c, L)]
            inp_v[k, r, pl.ds(c, L)] = jnp.where(keep == 1, x, 0.0)

        out_copies.append(
            pltpu.async_copy(
                inp_v.at[k],
                out_hbm.at[img, pl.ds(r0 + k * RC, RC)],
                out_sems[k],
            )
        )
    for c in out_copies:
        c.wait()


def kernel(input_tensor, label_tensor):
    return _sc_clear(input_tensor, label_tensor)

# --- scband reference (transcript-rebuilt; emitter-appended) ---
"""Pipeline reference for scband-random-clear-label-78615081386388 (READ-ONLY COPY).

The authoritative reference and input builder live on the scoring server;
editing this copy changes nothing except your own understanding.
"""

import jax, jax.numpy as jnp
import numpy as np

NUM_LABELS = 64
PROB = 0.5
EXCLUDE_ZERO = True
SEED = 42


def setup_inputs(seed: int = 0) -> dict:
    key = jax.random.key(seed)
    k1, k2 = jax.random.split(key)
    input_tensor = jax.random.normal(k1, (4, 512, 512), dtype=jnp.float32)
    label_tensor = jax.random.randint(k2, (4, 512, 512), 0, NUM_LABELS, dtype=jnp.int32)
    return {"input_tensor": input_tensor, "label_tensor": label_tensor}


def reference(input_tensor, label_tensor):
    # Bernoulli trial per label id (iid, prob=PROB). Equivalent in distribution to
    # sampling over the unique labels present, since trials are iid per label.
    key = jax.random.key(SEED)
    clear_mask = jax.random.bernoulli(key, PROB, (NUM_LABELS,))
    if EXCLUDE_ZERO:
        clear_mask = clear_mask.at[0].set(False)
    # gather per-pixel clear decision from the label map
    cleared = jnp.take(clear_mask, label_tensor, axis=0)
    out = jnp.where(cleared, jnp.zeros_like(input_tensor), input_tensor)
    return out

if __name__ == "__main__":
    import jax
    _d = setup_inputs()
    print(jax.jit(kernel)(*tuple(_d.values())))

</pallas_src>

<mosaic_0001>
#map = affine_map<(d0, d1) -> (0, 0, 0)>
module attributes {stable_mosaic.version = 14 : i64} {
  func.func @_sc_clear(%arg0: i32, %arg1: i32, %arg2: memref<4x512x512xf32, #tpu.memory_space<hbm>>, %arg3: memref<4x512x512xi32, #tpu.memory_space<hbm>>, %arg4: memref<4x512x512xf32, #tpu.memory_space<hbm>>, %arg5: memref<8x8x512xf32, #tpu.memory_space<vmem>>, %arg6: memref<8x8x512xi32, #tpu.memory_space<vmem>>, %arg7: memref<!tpu.dma_semaphore, #tpu.memory_space<semaphore_mem>>, %arg8: memref<!tpu.dma_semaphore, #tpu.memory_space<semaphore_mem>>, %arg9: memref<!tpu.dma_semaphore, #tpu.memory_space<semaphore_mem>>, %arg10: memref<!tpu.dma_semaphore, #tpu.memory_space<semaphore_mem>>, %arg11: memref<!tpu.dma_semaphore, #tpu.memory_space<semaphore_mem>>, %arg12: memref<!tpu.dma_semaphore, #tpu.memory_space<semaphore_mem>>, %arg13: memref<!tpu.dma_semaphore, #tpu.memory_space<semaphore_mem>>, %arg14: memref<!tpu.dma_semaphore, #tpu.memory_space<semaphore_mem>>, %arg15: memref<!tpu.dma_semaphore, #tpu.memory_space<semaphore_mem>>, %arg16: memref<!tpu.dma_semaphore, #tpu.memory_space<semaphore_mem>>, %arg17: memref<!tpu.dma_semaphore, #tpu.memory_space<semaphore_mem>>, %arg18: memref<!tpu.dma_semaphore, #tpu.memory_space<semaphore_mem>>, %arg19: memref<!tpu.dma_semaphore, #tpu.memory_space<semaphore_mem>>, %arg20: memref<!tpu.dma_semaphore, #tpu.memory_space<semaphore_mem>>, %arg21: memref<!tpu.dma_semaphore, #tpu.memory_space<semaphore_mem>>, %arg22: memref<!tpu.dma_semaphore, #tpu.memory_space<semaphore_mem>>) attributes {dimension_semantics = [#tpu.dimension_semantics<core_parallel>, #tpu.dimension_semantics<subcore_parallel>], iteration_bounds = array<i64: 2, 16>, scalar_prefetch = 0 : i64, scratch_operands = 18 : i64, tpu.core_type = #tpu.core_type<sc_vector_subcore>, window_params = [{transform_indices = #map}, {transform_indices = #map}, {transform_indices = #map}]} {
    %mul3A = arith.constant 2 : i32
    %mul3A_0 = arith.muli %arg1, %mul3A : i32
    %add3A = arith.addi %mul3A_0, %arg0 : i32
    %jit3A = arith.constant 8 : i32
    %div3A = arith.divsi %add3A, %jit3A : i32
    %sign3A = arith.constant 0 : i32
    %sign3A_1 = arith.cmpi sgt, %add3A, %sign3A : i32
    %sign3A_2 = arith.extui %sign3A_1 : i1 to i32
    %sign3A_3 = arith.constant 0 : i32
    %sign3A_4 = arith.cmpi slt, %add3A, %sign3A_3 : i32
    %sign3A_5 = arith.extui %sign3A_4 : i1 to i32
    %sign3A_6 = arith.subi %sign3A_2, %sign3A_5 : i32
    %sign3A_7 = arith.constant 0 : i32
    %sign3A_8 = arith.cmpi sgt, %jit3A, %sign3A_7 : i32
    %sign3A_9 = arith.extui %sign3A_8 : i1 to i32
    %sign3A_10 = arith.constant 0 : i32
    %sign3A_11 = arith.cmpi slt, %jit3A, %sign3A_10 : i32
    %sign3A_12 = arith.extui %sign3A_11 : i1 to i32
    %sign3A_13 = arith.subi %sign3A_9, %sign3A_12 : i32
    %ne3A = arith.cmpi ne, %sign3A_6, %sign3A_13 : i32
    %rem3A = arith.remsi %add3A, %jit3A : i32
    %ne3A_14 = arith.constant 0 : i32
    %ne3A_15 = arith.cmpi ne, %rem3A, %ne3A_14 : i32
    %and3A = arith.andi %ne3A, %ne3A_15 : i1
    %sub3A = arith.constant 1 : i32
    %sub3A_16 = arith.subi %div3A, %sub3A : i32
    %select_n3A = arith.select %and3A, %sub3A_16, %div3A : i32
    %jit3A_17 = arith.constant 8 : i32
    %eq3A = arith.constant 0 : i32
    %eq3A_18 = arith.cmpi eq, %jit3A_17, %eq3A : i32
    %jit3A_19 = arith.constant 1 : i32
    %select_n3A_20 = arith.select %eq3A_18, %jit3A_19, %jit3A_17 : i32
    %rem3A_21 = arith.remsi %add3A, %select_n3A_20 : i32
    %ne3A_22 = arith.constant 0 : i32
    %ne3A_23 = arith.cmpi ne, %rem3A_21, %ne3A_22 : i32
    %lt3A = arith.constant 0 : i32
    %lt3A_24 = arith.cmpi slt, %rem3A_21, %lt3A : i32
    %lt3A_25 = arith.constant 0 : i32
    %lt3A_26 = arith.cmpi slt, %select_n3A_20, %lt3A_25 : i32
    %ne3A_27 = arith.xori %lt3A_24, %lt3A_26 : i1
    %and3A_28 = arith.andi %ne3A_27, %ne3A_23 : i1
    %add3A_29 = arith.addi %rem3A_21, %select_n3A_20 : i32
    %select_n3A_30 = arith.select %and3A_28, %add3A_29, %rem3A_21 : i32
    %mul3A_31 = arith.constant 64 : i32
    %mul3A_32 = arith.muli %select_n3A_30, %mul3A_31 : i32
    %broadcast_in_dim3A = arith.constant 1921760175 : i32
    %broadcast_in_dim3A_33 = vector.broadcast %broadcast_in_dim3A : i32 to vector<16xi32>
    %broadcast_in_dim3A_34 = arith.constant 1281743414 : i32
    %broadcast_in_dim3A_35 = vector.broadcast %broadcast_in_dim3A_34 : i32 to vector<16xi32>
    %add3A_36 = arith.constant 0 : i32
    %add3A_37 = arith.addi %mul3A_32, %add3A_36 : i32
    %dma_start3A = arith.constant 0 : i32
    %dma_start3A_38 = arith.constant 0 : i32
    %dma_start3A_39 = arith.constant 0 : i32
    %dma_start3A_40 = tpu.memref_slice %arg5[%dma_start3A, %dma_start3A_38, %dma_start3A_39] : memref<8x8x512xf32, #tpu.memory_space<vmem>> -> memref<1x8x512xf32, #tpu.memory_space<vmem>>
    %dma_start3A_41 = tpu.memref_squeeze %dma_start3A_40 : memref<1x8x512xf32, #tpu.memory_space<vmem>> -> memref<8x512xf32, #tpu.memory_space<vmem>>
    %dma_start3A_42 = arith.constant 0 : i32
    %dma_start3A_43 = tpu.memref_slice %arg2[%select_n3A, %add3A_37, %dma_start3A_42] : memref<4x512x512xf32, #tpu.memory_space<hbm>> -> memref<1x8x512xf32, #tpu.memory_space<hbm>>
    %dma_start3A_44 = tpu.memref_squeeze %dma_start3A_43 : memref<1x8x512xf32, #tpu.memory_space<hbm>> -> memref<8x512xf32, #tpu.memory_space<hbm>>
    %dma_start3A_45 = arith.constant 0 : i32
    %dma_start3A_46 = arith.constant 0 : i32
    %dma_start3A_47 = tpu.memref_slice %arg5[%dma_start3A, %dma_start3A_45, %dma_start3A_46] : memref<8x8x512xf32, #tpu.memory_space<vmem>> -> memref<1x8x512xf32, #tpu.memory_space<vmem>>
    %dma_start3A_48 = tpu.memref_squeeze %dma_start3A_47 : memref<1x8x512xf32, #tpu.memory_space<vmem>> -> memref<8x512xf32, #tpu.memory_space<vmem>>
    %dma_start3A_49 = arith.constant 0 : i32
    %dma_start3A_50 = tpu.memref_slice %arg2[%select_n3A, %add3A_37, %dma_start3A_49] : memref<4x512x512xf32, #tpu.memory_space<hbm>> -> memref<1x8x512xf32, #tpu.memory_space<hbm>>
    %dma_start3A_51 = tpu.memref_squeeze %dma_start3A_50 : memref<1x8x512xf32, #tpu.memory_space<hbm>> -> memref<8x512xf32, #tpu.memory_space<hbm>>
    tpu.enqueue_dma source(%dma_start3A_51 : memref<8x512xf32, #tpu.memory_space<hbm>>) target(%dma_start3A_48 : memref<8x512xf32, #tpu.memory_space<vmem>>) target_semaphore(%arg7 : memref<!tpu.dma_semaphore, #tpu.memory_space<semaphore_mem>>)
    %add3A_52 = arith.constant 0 : i32
    %add3A_53 = arith.addi %mul3A_32, %add3A_52 : i32
    %dma_start3A_54 = arith.constant 0 : i32
    %dma_start3A_55 = arith.constant 0 : i32
    %dma_start3A_56 = arith.constant 0 : i32
    %dma_start3A_57 = tpu.memref_slice %arg6[%dma_start3A_54, %dma_start3A_55, %dma_start3A_56] : memref<8x8x512xi32, #tpu.memory_space<vmem>> -> memref<1x8x512xi32, #tpu.memory_space<vmem>>
    %dma_start3A_58 = tpu.memref_squeeze %dma_start3A_57 : memref<1x8x512xi32, #tpu.memory_space<vmem>> -> memref<8x512xi32, #tpu.memory_space<vmem>>
    %dma_start3A_59 = arith.constant 0 : i32
    %dma_start3A_60 = tpu.memref_slice %arg3[%select_n3A, %add3A_53, %dma_start3A_59] : memref<4x512x512xi32, #tpu.memory_space<hbm>> -> memref<1x8x512xi32, #tpu.memory_space<hbm>>
    %dma_start3A_61 = tpu.memref_squeeze %dma_start3A_60 : memref<1x8x512xi32, #tpu.memory_space<hbm>> -> memref<8x512xi32, #tpu.memory_space<hbm>>
    %dma_start3A_62 = arith.constant 0 : i32
    %dma_start3A_63 = arith.constant 0 : i32
    %dma_start3A_64 = tpu.memref_slice %arg6[%dma_start3A_54, %dma_start3A_62, %dma_start3A_63] : memref<8x8x512xi32, #tpu.memory_space<vmem>> -> memref<1x8x512xi32, #tpu.memory_space<vmem>>
    %dma_start3A_65 = tpu.memref_squeeze %dma_start3A_64 : memref<1x8x512xi32, #tpu.memory_space<vmem>> -> memref<8x512xi32, #tpu.memory_space<vmem>>
    %dma_start3A_66 = arith.constant 0 : i32
    %dma_start3A_67 = tpu.memref_slice %arg3[%select_n3A, %add3A_53, %dma_start3A_66] : memref<4x512x512xi32, #tpu.memory_space<hbm>> -> memref<1x8x512xi32, #tpu.memory_space<hbm>>
    %dma_start3A_68 = tpu.memref_squeeze %dma_start3A_67 : memref<1x8x512xi32, #tpu.memory_space<hbm>> -> memref<8x512xi32, #tpu.memory_space<hbm>>
    tpu.enqueue_dma source(%dma_start3A_68 : memref<8x512xi32, #tpu.memory_space<hbm>>) target(%dma_start3A_65 : memref<8x512xi32, #tpu.memory_space<vmem>>) target_semaphore(%arg7 : memref<!tpu.dma_semaphore, #tpu.memory_space<semaphore_mem>>)
    %add3A_69 = arith.constant 8 : i32
    %add3A_70 = arith.addi %mul3A_32, %add3A_69 : i32
    %dma_start3A_71 = arith.constant 1 : i32
    %dma_start3A_72 = arith.constant 0 : i32
    %dma_start3A_73 = arith.constant 0 : i32
    %dma_start3A_74 = tpu.memref_slice %arg5[%dma_start3A_71, %dma_start3A_72, %dma_start3A_73] : memref<8x8x512xf32, #tpu.memory_space<vmem>> -> memref<1x8x512xf32, #tpu.memory_space<vmem>>
    %dma_start3A_75 = tpu.memref_squeeze %dma_start3A_74 : memref<1x8x512xf32, #tpu.memory_space<vmem>> -> memref<8x512xf32, #tpu.memory_space<vmem>>
    %dma_start3A_76 = arith.constant 0 : i32
    %dma_start3A_77 = tpu.memref_slice %arg2[%select_n3A, %add3A_70, %dma_start3A_76] : memref<4x512x512xf32, #tpu.memory_space<hbm>> -> memref<1x8x512xf32, #tpu.memory_space<hbm>>
    %dma_start3A_78 = tpu.memref_squeeze %dma_start3A_77 : memref<1x8x512xf32, #tpu.memory_space<hbm>> -> memref<8x512xf32, #tpu.memory_space<hbm>>
    %dma_start3A_79 = arith.constant 0 : i32
    %dma_start3A_80 = arith.constant 0 : i32
    %dma_start3A_81 = tpu.memref_slice %arg5[%dma_start3A_71, %dma_start3A_79, %dma_start3A_80] : memref<8x8x512xf32, #tpu.memory_space<vmem>> -> memref<1x8x512xf32, #tpu.memory_space<vmem>>
    %dma_start3A_82 = tpu.memref_squeeze %dma_start3A_81 : memref<1x8x512xf32, #tpu.memory_space<vmem>> -> memref<8x512xf32, #tpu.memory_space<vmem>>
    %dma_start3A_83 = arith.constant 0 : i32
    %dma_start3A_84 = tpu.memref_slice %arg2[%select_n3A, %add3A_70, %dma_start3A_83] : memref<4x512x512xf32, #tpu.memory_space<hbm>> -> memref<1x8x512xf32, #tpu.memory_space<hbm>>
    %dma_start3A_85 = tpu.memref_squeeze %dma_start3A_84 : memref<1x8x512xf32, #tpu.memory_space<hbm>> -> memref<8x512xf32, #tpu.memory_space<hbm>>
    tpu.enqueue_dma source(%dma_start3A_85 : memref<8x512xf32, #tpu.memory_space<hbm>>) target(%dma_start3A_82 : memref<8x512xf32, #tpu.memory_space<vmem>>) target_semaphore(%arg8 : memref<!tpu.dma_semaphore, #tpu.memory_space<semaphore_mem>>)
    %add3A_86 = arith.constant 8 : i32
    %add3A_87 = arith.addi %mul3A_32, %add3A_86 : i32
    %dma_start3A_88 = arith.constant 1 : i32
    %dma_start3A_89 = arith.constant 0 : i32
    %dma_start3A_90 = arith.constant 0 : i32
    %dma_start3A_91 = tpu.memref_slice %arg6[%dma_start3A_88, %dma_start3A_89, %dma_start3A_90] : memref<8x8x512xi32, #tpu.memory_space<vmem>> -> memref<1x8x512xi32, #tpu.memory_space<vmem>>
    %dma_start3A_92 = tpu.memref_squeeze %dma_start3A_91 : memref<1x8x512xi32, #tpu.memory_space<vmem>> -> memref<8x512xi32, #tpu.memory_space<vmem>>
    %dma_start3A_93 = arith.constant 0 : i32
    %dma_start3A_94 = tpu.memref_slice %arg3[%select_n3A, %add3A_87, %dma_start3A_93] : memref<4x512x512xi32, #tpu.memory_space<hbm>> -> memref<1x8x512xi32, #tpu.memory_space<hbm>>
    %dma_start3A_95 = tpu.memref_squeeze %dma_start3A_94 : memref<1x8x512xi32, #tpu.memory_space<hbm>> -> memref<8x512xi32, #tpu.memory_space<hbm>>
    %dma_start3A_96 = arith.constant 0 : i32
    %dma_start3A_97 = arith.constant 0 : i32
    %dma_start3A_98 = tpu.memref_slice %arg6[%dma_start3A_88, %dma_start3A_96, %dma_start3A_97] : memref<8x8x512xi32, #tpu.memory_space<vmem>> -> memref<1x8x512xi32, #tpu.memory_space<vmem>>
    %dma_start3A_99 = tpu.memref_squeeze %dma_start3A_98 : memref<1x8x512xi32, #tpu.memory_space<vmem>> -> memref<8x512xi32, #tpu.memory_space<vmem>>
    %dma_start3A_100 = arith.constant 0 : i32
    %dma_start3A_101 = tpu.memref_slice %arg3[%select_n3A, %add3A_87, %dma_start3A_100] : memref<4x512x512xi32, #tpu.memory_space<hbm>> -> memref<1x8x512xi32, #tpu.memory_space<hbm>>
    %dma_start3A_102 = tpu.memref_squeeze %dma_start3A_101 : memref<1x8x512xi32, #tpu.memory_space<hbm>> -> memref<8x512xi32, #tpu.memory_space<hbm>>
    tpu.enqueue_dma source(%dma_start3A_102 : memref<8x512xi32, #tpu.memory_space<hbm>>) target(%dma_start3A_99 : memref<8x512xi32, #tpu.memory_space<vmem>>) target_semaphore(%arg8 : memref<!tpu.dma_semaphore, #tpu.memory_space<semaphore_mem>>)
    %add3A_103 = arith.constant 16 : i32
    %add3A_104 = arith.addi %mul3A_32, %add3A_103 : i32
    %dma_start3A_105 = arith.constant 2 : i32
    %dma_start3A_106 = arith.constant 0 : i32
    %dma_start3A_107 = arith.constant 0 : i32
    %dma_start3A_108 = tpu.memref_slice %arg5[%dma_start3A_105, %dma_start3A_106, %dma_start3A_107] : memref<8x8x512xf32, #tpu.memory_space<vmem>> -> memref<1x8x512xf32, #tpu.memory_space<vmem>>
    %dma_start3A_109 = tpu.memref_squeeze %dma_start3A_108 : memref<1x8x512xf32, #tpu.memory_space<vmem>> -> memref<8x512xf32, #tpu.memory_space<vmem>>
    %dma_start3A_110 = arith.constant 0 : i32
    %dma_start3A_111 = tpu.memref_slice %arg2[%select_n3A, %add3A_104, %dma_start3A_110] : memref<4x512x512xf32, #tpu.memory_space<hbm>> -> memref<1x8x512xf32, #tpu.memory_space<hbm>>
    %dma_start3A_112 = tpu.memref_squeeze %dma_start3A_111 : memref<1x8x512xf32, #tpu.memory_space<hbm>> -> memref<8x512xf32, #tpu.memory_space<hbm>>
    %dma_start3A_113 = arith.constant 0 : i32
    %dma_start3A_114 = arith.constant 0 : i32
    %dma_start3A_115 = tpu.memref_slice %arg5[%dma_start3A_105, %dma_start3A_113, %dma_start3A_114] : memref<8x8x512xf32, #tpu.memory_space<vmem>> -> memref<1x8x512xf32, #tpu.memory_space<vmem>>
    %dma_start3A_116 = tpu.memref_squeeze %dma_start3A_115 : memref<1x8x512xf32, #tpu.memory_space<vmem>> -> memref<8x512xf32, #tpu.memory_space<vmem>>
    %dma_start3A_117 = arith.constant 0 : i32
    %dma_start3A_118 = tpu.memref_slice %arg2[%select_n3A, %add3A_104, %dma_start3A_117] : memref<4x512x512xf32, #tpu.memory_space<hbm>> -> memref<1x8x512xf32, #tpu.memory_space<hbm>>
    %dma_start3A_119 = tpu.memref_squeeze %dma_start3A_118 : memref<1x8x512xf32, #tpu.memory_space<hbm>> -> memref<8x512xf32, #tpu.memory_space<hbm>>
    tpu.enqueue_dma source(%dma_start3A_119 : memref<8x512xf32, #tpu.memory_space<hbm>>) target(%dma_start3A_116 : memref<8x512xf32, #tpu.memory_space<vmem>>) target_semaphore(%arg9 : memref<!tpu.dma_semaphore, #tpu.memory_space<semaphore_mem>>)
    %add3A_120 = arith.constant 16 : i32
    %add3A_121 = arith.addi %mul3A_32, %add3A_120 : i32
    %dma_start3A_122 = arith.constant 2 : i32
    %dma_start3A_123 = arith.constant 0 : i32
    %dma_start3A_124 = arith.constant 0 : i32
    %dma_start3A_125 = tpu.memref_slice %arg6[%dma_start3A_122, %dma_start3A_123, %dma_start3A_124] : memref<8x8x512xi32, #tpu.memory_space<vmem>> -> memref<1x8x512xi32, #tpu.memory_space<vmem>>
    %dma_start3A_126 = tpu.memref_squeeze %dma_start3A_125 : memref<1x8x512xi32, #tpu.memory_space<vmem>> -> memref<8x512xi32, #tpu.memory_space<vmem>>
    %dma_start3A_127 = arith.constant 0 : i32
    %dma_start3A_128 = tpu.memref_slice %arg3[%select_n3A, %add3A_121, %dma_start3A_127] : memref<4x512x512xi32, #tpu.memory_space<hbm>> -> memref<1x8x512xi32, #tpu.memory_space<hbm>>
    %dma_start3A_129 = tpu.memref_squeeze %dma_start3A_128 : memref<1x8x512xi32, #tpu.memory_space<hbm>> -> memref<8x512xi32, #tpu.memory_space<hbm>>
    %dma_start3A_130 = arith.constant 0 : i32
    %dma_start3A_131 = arith.constant 0 : i32
    %dma_start3A_132 = tpu.memref_slice %arg6[%dma_start3A_122, %dma_start3A_130, %dma_start3A_131] : memref<8x8x512xi32, #tpu.memory_space<vmem>> -> memref<1x8x512xi32, #tpu.memory_space<vmem>>
    %dma_start3A_133 = tpu.memref_squeeze %dma_start3A_132 : memref<1x8x512xi32, #tpu.memory_space<vmem>> -> memref<8x512xi32, #tpu.memory_space<vmem>>
    %dma_start3A_134 = arith.constant 0 : i32
    %dma_start3A_135 = tpu.memref_slice %arg3[%select_n3A, %add3A_121, %dma_start3A_134] : memref<4x512x512xi32, #tpu.memory_space<hbm>> -> memref<1x8x512xi32, #tpu.memory_space<hbm>>
    %dma_start3A_136 = tpu.memref_squeeze %dma_start3A_135 : memref<1x8x512xi32, #tpu.memory_space<hbm>> -> memref<8x512xi32, #tpu.memory_space<hbm>>
    tpu.enqueue_dma source(%dma_start3A_136 : memref<8x512xi32, #tpu.memory_space<hbm>>) target(%dma_start3A_133 : memref<8x512xi32, #tpu.memory_space<vmem>>) target_semaphore(%arg9 : memref<!tpu.dma_semaphore, #tpu.memory_space<semaphore_mem>>)
    %add3A_137 = arith.constant 24 : i32
    %add3A_138 = arith.addi %mul3A_32, %add3A_137 : i32
    %dma_start3A_139 = arith.constant 3 : i32
    %dma_start3A_140 = arith.constant 0 : i32
    %dma_start3A_141 = arith.constant 0 : i32
    %dma_start3A_142 = tpu.memref_slice %arg5[%dma_start3A_139, %dma_start3A_140, %dma_start3A_141] : memref<8x8x512xf32, #tpu.memory_space<vmem>> -> memref<1x8x512xf32, #tpu.memory_space<vmem>>
    %dma_start3A_143 = tpu.memref_squeeze %dma_start3A_142 : memref<1x8x512xf32, #tpu.memory_space<vmem>> -> memref<8x512xf32, #tpu.memory_space<vmem>>
    %dma_start3A_144 = arith.constant 0 : i32
    %dma_start3A_145 = tpu.memref_slice %arg2[%select_n3A, %add3A_138, %dma_start3A_144] : memref<4x512x512xf32, #tpu.memory_space<hbm>> -> memref<1x8x512xf32, #tpu.memory_space<hbm>>
    %dma_start3A_146 = tpu.memref_squeeze %dma_start3A_145 : memref<1x8x512xf32, #tpu.memory_space<hbm>> -> memref<8x512xf32, #tpu.memory_space<hbm>>
    %dma_start3A_147 = arith.constant 0 : i32
    %dma_start3A_148 = arith.constant 0 : i32
    %dma_start3A_149 = tpu.memref_slice %arg5[%dma_start3A_139, %dma_start3A_147, %dma_start3A_148] : memref<8x8x512xf32, #tpu.memory_space<vmem>> -> memref<1x8x512xf32, #tpu.memory_space<vmem>>
    %dma_start3A_150 = tpu.memref_squeeze %dma_start3A_149 : memref<1x8x512xf32, #tpu.memory_space<vmem>> -> memref<8x512xf32, #tpu.memory_space<vmem>>
    %dma_start3A_151 = arith.constant 0 : i32
    %dma_start3A_152 = tpu.memref_slice %arg2[%select_n3A, %add3A_138, %dma_start3A_151] : memref<4x512x512xf32, #tpu.memory_space<hbm>> -> memref<1x8x512xf32, #tpu.memory_space<hbm>>
    %dma_start3A_153 = tpu.memref_squeeze %dma_start3A_152 : memref<1x8x512xf32, #tpu.memory_space<hbm>> -> memref<8x512xf32, #tpu.memory_space<hbm>>
    tpu.enqueue_dma source(%dma_start3A_153 : memref<8x512xf32, #tpu.memory_space<hbm>>) target(%dma_start3A_150 : memref<8x512xf32, #tpu.memory_space<vmem>>) target_semaphore(%arg10 : memref<!tpu.dma_semaphore, #tpu.memory_space<semaphore_mem>>)
    %add3A_154 = arith.constant 24 : i32
    %add3A_155 = arith.addi %mul3A_32, %add3A_154 : i32
    %dma_start3A_156 = arith.constant 3 : i32
    %dma_start3A_157 = arith.constant 0 : i32
    %dma_start3A_158 = arith.constant 0 : i32
    %dma_start3A_159 = tpu.memref_slice %arg6[%dma_start3A_156, %dma_start3A_157, %dma_start3A_158] : memref<8x8x512xi32, #tpu.memory_space<vmem>> -> memref<1x8x512xi32, #tpu.memory_space<vmem>>
    %dma_start3A_160 = tpu.memref_squeeze %dma_start3A_159 : memref<1x8x512xi32, #tpu.memory_space<vmem>> -> memref<8x512xi32, #tpu.memory_space<vmem>>
    %dma_start3A_161 = arith.constant 0 : i32
    %dma_start3A_162 = tpu.memref_slice %arg3[%select_n3A, %add3A_155, %dma_start3A_161] : memref<4x512x512xi32, #tpu.memory_space<hbm>> -> memref<1x8x512xi32, #tpu.memory_space<hbm>>
    %dma_start3A_163 = tpu.memref_squeeze %dma_start3A_162 : memref<1x8x512xi32, #tpu.memory_space<hbm>> -> memref<8x512xi32, #tpu.memory_space<hbm>>
    %dma_start3A_164 = arith.constant 0 : i32
    %dma_start3A_165 = arith.constant 0 : i32
    %dma_start3A_166 = tpu.memref_slice %arg6[%dma_start3A_156, %dma_start3A_164, %dma_start3A_165] : memref<8x8x512xi32, #tpu.memory_space<vmem>> -> memref<1x8x512xi32, #tpu.memory_space<vmem>>
    %dma_start3A_167 = tpu.memref_squeeze %dma_start3A_166 : memref<1x8x512xi32, #tpu.memory_space<vmem>> -> memref<8x512xi32, #tpu.memory_space<vmem>>
    %dma_start3A_168 = arith.constant 0 : i32
    %dma_start3A_169 = tpu.memref_slice %arg3[%select_n3A, %add3A_155, %dma_start3A_168] : memref<4x512x512xi32, #tpu.memory_space<hbm>> -> memref<1x8x512xi32, #tpu.memory_space<hbm>>
    %dma_start3A_170 = tpu.memref_squeeze %dma_start3A_169 : memref<1x8x512xi32, #tpu.memory_space<hbm>> -> memref<8x512xi32, #tpu.memory_space<hbm>>
    tpu.enqueue_dma source(%dma_start3A_170 : memref<8x512xi32, #tpu.memory_space<hbm>>) target(%dma_start3A_167 : memref<8x512xi32, #tpu.memory_space<vmem>>) target_semaphore(%arg10 : memref<!tpu.dma_semaphore, #tpu.memory_space<semaphore_mem>>)
    %add3A_171 = arith.constant 32 : i32
    %add3A_172 = arith.addi %mul3A_32, %add3A_171 : i32
    %dma_start3A_173 = arith.constant 4 : i32
    %dma_start3A_174 = arith.constant 0 : i32
    %dma_start3A_175 = arith.constant 0 : i32
    %dma_start3A_176 = tpu.memref_slice %arg5[%dma_start3A_173, %dma_start3A_174, %dma_start3A_175] : memref<8x8x512xf32, #tpu.memory_space<vmem>> -> memref<1x8x512xf32, #tpu.memory_space<vmem>>
    %dma_start3A_177 = tpu.memref_squeeze %dma_start3A_176 : memref<1x8x512xf32, #tpu.memory_space<vmem>> -> memref<8x512xf32, #tpu.memory_space<vmem>>
    %dma_start3A_178 = arith.constant 0 : i32
    %dma_start3A_179 = tpu.memref_slice %arg2[%select_n3A, %add3A_172, %dma_start3A_178] : memref<4x512x512xf32, #tpu.memory_space<hbm>> -> memref<1x8x512xf32, #tpu.memory_space<hbm>>
    %dma_start3A_180 = tpu.memref_squeeze %dma_start3A_179 : memref<1x8x512xf32, #tpu.memory_space<hbm>> -> memref<8x512xf32, #tpu.memory_space<hbm>>
    %dma_start3A_181 = arith.constant 0 : i32
    %dma_start3A_182 = arith.constant 0 : i32
    %dma_start3A_183 = tpu.memref_slice %arg5[%dma_start3A_173, %dma_start3A_181, %dma_start3A_182] : memref<8x8x512xf32, #tpu.memory_space<vmem>> -> memref<1x8x512xf32, #tpu.memory_space<vmem>>
    %dma_start3A_184 = tpu.memref_squeeze %dma_start3A_183 : memref<1x8x512xf32, #tpu.memory_space<vmem>> -> memref<8x512xf32, #tpu.memory_space<vmem>>
    %dma_start3A_185 = arith.constant 0 : i32
    %dma_start3A_186 = tpu.memref_slice %arg2[%select_n3A, %add3A_172, %dma_start3A_185] : memref<4x512x512xf32, #tpu.memory_space<hbm>> -> memref<1x8x512xf32, #tpu.memory_space<hbm>>
    %dma_start3A_187 = tpu.memref_squeeze %dma_start3A_186 : memref<1x8x512xf32, #tpu.memory_space<hbm>> -> memref<8x512xf32, #tpu.memory_space<hbm>>
    tpu.enqueue_dma source(%dma_start3A_187 : memref<8x512xf32, #tpu.memory_space<hbm>>) target(%dma_start3A_184 : memref<8x512xf32, #tpu.memory_space<vmem>>) target_semaphore(%arg11 : memref<!tpu.dma_semaphore, #tpu.memory_space<semaphore_mem>>)
    %add3A_188 = arith.constant 32 : i32
    %add3A_189 = arith.addi %mul3A_32, %add3A_188 : i32
    %dma_start3A_190 = arith.constant 4 : i32
    %dma_start3A_191 = arith.constant 0 : i32
    %dma_start3A_192 = arith.constant 0 : i32
    %dma_start3A_193 = tpu.memref_slice %arg6[%dma_start3A_190, %dma_start3A_191, %dma_start3A_192] : memref<8x8x512xi32, #tpu.memory_space<vmem>> -> memref<1x8x512xi32, #tpu.memory_space<vmem>>
    %dma_start3A_194 = tpu.memref_squeeze %dma_start3A_193 : memref<1x8x512xi32, #tpu.memory_space<vmem>> -> memref<8x512xi32, #tpu.memory_space<vmem>>
    %dma_start3A_195 = arith.constant 0 : i32
    %dma_start3A_196 = tpu.memref_slice %arg3[%select_n3A, %add3A_189, %dma_start3A_195] : memref<4x512x512xi32, #tpu.memory_space<hbm>> -> memref<1x8x512xi32, #tpu.memory_space<hbm>>
    %dma_start3A_197 = tpu.memref_squeeze %dma_start3A_196 : memref<1x8x512xi32, #tpu.memory_space<hbm>> -> memref<8x512xi32, #tpu.memory_space<hbm>>
    %dma_start3A_198 = arith.constant 0 : i32
    %dma_start3A_199 = arith.constant 0 : i32
    %dma_start3A_200 = tpu.memref_slice %arg6[%dma_start3A_190, %dma_start3A_198, %dma_start3A_199] : memref<8x8x512xi32, #tpu.memory_space<vmem>> -> memref<1x8x512xi32, #tpu.memory_space<vmem>>
    %dma_start3A_201 = tpu.memref_squeeze %dma_start3A_200 : memref<1x8x512xi32, #tpu.memory_space<vmem>> -> memref<8x512xi32, #tpu.memory_space<vmem>>
    %dma_start3A_202 = arith.constant 0 : i32
    %dma_start3A_203 = tpu.memref_slice %arg3[%select_n3A, %add3A_189, %dma_start3A_202] : memref<4x512x512xi32, #tpu.memory_space<hbm>> -> memref<1x8x512xi32, #tpu.memory_space<hbm>>
    %dma_start3A_204 = tpu.memref_squeeze %dma_start3A_203 : memref<1x8x512xi32, #tpu.memory_space<hbm>> -> memref<8x512xi32, #tpu.memory_space<hbm>>
    tpu.enqueue_dma source(%dma_start3A_204 : memref<8x512xi32, #tpu.memory_space<hbm>>) target(%dma_start3A_201 : memref<8x512xi32, #tpu.memory_space<vmem>>) target_semaphore(%arg11 : memref<!tpu.dma_semaphore, #tpu.memory_space<semaphore_mem>>)
    %add3A_205 = arith.constant 40 : i32
    %add3A_206 = arith.addi %mul3A_32, %add3A_205 : i32
    %dma_start3A_207 = arith.constant 5 : i32
    %dma_start3A_208 = arith.constant 0 : i32
    %dma_start3A_209 = arith.constant 0 : i32
    %dma_start3A_210 = tpu.memref_slice %arg5[%dma_start3A_207, %dma_start3A_208, %dma_start3A_209] : memref<8x8x512xf32, #tpu.memory_space<vmem>> -> memref<1x8x512xf32, #tpu.memory_space<vmem>>
    %dma_start3A_211 = tpu.memref_squeeze %dma_start3A_210 : memref<1x8x512xf32, #tpu.memory_space<vmem>> -> memref<8x512xf32, #tpu.memory_space<vmem>>
    %dma_start3A_212 = arith.constant 0 : i32
    %dma_start3A_213 = tpu.memref_slice %arg2[%select_n3A, %add3A_206, %dma_start3A_212] : memref<4x512x512xf32, #tpu.memory_space<hbm>> -> memref<1x8x512xf32, #tpu.memory_space<hbm>>
    %dma_start3A_214 = tpu.memref_squeeze %dma_start3A_213 : memref<1x8x512xf32, #tpu.memory_space<hbm>> -> memref<8x512xf32, #tpu.memory_space<hbm>>
    %dma_start3A_215 = arith.constant 0 : i32
    %dma_start3A_216 = arith.constant 0 : i32
    %dma_start3A_217 = tpu.memref_slice %arg5[%dma_start3A_207, %dma_start3A_215, %dma_start3A_216] : memref<8x8x512xf32, #tpu.memory_space<vmem>> -> memref<1x8x512xf32, #tpu.memory_space<vmem>>
    %dma_start3A_218 = tpu.memref_squeeze %dma_start3A_217 : memref<1x8x512xf32, #tpu.memory_space<vmem>> -> memref<8x512xf32, #tpu.memory_space<vmem>>
    %dma_start3A_219 = arith.constant 0 : i32
    %dma_start3A_220 = tpu.memref_slice %arg2[%select_n3A, %add3A_206, %dma_start3A_219] : memref<4x512x512xf32, #tpu.memory_space<hbm>> -> memref<1x8x512xf32, #tpu.memory_space<hbm>>
    %dma_start3A_221 = tpu.memref_squeeze %dma_start3A_220 : memref<1x8x512xf32, #tpu.memory_space<hbm>> -> memref<8x512xf32, #tpu.memory_space<hbm>>
    tpu.enqueue_dma source(%dma_start3A_221 : memref<8x512xf32, #tpu.memory_space<hbm>>) target(%dma_start3A_218 : memref<8x512xf32, #tpu.memory_space<vmem>>) target_semaphore(%arg12 : memref<!tpu.dma_semaphore, #tpu.memory_space<semaphore_mem>>)
    %add3A_222 = arith.constant 40 : i32
    %add3A_223 = arith.addi %mul3A_32, %add3A_222 : i32
    %dma_start3A_224 = arith.constant 5 : i32
    %dma_start3A_225 = arith.constant 0 : i32
    %dma_start3A_226 = arith.constant 0 : i32
    %dma_start3A_227 = tpu.memref_slice %arg6[%dma_start3A_224, %dma_start3A_225, %dma_start3A_226] : memref<8x8x512xi32, #tpu.memory_space<vmem>> -> memref<1x8x512xi32, #tpu.memory_space<vmem>>
    %dma_start3A_228 = tpu.memref_squeeze %dma_start3A_227 : memref<1x8x512xi32, #tpu.memory_space<vmem>> -> memref<8x512xi32, #tpu.memory_space<vmem>>
    %dma_start3A_229 = arith.constant 0 : i32
    %dma_start3A_230 = tpu.memref_slice %arg3[%select_n3A, %add3A_223, %dma_start3A_229] : memref<4x512x512xi32, #tpu.memory_space<hbm>> -> memref<1x8x512xi32, #tpu.memory_space<hbm>>
    %dma_start3A_231 = tpu.memref_squeeze %dma_start3A_230 : memref<1x8x512xi32, #tpu.memory_space<hbm>> -> memref<8x512xi32, #tpu.memory_space<hbm>>
    %dma_start3A_232 = arith.constant 0 : i32
    %dma_start3A_233 = arith.constant 0 : i32
    %dma_start3A_234 = tpu.memref_slice %arg6[%dma_start3A_224, %dma_start3A_232, %dma_start3A_233] : memref<8x8x512xi32, #tpu.memory_space<vmem>> -> memref<1x8x512xi32, #tpu.memory_space<vmem>>
    %dma_start3A_235 = tpu.memref_squeeze %dma_start3A_234 : memref<1x8x512xi32, #tpu.memory_space<vmem>> -> memref<8x512xi32, #tpu.memory_space<vmem>>
    %dma_start3A_236 = arith.constant 0 : i32
    %dma_start3A_237 = tpu.memref_slice %arg3[%select_n3A, %add3A_223, %dma_start3A_236] : memref<4x512x512xi32, #tpu.memory_space<hbm>> -> memref<1x8x512xi32, #tpu.memory_space<hbm>>
    %dma_start3A_238 = tpu.memref_squeeze %dma_start3A_237 : memref<1x8x512xi32, #tpu.memory_space<hbm>> -> memref<8x512xi32, #tpu.memory_space<hbm>>
    tpu.enqueue_dma source(%dma_start3A_238 : memref<8x512xi32, #tpu.memory_space<hbm>>) target(%dma_start3A_235 : memref<8x512xi32, #tpu.memory_space<vmem>>) target_semaphore(%arg12 : memref<!tpu.dma_semaphore, #tpu.memory_space<semaphore_mem>>)
    %add3A_239 = arith.constant 48 : i32
    %add3A_240 = arith.addi %mul3A_32, %add3A_239 : i32
    %dma_start3A_241 = arith.constant 6 : i32
    %dma_start3A_242 = arith.constant 0 : i32
    %dma_start3A_243 = arith.constant 0 : i32
    %dma_start3A_244 = tpu.memref_slice %arg5[%dma_start3A_241, %dma_start3A_242, %dma_start3A_243] : memref<8x8x512xf32, #tpu.memory_space<vmem>> -> memref<1x8x512xf32, #tpu.memory_space<vmem>>
    %dma_start3A_245 = tpu.memref_squeeze %dma_start3A_244 : memref<1x8x512xf32, #tpu.memory_space<vmem>> -> memref<8x512xf32, #tpu.memory_space<vmem>>
    %dma_start3A_246 = arith.constant 0 : i32
    %dma_start3A_247 = tpu.memref_slice %arg2[%select_n3A, %add3A_240, %dma_start3A_246] : memref<4x512x512xf32, #tpu.memory_space<hbm>> -> memref<1x8x512xf32, #tpu.memory_space<hbm>>
    %dma_start3A_248 = tpu.memref_squeeze %dma_start3A_247 : memref<1x8x512xf32, #tpu.memory_space<hbm>> -> memref<8x512xf32, #tpu.memory_space<hbm>>
    %dma_start3A_249 = arith.constant 0 : i32
    %dma_start3A_250 = arith.constant 0 : i32
    %dma_start3A_251 = tpu.memref_slice %arg5[%dma_start3A_241, %dma_start3A_249, %dma_start3A_250] : memref<8x8x512xf32, #tpu.memory_space<vmem>> -> memref<1x8x512xf32, #tpu.memory_space<vmem>>
    %dma_start3A_252 = tpu.memref_squeeze %dma_start3A_251 : memref<1x8x512xf32, #tpu.memory_space<vmem>> -> memref<8x512xf32, #tpu.memory_space<vmem>>
    %dma_start3A_253 = arith.constant 0 : i32
    %dma_start3A_254 = tpu.memref_slice %arg2[%select_n3A, %add3A_240, %dma_start3A_253] : memref<4x512x512xf32, #tpu.memory_space<hbm>> -> memref<1x8x512xf32, #tpu.memory_space<hbm>>
    %dma_start3A_255 = tpu.memref_squeeze %dma_start3A_254 : memref<1x8x512xf32, #tpu.memory_space<hbm>> -> memref<8x512xf32, #tpu.memory_space<hbm>>
    tpu.enqueue_dma source(%dma_start3A_255 : memref<8x512xf32, #tpu.memory_space<hbm>>) target(%dma_start3A_252 : memref<8x512xf32, #tpu.memory_space<vmem>>) target_semaphore(%arg13 : memref<!tpu.dma_semaphore, #tpu.memory_space<semaphore_mem>>)
    %add3A_256 = arith.constant 48 : i32
    %add3A_257 = arith.addi %mul3A_32, %add3A_256 : i32
    %dma_start3A_258 = arith.constant 6 : i32
    %dma_start3A_259 = arith.constant 0 : i32
    %dma_start3A_260 = arith.constant 0 : i32
    %dma_start3A_261 = tpu.memref_slice %arg6[%dma_start3A_258, %dma_start3A_259, %dma_start3A_260] : memref<8x8x512xi32, #tpu.memory_space<vmem>> -> memref<1x8x512xi32, #tpu.memory_space<vmem>>
    %dma_start3A_262 = tpu.memref_squeeze %dma_start3A_261 : memref<1x8x512xi32, #tpu.memory_space<vmem>> -> memref<8x512xi32, #tpu.memory_space<vmem>>
    %dma_start3A_263 = arith.constant 0 : i32
    %dma_start3A_264 = tpu.memref_slice %arg3[%select_n3A, %add3A_257, %dma_start3A_263] : memref<4x512x512xi32, #tpu.memory_space<hbm>> -> memref<1x8x512xi32, #tpu.memory_space<hbm>>
    %dma_start3A_265 = tpu.memref_squeeze %dma_start3A_264 : memref<1x8x512xi32, #tpu.memory_space<hbm>> -> memref<8x512xi32, #tpu.memory_space<hbm>>
    %dma_start3A_266 = arith.constant 0 : i32
    %dma_start3A_267 = arith.constant 0 : i32
    %dma_start3A_268 = tpu.memref_slice %arg6[%dma_start3A_258, %dma_start3A_266, %dma_start3A_267] : memref<8x8x512xi32, #tpu.memory_space<vmem>> -> memref<1x8x512xi32, #tpu.memory_space<vmem>>
    %dma_start3A_269 = tpu.memref_squeeze %dma_start3A_268 : memref<1x8x512xi32, #tpu.memory_space<vmem>> -> memref<8x512xi32, #tpu.memory_space<vmem>>
    %dma_start3A_270 = arith.constant 0 : i32
    %dma_start3A_271 = tpu.memref_slice %arg3[%select_n3A, %add3A_257, %dma_start3A_270] : memref<4x512x512xi32, #tpu.memory_space<hbm>> -> memref<1x8x512xi32, #tpu.memory_space<hbm>>
    %dma_start3A_272 = tpu.memref_squeeze %dma_start3A_271 : memref<1x8x512xi32, #tpu.memory_space<hbm>> -> memref<8x512xi32, #tpu.memory_space<hbm>>
    tpu.enqueue_dma source(%dma_start3A_272 : memref<8x512xi32, #tpu.memory_space<hbm>>) target(%dma_start3A_269 : memref<8x512xi32, #tpu.memory_space<vmem>>) target_semaphore(%arg13 : memref<!tpu.dma_semaphore, #tpu.memory_space<semaphore_mem>>)
    %add3A_273 = arith.constant 56 : i32
    %add3A_274 = arith.addi %mul3A_32, %add3A_273 : i32
    %dma_start3A_275 = arith.constant 7 : i32
    %dma_start3A_276 = arith.constant 0 : i32
    %dma_start3A_277 = arith.constant 0 : i32
    %dma_start3A_278 = tpu.memref_slice %arg5[%dma_start3A_275, %dma_start3A_276, %dma_start3A_277] : memref<8x8x512xf32, #tpu.memory_space<vmem>> -> memref<1x8x512xf32, #tpu.memory_space<vmem>>
    %dma_start3A_279 = tpu.memref_squeeze %dma_start3A_278 : memref<1x8x512xf32, #tpu.memory_space<vmem>> -> memref<8x512xf32, #tpu.memory_space<vmem>>
    %dma_start3A_280 = arith.constant 0 : i32
    %dma_start3A_281 = tpu.memref_slice %arg2[%select_n3A, %add3A_274, %dma_start3A_280] : memref<4x512x512xf32, #tpu.memory_space<hbm>> -> memref<1x8x512xf32, #tpu.memory_space<hbm>>
    %dma_start3A_282 = tpu.memref_squeeze %dma_start3A_281 : memref<1x8x512xf32, #tpu.memory_space<hbm>> -> memref<8x512xf32, #tpu.memory_space<hbm>>
    %dma_start3A_283 = arith.constant 0 : i32
    %dma_start3A_284 = arith.constant 0 : i32
    %dma_start3A_285 = tpu.memref_slice %arg5[%dma_start3A_275, %dma_start3A_283, %dma_start3A_284] : memref<8x8x512xf32, #tpu.memory_space<vmem>> -> memref<1x8x512xf32, #tpu.memory_space<vmem>>
    %dma_start3A_286 = tpu.memref_squeeze %dma_start3A_285 : memref<1x8x512xf32, #tpu.memory_space<vmem>> -> memref<8x512xf32, #tpu.memory_space<vmem>>
    %dma_start3A_287 = arith.constant 0 : i32
    %dma_start3A_288 = tpu.memref_slice %arg2[%select_n3A, %add3A_274, %dma_start3A_287] : memref<4x512x512xf32, #tpu.memory_space<hbm>> -> memref<1x8x512xf32, #tpu.memory_space<hbm>>
    %dma_start3A_289 = tpu.memref_squeeze %dma_start3A_288 : memref<1x8x512xf32, #tpu.memory_space<hbm>> -> memref<8x512xf32, #tpu.memory_space<hbm>>
    tpu.enqueue_dma source(%dma_start3A_289 : memref<8x512xf32, #tpu.memory_space<hbm>>) target(%dma_start3A_286 : memref<8x512xf32, #tpu.memory_space<vmem>>) target_semaphore(%arg14 : memref<!tpu.dma_semaphore, #tpu.memory_space<semaphore_mem>>)
    %add3A_290 = arith.constant 56 : i32
    %add3A_291 = arith.addi %mul3A_32, %add3A_290 : i32
    %dma_start3A_292 = arith.constant 7 : i32
    %dma_start3A_293 = arith.constant 0 : i32
    %dma_start3A_294 = arith.constant 0 : i32
    %dma_start3A_295 = tpu.memref_slice %arg6[%dma_start3A_292, %dma_start3A_293, %dma_start3A_294] : memref<8x8x512xi32, #tpu.memory_space<vmem>> -> memref<1x8x512xi32, #tpu.memory_space<vmem>>
    %dma_start3A_296 = tpu.memref_squeeze %dma_start3A_295 : memref<1x8x512xi32, #tpu.memory_space<vmem>> -> memref<8x512xi32, #tpu.memory_space<vmem>>
    %dma_start3A_297 = arith.constant 0 : i32
    %dma_start3A_298 = tpu.memref_slice %arg3[%select_n3A, %add3A_291, %dma_start3A_297] : memref<4x512x512xi32, #tpu.memory_space<hbm>> -> memref<1x8x512xi32, #tpu.memory_space<hbm>>
    %dma_start3A_299 = tpu.memref_squeeze %dma_start3A_298 : memref<1x8x512xi32, #tpu.memory_space<hbm>> -> memref<8x512xi32, #tpu.memory_space<hbm>>
    %dma_start3A_300 = arith.constant 0 : i32
    %dma_start3A_301 = arith.constant 0 : i32
    %dma_start3A_302 = tpu.memref_slice %arg6[%dma_start3A_292, %dma_start3A_300, %dma_start3A_301] : memref<8x8x512xi32, #tpu.memory_space<vmem>> -> memref<1x8x512xi32, #tpu.memory_space<vmem>>
    %dma_start3A_303 = tpu.memref_squeeze %dma_start3A_302 : memref<1x8x512xi32, #tpu.memory_space<vmem>> -> memref<8x512xi32, #tpu.memory_space<vmem>>
    %dma_start3A_304 = arith.constant 0 : i32
    %dma_start3A_305 = tpu.memref_slice %arg3[%select_n3A, %add3A_291, %dma_start3A_304] : memref<4x512x512xi32, #tpu.memory_space<hbm>> -> memref<1x8x512xi32, #tpu.memory_space<hbm>>
    %dma_start3A_306 = tpu.memref_squeeze %dma_start3A_305 : memref<1x8x512xi32, #tpu.memory_space<hbm>> -> memref<8x512xi32, #tpu.memory_space<hbm>>
    tpu.enqueue_dma source(%dma_start3A_306 : memref<8x512xi32, #tpu.memory_space<hbm>>) target(%dma_start3A_303 : memref<8x512xi32, #tpu.memory_space<vmem>>) target_semaphore(%arg14 : memref<!tpu.dma_semaphore, #tpu.memory_space<semaphore_mem>>)
    %dma_wait3A = arith.constant 0 : i32
    %dma_wait3A_307 = arith.constant 0 : i32
    %dma_wait3A_308 = arith.constant 0 : i32
    %dma_wait3A_309 = tpu.memref_slice %arg5[%dma_wait3A, %dma_wait3A_307, %dma_wait3A_308] : memref<8x8x512xf32, #tpu.memory_space<vmem>> -> memref<1x8x512xf32, #tpu.memory_space<vmem>>
    %dma_wait3A_310 = tpu.memref_squeeze %dma_wait3A_309 : memref<1x8x512xf32, #tpu.memory_space<vmem>> -> memref<8x512xf32, #tpu.memory_space<vmem>>
    %dma_wait3A_311 = arith.constant 0 : i32
    %dma_wait3A_312 = tpu.memref_slice %arg2[%select_n3A, %add3A_37, %dma_wait3A_311] : memref<4x512x512xf32, #tpu.memory_space<hbm>> -> memref<1x8x512xf32, #tpu.memory_space<hbm>>
    %dma_wait3A_313 = tpu.memref_squeeze %dma_wait3A_312 : memref<1x8x512xf32, #tpu.memory_space<hbm>> -> memref<8x512xf32, #tpu.memory_space<hbm>>
    %dma_wait3A_314 = arith.constant 0 : i32
    %dma_wait3A_315 = arith.constant 0 : i32
    %dma_wait3A_316 = tpu.memref_slice %arg5[%dma_wait3A, %dma_wait3A_314, %dma_wait3A_315] : memref<8x8x512xf32, #tpu.memory_space<vmem>> -> memref<1x8x512xf32, #tpu.memory_space<vmem>>
    %dma_wait3A_317 = tpu.memref_squeeze %dma_wait3A_316 : memref<1x8x512xf32, #tpu.memory_space<vmem>> -> memref<8x512xf32, #tpu.memory_space<vmem>>
    %dma_wait3A_318 = arith.constant 0 : i32
    %dma_wait3A_319 = tpu.memref_slice %arg2[%select_n3A, %add3A_37, %dma_wait3A_318] : memref<4x512x512xf32, #tpu.memory_space<hbm>> -> memref<1x8x512xf32, #tpu.memory_space<hbm>>
    %dma_wait3A_320 = tpu.memref_squeeze %dma_wait3A_319 : memref<1x8x512xf32, #tpu.memory_space<hbm>> -> memref<8x512xf32, #tpu.memory_space<hbm>>
    tpu.wait_dma2 semaphore(%arg7 : memref<!tpu.dma_semaphore, #tpu.memory_space<semaphore_mem>>) src(%dma_wait3A_320 : memref<8x512xf32, #tpu.memory_space<hbm>>) dst(%dma_wait3A_317 : memref<8x512xf32, #tpu.memory_space<vmem>>)
    %dma_wait3A_321 = arith.constant 0 : i32
    %dma_wait3A_322 = arith.constant 0 : i32
    %dma_wait3A_323 = arith.constant 0 : i32
    %dma_wait3A_324 = tpu.memref_slice %arg6[%dma_wait3A_321, %dma_wait3A_322, %dma_wait3A_323] : memref<8x8x512xi32, #tpu.memory_space<vmem>> -> memref<1x8x512xi32, #tpu.memory_space<vmem>>
    %dma_wait3A_325 = tpu.memref_squeeze %dma_wait3A_324 : memref<1x8x512xi32, #tpu.memory_space<vmem>> -> memref<8x512xi32, #tpu.memory_space<vmem>>
    %dma_wait3A_326 = arith.constant 0 : i32
    %dma_wait3A_327 = tpu.memref_slice %arg3[%select_n3A, %add3A_53, %dma_wait3A_326] : memref<4x512x512xi32, #tpu.memory_space<hbm>> -> memref<1x8x512xi32, #tpu.memory_space<hbm>>
    %dma_wait3A_328 = tpu.memref_squeeze %dma_wait3A_327 : memref<1x8x512xi32, #tpu.memory_space<hbm>> -> memref<8x512xi32, #tpu.memory_space<hbm>>
    %dma_wait3A_329 = arith.constant 0 : i32
    %dma_wait3A_330 = arith.constant 0 : i32
    %dma_wait3A_331 = tpu.memref_slice %arg6[%dma_wait3A_321, %dma_wait3A_329, %dma_wait3A_330] : memref<8x8x512xi32, #tpu.memory_space<vmem>> -> memref<1x8x512xi32, #tpu.memory_space<vmem>>
    %dma_wait3A_332 = tpu.memref_squeeze %dma_wait3A_331 : memref<1x8x512xi32, #tpu.memory_space<vmem>> -> memref<8x512xi32, #tpu.memory_space<vmem>>
    %dma_wait3A_333 = arith.constant 0 : i32
    %dma_wait3A_334 = tpu.memref_slice %arg3[%select_n3A, %add3A_53, %dma_wait3A_333] : memref<4x512x512xi32, #tpu.memory_space<hbm>> -> memref<1x8x512xi32, #tpu.memory_space<hbm>>
    %dma_wait3A_335 = tpu.memref_squeeze %dma_wait3A_334 : memref<1x8x512xi32, #tpu.memory_space<hbm>> -> memref<8x512xi32, #tpu.memory_space<hbm>>
    tpu.wait_dma2 semaphore(%arg7 : memref<!tpu.dma_semaphore, #tpu.memory_space<semaphore_mem>>) src(%dma_wait3A_335 : memref<8x512xi32, #tpu.memory_space<hbm>>) dst(%dma_wait3A_332 : memref<8x512xi32, #tpu.memory_space<vmem>>)
    %parallel_loop3A = arith.constant 0 : i32
    %parallel_loop3A_336 = arith.constant 4096 : i32
    %parallel_loop3A_337 = arith.constant 16 : i32
    scf.for %parallel_loop3A_825 = %parallel_loop3A to %parallel_loop3A_336 step %parallel_loop3A_337  : i32 {
      %parallel_loop3A_826 = arith.constant 512 : i32
      %parallel_loop3A_827 = arith.divsi %parallel_loop3A_825, %parallel_loop3A_826 : i32
      %parallel_loop3A_828 = arith.constant 0 : i32
      %parallel_loop3A_829 = arith.cmpi sgt, %parallel_loop3A_825, %parallel_loop3A_828 : i32
      %parallel_loop3A_830 = arith.extui %parallel_loop3A_829 : i1 to i32
      %parallel_loop3A_831 = arith.constant 0 : i32
      %parallel_loop3A_832 = arith.cmpi slt, %parallel_loop3A_825, %parallel_loop3A_831 : i32
      %parallel_loop3A_833 = arith.extui %parallel_loop3A_832 : i1 to i32
      %parallel_loop3A_834 = arith.subi %parallel_loop3A_830, %parallel_loop3A_833 : i32
      %parallel_loop3A_835 = arith.constant 0 : i32
      %parallel_loop3A_836 = arith.cmpi sgt, %parallel_loop3A_826, %parallel_loop3A_835 : i32
      %parallel_loop3A_837 = arith.extui %parallel_loop3A_836 : i1 to i32
      %parallel_loop3A_838 = arith.constant 0 : i32
      %parallel_loop3A_839 = arith.cmpi slt, %parallel_loop3A_826, %parallel_loop3A_838 : i32
      %parallel_loop3A_840 = arith.extui %parallel_loop3A_839 : i1 to i32
      %parallel_loop3A_841 = arith.subi %parallel_loop3A_837, %parallel_loop3A_840 : i32
      %parallel_loop3A_842 = arith.cmpi ne, %parallel_loop3A_834, %parallel_loop3A_841 : i32
      %parallel_loop3A_843 = arith.remsi %parallel_loop3A_825, %parallel_loop3A_826 : i32
      %parallel_loop3A_844 = arith.constant 0 : i32
      %parallel_loop3A_845 = arith.cmpi ne, %parallel_loop3A_843, %parallel_loop3A_844 : i32
      %parallel_loop3A_846 = arith.andi %parallel_loop3A_842, %parallel_loop3A_845 : i1
      %parallel_loop3A_847 = arith.constant 1 : i32
      %parallel_loop3A_848 = arith.subi %parallel_loop3A_827, %parallel_loop3A_847 : i32
      %parallel_loop3A_849 = arith.select %parallel_loop3A_846, %parallel_loop3A_848, %parallel_loop3A_827 : i32
      %parallel_loop3A_850 = arith.constant 512 : i32
      %parallel_loop3A_851 = arith.constant 0 : i32
      %parallel_loop3A_852 = arith.cmpi eq, %parallel_loop3A_850, %parallel_loop3A_851 : i32
      %parallel_loop3A_853 = arith.constant 1 : i32
      %parallel_loop3A_854 = arith.select %parallel_loop3A_852, %parallel_loop3A_853, %parallel_loop3A_850 : i32
      %parallel_loop3A_855 = arith.remsi %parallel_loop3A_825, %parallel_loop3A_854 : i32
      %parallel_loop3A_856 = arith.constant 0 : i32
      %parallel_loop3A_857 = arith.cmpi ne, %parallel_loop3A_855, %parallel_loop3A_856 : i32
      %parallel_loop3A_858 = arith.constant 0 : i32
      %parallel_loop3A_859 = arith.cmpi slt, %parallel_loop3A_855, %parallel_loop3A_858 : i32
      %parallel_loop3A_860 = arith.constant 0 : i32
      %parallel_loop3A_861 = arith.cmpi slt, %parallel_loop3A_854, %parallel_loop3A_860 : i32
      %parallel_loop3A_862 = arith.xori %parallel_loop3A_859, %parallel_loop3A_861 : i1
      %parallel_loop3A_863 = arith.andi %parallel_loop3A_862, %parallel_loop3A_857 : i1
      %parallel_loop3A_864 = arith.addi %parallel_loop3A_855, %parallel_loop3A_854 : i32
      %parallel_loop3A_865 = arith.select %parallel_loop3A_863, %parallel_loop3A_864, %parallel_loop3A_855 : i32
      %parallel_loop3A_866 = arith.constant 0 : i32
      %parallel_loop3A_867 = arith.index_cast %parallel_loop3A_866 : i32 to index
      %parallel_loop3A_868 = arith.index_cast %parallel_loop3A_849 : i32 to index
      %parallel_loop3A_869 = arith.index_cast %parallel_loop3A_865 : i32 to index
      %parallel_loop3A_870 = tpu.vector_load %arg6[%parallel_loop3A_867, %parallel_loop3A_868, %parallel_loop3A_869] {strides = array<i32>} : memref<8x8x512xi32, #tpu.memory_space<vmem>>, vector<1x1x16xi32>,
      %parallel_loop3A_871 = vector.shape_cast %parallel_loop3A_870 : vector<1x1x16xi32> to vector<16xi32>
      %parallel_loop3A_872 = arith.constant 32 : i32
      %parallel_loop3A_873 = vector.broadcast %parallel_loop3A_872 : i32 to vector<16xi32>
      %parallel_loop3A_874 = arith.cmpi slt, %parallel_loop3A_871, %parallel_loop3A_873 : vector<16xi32>
      %parallel_loop3A_875 = arith.select %parallel_loop3A_874, %broadcast_in_dim3A_33, %broadcast_in_dim3A_35 : vector<16xi1>, vector<16xi32>
      %parallel_loop3A_876 = arith.constant 31 : i32
      %parallel_loop3A_877 = vector.broadcast %parallel_loop3A_876 : i32 to vector<16xi32>
      %parallel_loop3A_878 = arith.andi %parallel_loop3A_871, %parallel_loop3A_877 : vector<16xi32>
      %parallel_loop3A_879 = arith.shrsi %parallel_loop3A_875, %parallel_loop3A_878 : vector<16xi32>
      %parallel_loop3A_880 = arith.constant 1 : i32
      %parallel_loop3A_881 = vector.broadcast %parallel_loop3A_880 : i32 to vector<16xi32>
      %parallel_loop3A_882 = arith.andi %parallel_loop3A_879, %parallel_loop3A_881 : vector<16xi32>
      %parallel_loop3A_883 = arith.constant 0 : i32
      %parallel_loop3A_884 = arith.index_cast %parallel_loop3A_883 : i32 to index
      %parallel_loop3A_885 = arith.index_cast %parallel_loop3A_849 : i32 to index
      %parallel_loop3A_886 = arith.index_cast %parallel_loop3A_865 : i32 to index
      %parallel_loop3A_887 = tpu.vector_load %arg5[%parallel_loop3A_884, %parallel_loop3A_885, %parallel_loop3A_886] {strides = array<i32>} : memref<8x8x512xf32, #tpu.memory_space<vmem>>, vector<1x1x16xf32>,
      %parallel_loop3A_888 = vector.shape_cast %parallel_loop3A_887 : vector<1x1x16xf32> to vector<16xf32>
      %parallel_loop3A_889 = arith.constant 1 : i32
      %parallel_loop3A_890 = vector.broadcast %parallel_loop3A_889 : i32 to vector<16xi32>
      %parallel_loop3A_891 = arith.cmpi eq, %parallel_loop3A_882, %parallel_loop3A_890 : vector<16xi32>
      %parallel_loop3A_892 = arith.constant 0.000000e+00 : f32
      %parallel_loop3A_893 = vector.broadcast %parallel_loop3A_892 : f32 to vector<16xf32>
      %parallel_loop3A_894 = arith.select %parallel_loop3A_891, %parallel_loop3A_888, %parallel_loop3A_893 : vector<16xi1>, vector<16xf32>
      %parallel_loop3A_895 = arith.constant 0 : i32
      %parallel_loop3A_896 = arith.index_cast %parallel_loop3A_895 : i32 to index
      %parallel_loop3A_897 = arith.index_cast %parallel_loop3A_849 : i32 to index
      %parallel_loop3A_898 = arith.index_cast %parallel_loop3A_865 : i32 to index
      %parallel_loop3A_899 = tpu.vector_load %arg5[%parallel_loop3A_896, %parallel_loop3A_897, %parallel_loop3A_898] {strides = array<i32>} : memref<8x8x512xf32, #tpu.memory_space<vmem>>, vector<1x1x16xf32>,
      %parallel_loop3A_900 = vector.shape_cast %parallel_loop3A_899 : vector<1x1x16xf32> to vector<16xf32>
      %parallel_loop3A_901 = vector.shape_cast %parallel_loop3A_894 : vector<16xf32> to vector<1x1x16xf32>
      tpu.vector_store %arg5[%parallel_loop3A_896, %parallel_loop3A_897, %parallel_loop3A_898], %parallel_loop3A_901 {strides = array<i32>} : memref<8x8x512xf32, #tpu.memory_space<vmem>>, vector<1x1x16xf32>,
    } {sc.loop_unroll_factor = 8 : i64, sc.parallel_access}
    %add3A_338 = arith.constant 0 : i32
    %add3A_339 = arith.addi %mul3A_32, %add3A_338 : i32
    %dma_start3A_340 = arith.constant 0 : i32
    %dma_start3A_341 = arith.constant 0 : i32
    %dma_start3A_342 = arith.constant 0 : i32
    %dma_start3A_343 = tpu.memref_slice %arg5[%dma_start3A_340, %dma_start3A_341, %dma_start3A_342] : memref<8x8x512xf32, #tpu.memory_space<vmem>> -> memref<1x8x512xf32, #tpu.memory_space<vmem>>
    %dma_start3A_344 = tpu.memref_squeeze %dma_start3A_343 : memref<1x8x512xf32, #tpu.memory_space<vmem>> -> memref<8x512xf32, #tpu.memory_space<vmem>>
    %dma_start3A_345 = arith.constant 0 : i32
    %dma_start3A_346 = tpu.memref_slice %arg4[%select_n3A, %add3A_339, %dma_start3A_345] : memref<4x512x512xf32, #tpu.memory_space<hbm>> -> memref<1x8x512xf32, #tpu.memory_space<hbm>>
    %dma_start3A_347 = tpu.memref_squeeze %dma_start3A_346 : memref<1x8x512xf32, #tpu.memory_space<hbm>> -> memref<8x512xf32, #tpu.memory_space<hbm>>
    %dma_start3A_348 = arith.constant 0 : i32
    %dma_start3A_349 = tpu.memref_slice %arg4[%select_n3A, %add3A_339, %dma_start3A_348] : memref<4x512x512xf32, #tpu.memory_space<hbm>> -> memref<1x8x512xf32, #tpu.memory_space<hbm>>
    %dma_start3A_350 = tpu.memref_squeeze %dma_start3A_349 : memref<1x8x512xf32, #tpu.memory_space<hbm>> -> memref<8x512xf32, #tpu.memory_space<hbm>>
    %dma_start3A_351 = arith.constant 0 : i32
    %dma_start3A_352 = arith.constant 0 : i32
    %dma_start3A_353 = tpu.memref_slice %arg5[%dma_start3A_340, %dma_start3A_351, %dma_start3A_352] : memref<8x8x512xf32, #tpu.memory_space<vmem>> -> memref<1x8x512xf32, #tpu.memory_space<vmem>>
    %dma_start3A_354 = tpu.memref_squeeze %dma_start3A_353 : memref<1x8x512xf32, #tpu.memory_space<vmem>> -> memref<8x512xf32, #tpu.memory_space<vmem>>
    tpu.enqueue_dma source(%dma_start3A_354 : memref<8x512xf32, #tpu.memory_space<vmem>>) target(%dma_start3A_350 : memref<8x512xf32, #tpu.memory_space<hbm>>) target_semaphore(%arg15 : memref<!tpu.dma_semaphore, #tpu.memory_space<semaphore_mem>>)
    %dma_wait3A_355 = arith.constant 1 : i32
    %dma_wait3A_356 = arith.constant 0 : i32
    %dma_wait3A_357 = arith.constant 0 : i32
    %dma_wait3A_358 = tpu.memref_slice %arg5[%dma_wait3A_355, %dma_wait3A_356, %dma_wait3A_357] : memref<8x8x512xf32, #tpu.memory_space<vmem>> -> memref<1x8x512xf32, #tpu.memory_space<vmem>>
    %dma_wait3A_359 = tpu.memref_squeeze %dma_wait3A_358 : memref<1x8x512xf32, #tpu.memory_space<vmem>> -> memref<8x512xf32, #tpu.memory_space<vmem>>
    %dma_wait3A_360 = arith.constant 0 : i32
    %dma_wait3A_361 = tpu.memref_slice %arg2[%select_n3A, %add3A_70, %dma_wait3A_360] : memref<4x512x512xf32, #tpu.memory_space<hbm>> -> memref<1x8x512xf32, #tpu.memory_space<hbm>>
    %dma_wait3A_362 = tpu.memref_squeeze %dma_wait3A_361 : memref<1x8x512xf32, #tpu.memory_space<hbm>> -> memref<8x512xf32, #tpu.memory_space<hbm>>
    %dma_wait3A_363 = arith.constant 0 : i32
    %dma_wait3A_364 = arith.constant 0 : i32
    %dma_wait3A_365 = tpu.memref_slice %arg5[%dma_wait3A_355, %dma_wait3A_363, %dma_wait3A_364] : memref<8x8x512xf32, #tpu.memory_space<vmem>> -> memref<1x8x512xf32, #tpu.memory_space<vmem>>
    %dma_wait3A_366 = tpu.memref_squeeze %dma_wait3A_365 : memref<1x8x512xf32, #tpu.memory_space<vmem>> -> memref<8x512xf32, #tpu.memory_space<vmem>>
    %dma_wait3A_367 = arith.constant 0 : i32
    %dma_wait3A_368 = tpu.memref_slice %arg2[%select_n3A, %add3A_70, %dma_wait3A_367] : memref<4x512x512xf32, #tpu.memory_space<hbm>> -> memref<1x8x512xf32, #tpu.memory_space<hbm>>
    %dma_wait3A_369 = tpu.memref_squeeze %dma_wait3A_368 : memref<1x8x512xf32, #tpu.memory_space<hbm>> -> memref<8x512xf32, #tpu.memory_space<hbm>>
    tpu.wait_dma2 semaphore(%arg8 : memref<!tpu.dma_semaphore, #tpu.memory_space<semaphore_mem>>) src(%dma_wait3A_369 : memref<8x512xf32, #tpu.memory_space<hbm>>) dst(%dma_wait3A_366 : memref<8x512xf32, #tpu.memory_space<vmem>>)
    %dma_wait3A_370 = arith.constant 1 : i32
    %dma_wait3A_371 = arith.constant 0 : i32
    %dma_wait3A_372 = arith.constant 0 : i32
    %dma_wait3A_373 = tpu.memref_slice %arg6[%dma_wait3A_370, %dma_wait3A_371, %dma_wait3A_372] : memref<8x8x512xi32, #tpu.memory_space<vmem>> -> memref<1x8x512xi32, #tpu.memory_space<vmem>>
    %dma_wait3A_374 = tpu.memref_squeeze %dma_wait3A_373 : memref<1x8x512xi32, #tpu.memory_space<vmem>> -> memref<8x512xi32, #tpu.memory_space<vmem>>
    %dma_wait3A_375 = arith.constant 0 : i32
    %dma_wait3A_376 = tpu.memref_slice %arg3[%select_n3A, %add3A_87, %dma_wait3A_375] : memref<4x512x512xi32, #tpu.memory_space<hbm>> -> memref<1x8x512xi32, #tpu.memory_space<hbm>>
    %dma_wait3A_377 = tpu.memref_squeeze %dma_wait3A_376 : memref<1x8x512xi32, #tpu.memory_space<hbm>> -> memref<8x512xi32, #tpu.memory_space<hbm>>
    %dma_wait3A_378 = arith.constant 0 : i32
    %dma_wait3A_379 = arith.constant 0 : i32
    %dma_wait3A_380 = tpu.memref_slice %arg6[%dma_wait3A_370, %dma_wait3A_378, %dma_wait3A_379] : memref<8x8x512xi32, #tpu.memory_space<vmem>> -> memref<1x8x512xi32, #tpu.memory_space<vmem>>
    %dma_wait3A_381 = tpu.memref_squeeze %dma_wait3A_380 : memref<1x8x512xi32, #tpu.memory_space<vmem>> -> memref<8x512xi32, #tpu.memory_space<vmem>>
    %dma_wait3A_382 = arith.constant 0 : i32
    %dma_wait3A_383 = tpu.memref_slice %arg3[%select_n3A, %add3A_87, %dma_wait3A_382] : memref<4x512x512xi32, #tpu.memory_space<hbm>> -> memref<1x8x512xi32, #tpu.memory_space<hbm>>
    %dma_wait3A_384 = tpu.memref_squeeze %dma_wait3A_383 : memref<1x8x512xi32, #tpu.memory_space<hbm>> -> memref<8x512xi32, #tpu.memory_space<hbm>>
    tpu.wait_dma2 semaphore(%arg8 : memref<!tpu.dma_semaphore, #tpu.memory_space<semaphore_mem>>) src(%dma_wait3A_384 : memref<8x512xi32, #tpu.memory_space<hbm>>) dst(%dma_wait3A_381 : memref<8x512xi32, #tpu.memory_space<vmem>>)
    %parallel_loop3A_385 = arith.constant 0 : i32
    %parallel_loop3A_386 = arith.constant 4096 : i32
    %parallel_loop3A_387 = arith.constant 16 : i32
    scf.for %parallel_loop3A_825 = %parallel_loop3A_385 to %parallel_loop3A_386 step %parallel_loop3A_387  : i32 {
      %parallel_loop3A_826 = arith.constant 512 : i32
      %parallel_loop3A_827 = arith.divsi %parallel_loop3A_825, %parallel_loop3A_826 : i32
      %parallel_loop3A_828 = arith.constant 0 : i32
      %parallel_loop3A_829 = arith.cmpi sgt, %parallel_loop3A_825, %parallel_loop3A_828 : i32
      %parallel_loop3A_830 = arith.extui %parallel_loop3A_829 : i1 to i32
      %parallel_loop3A_831 = arith.constant 0 : i32
      %parallel_loop3A_832 = arith.cmpi slt, %parallel_loop3A_825, %parallel_loop3A_831 : i32
      %parallel_loop3A_833 = arith.extui %parallel_loop3A_832 : i1 to i32
      %parallel_loop3A_834 = arith.subi %parallel_loop3A_830, %parallel_loop3A_833 : i32
      %parallel_loop3A_835 = arith.constant 0 : i32
      %parallel_loop3A_836 = arith.cmpi sgt, %parallel_loop3A_826, %parallel_loop3A_835 : i32
      %parallel_loop3A_837 = arith.extui %parallel_loop3A_836 : i1 to i32
      %parallel_loop3A_838 = arith.constant 0 : i32
      %parallel_loop3A_839 = arith.cmpi slt, %parallel_loop3A_826, %parallel_loop3A_838 : i32
      %parallel_loop3A_840 = arith.extui %parallel_loop3A_839 : i1 to i32
      %parallel_loop3A_841 = arith.subi %parallel_loop3A_837, %parallel_loop3A_840 : i32
      %parallel_loop3A_842 = arith.cmpi ne, %parallel_loop3A_834, %parallel_loop3A_841 : i32
      %parallel_loop3A_843 = arith.remsi %parallel_loop3A_825, %parallel_loop3A_826 : i32
      %parallel_loop3A_844 = arith.constant 0 : i32
      %parallel_loop3A_845 = arith.cmpi ne, %parallel_loop3A_843, %parallel_loop3A_844 : i32
      %parallel_loop3A_846 = arith.andi %parallel_loop3A_842, %parallel_loop3A_845 : i1
      %parallel_loop3A_847 = arith.constant 1 : i32
      %parallel_loop3A_848 = arith.subi %parallel_loop3A_827, %parallel_loop3A_847 : i32
      %parallel_loop3A_849 = arith.select %parallel_loop3A_846, %parallel_loop3A_848, %parallel_loop3A_827 : i32
      %parallel_loop3A_850 = arith.constant 512 : i32
      %parallel_loop3A_851 = arith.constant 0 : i32
      %parallel_loop3A_852 = arith.cmpi eq, %parallel_loop3A_850, %parallel_loop3A_851 : i32
      %parallel_loop3A_853 = arith.constant 1 : i32
      %parallel_loop3A_854 = arith.select %parallel_loop3A_852, %parallel_loop3A_853, %parallel_loop3A_850 : i32
      %parallel_loop3A_855 = arith.remsi %parallel_loop3A_825, %parallel_loop3A_854 : i32
      %parallel_loop3A_856 = arith.constant 0 : i32
      %parallel_loop3A_857 = arith.cmpi ne, %parallel_loop3A_855, %parallel_loop3A_856 : i32
      %parallel_loop3A_858 = arith.constant 0 : i32
      %parallel_loop3A_859 = arith.cmpi slt, %parallel_loop3A_855, %parallel_loop3A_858 : i32
      %parallel_loop3A_860 = arith.constant 0 : i32
      %parallel_loop3A_861 = arith.cmpi slt, %parallel_loop3A_854, %parallel_loop3A_860 : i32
      %parallel_loop3A_862 = arith.xori %parallel_loop3A_859, %parallel_loop3A_861 : i1
      %parallel_loop3A_863 = arith.andi %parallel_loop3A_862, %parallel_loop3A_857 : i1
      %parallel_loop3A_864 = arith.addi %parallel_loop3A_855, %parallel_loop3A_854 : i32
      %parallel_loop3A_865 = arith.select %parallel_loop3A_863, %parallel_loop3A_864, %parallel_loop3A_855 : i32
      %parallel_loop3A_866 = arith.constant 1 : i32
      %parallel_loop3A_867 = arith.index_cast %parallel_loop3A_866 : i32 to index
      %parallel_loop3A_868 = arith.index_cast %parallel_loop3A_849 : i32 to index
      %parallel_loop3A_869 = arith.index_cast %parallel_loop3A_865 : i32 to index
      %parallel_loop3A_870 = tpu.vector_load %arg6[%parallel_loop3A_867, %parallel_loop3A_868, %parallel_loop3A_869] {strides = array<i32>} : memref<8x8x512xi32, #tpu.memory_space<vmem>>, vector<1x1x16xi32>,
      %parallel_loop3A_871 = vector.shape_cast %parallel_loop3A_870 : vector<1x1x16xi32> to vector<16xi32>
      %parallel_loop3A_872 = arith.constant 32 : i32
      %parallel_loop3A_873 = vector.broadcast %parallel_loop3A_872 : i32 to vector<16xi32>
      %parallel_loop3A_874 = arith.cmpi slt, %parallel_loop3A_871, %parallel_loop3A_873 : vector<16xi32>
      %parallel_loop3A_875 = arith.select %parallel_loop3A_874, %broadcast_in_dim3A_33, %broadcast_in_dim3A_35 : vector<16xi1>, vector<16xi32>
      %parallel_loop3A_876 = arith.constant 31 : i32
      %parallel_loop3A_877 = vector.broadcast %parallel_loop3A_876 : i32 to vector<16xi32>
      %parallel_loop3A_878 = arith.andi %parallel_loop3A_871, %parallel_loop3A_877 : vector<16xi32>
      %parallel_loop3A_879 = arith.shrsi %parallel_loop3A_875, %parallel_loop3A_878 : vector<16xi32>
      %parallel_loop3A_880 = arith.constant 1 : i32
      %parallel_loop3A_881 = vector.broadcast %parallel_loop3A_880 : i32 to vector<16xi32>
      %parallel_loop3A_882 = arith.andi %parallel_loop3A_879, %parallel_loop3A_881 : vector<16xi32>
      %parallel_loop3A_883 = arith.constant 1 : i32
      %parallel_loop3A_884 = arith.index_cast %parallel_loop3A_883 : i32 to index
      %parallel_loop3A_885 = arith.index_cast %parallel_loop3A_849 : i32 to index
      %parallel_loop3A_886 = arith.index_cast %parallel_loop3A_865 : i32 to index
      %parallel_loop3A_887 = tpu.vector_load %arg5[%parallel_loop3A_884, %parallel_loop3A_885, %parallel_loop3A_886] {strides = array<i32>} : memref<8x8x512xf32, #tpu.memory_space<vmem>>, vector<1x1x16xf32>,
      %parallel_loop3A_888 = vector.shape_cast %parallel_loop3A_887 : vector<1x1x16xf32> to vector<16xf32>
      %parallel_loop3A_889 = arith.constant 1 : i32
      %parallel_loop3A_890 = vector.broadcast %parallel_loop3A_889 : i32 to vector<16xi32>
      %parallel_loop3A_891 = arith.cmpi eq, %parallel_loop3A_882, %parallel_loop3A_890 : vector<16xi32>
      %parallel_loop3A_892 = arith.constant 0.000000e+00 : f32
      %parallel_loop3A_893 = vector.broadcast %parallel_loop3A_892 : f32 to vector<16xf32>
      %parallel_loop3A_894 = arith.select %parallel_loop3A_891, %parallel_loop3A_888, %parallel_loop3A_893 : vector<16xi1>, vector<16xf32>
      %parallel_loop3A_895 = arith.constant 1 : i32
      %parallel_loop3A_896 = arith.index_cast %parallel_loop3A_895 : i32 to index
      %parallel_loop3A_897 = arith.index_cast %parallel_loop3A_849 : i32 to index
      %parallel_loop3A_898 = arith.index_cast %parallel_loop3A_865 : i32 to index
      %parallel_loop3A_899 = tpu.vector_load %arg5[%parallel_loop3A_896, %parallel_loop3A_897, %parallel_loop3A_898] {strides = array<i32>} : memref<8x8x512xf32, #tpu.memory_space<vmem>>, vector<1x1x16xf32>,
      %parallel_loop3A_900 = vector.shape_cast %parallel_loop3A_899 : vector<1x1x16xf32> to vector<16xf32>
      %parallel_loop3A_901 = vector.shape_cast %parallel_loop3A_894 : vector<16xf32> to vector<1x1x16xf32>
      tpu.vector_store %arg5[%parallel_loop3A_896, %parallel_loop3A_897, %parallel_loop3A_898], %parallel_loop3A_901 {strides = array<i32>} : memref<8x8x512xf32, #tpu.memory_space<vmem>>, vector<1x1x16xf32>,
    } {sc.loop_unroll_factor = 8 : i64, sc.parallel_access}
    %add3A_388 = arith.constant 8 : i32
    %add3A_389 = arith.addi %mul3A_32, %add3A_388 : i32
    %dma_start3A_390 = arith.constant 1 : i32
    %dma_start3A_391 = arith.constant 0 : i32
    %dma_start3A_392 = arith.constant 0 : i32
    %dma_start3A_393 = tpu.memref_slice %arg5[%dma_start3A_390, %dma_start3A_391, %dma_start3A_392] : memref<8x8x512xf32, #tpu.memory_space<vmem>> -> memref<1x8x512xf32, #tpu.memory_space<vmem>>
    %dma_start3A_394 = tpu.memref_squeeze %dma_start3A_393 : memref<1x8x512xf32, #tpu.memory_space<vmem>> -> memref<8x512xf32, #tpu.memory_space<vmem>>
    %dma_start3A_395 = arith.constant 0 : i32
    %dma_start3A_396 = tpu.memref_slice %arg4[%select_n3A, %add3A_389, %dma_start3A_395] : memref<4x512x512xf32, #tpu.memory_space<hbm>> -> memref<1x8x512xf32, #tpu.memory_space<hbm>>
    %dma_start3A_397 = tpu.memref_squeeze %dma_start3A_396 : memref<1x8x512xf32, #tpu.memory_space<hbm>> -> memref<8x512xf32, #tpu.memory_space<hbm>>
    %dma_start3A_398 = arith.constant 0 : i32
    %dma_start3A_399 = tpu.memref_slice %arg4[%select_n3A, %add3A_389, %dma_start3A_398] : memref<4x512x512xf32, #tpu.memory_space<hbm>> -> memref<1x8x512xf32, #tpu.memory_space<hbm>>
    %dma_start3A_400 = tpu.memref_squeeze %dma_start3A_399 : memref<1x8x512xf32, #tpu.memory_space<hbm>> -> memref<8x512xf32, #tpu.memory_space<hbm>>
    %dma_start3A_401 = arith.constant 0 : i32
    %dma_start3A_402 = arith.constant 0 : i32
    %dma_start3A_403 = tpu.memref_slice %arg5[%dma_start3A_390, %dma_start3A_401, %dma_start3A_402] : memref<8x8x512xf32, #tpu.memory_space<vmem>> -> memref<1x8x512xf32, #tpu.memory_space<vmem>>
    %dma_start3A_404 = tpu.memref_squeeze %dma_start3A_403 : memref<1x8x512xf32, #tpu.memory_space<vmem>> -> memref<8x512xf32, #tpu.memory_space<vmem>>
    tpu.enqueue_dma source(%dma_start3A_404 : memref<8x512xf32, #tpu.memory_space<vmem>>) target(%dma_start3A_400 : memref<8x512xf32, #tpu.memory_space<hbm>>) target_semaphore(%arg16 : memref<!tpu.dma_semaphore, #tpu.memory_space<semaphore_mem>>)
    %dma_wait3A_405 = arith.constant 2 : i32
    %dma_wait3A_406 = arith.constant 0 : i32
    %dma_wait3A_407 = arith.constant 0 : i32
    %dma_wait3A_408 = tpu.memref_slice %arg5[%dma_wait3A_405, %dma_wait3A_406, %dma_wait3A_407] : memref<8x8x512xf32, #tpu.memory_space<vmem>> -> memref<1x8x512xf32, #tpu.memory_space<vmem>>
    %dma_wait3A_409 = tpu.memref_squeeze %dma_wait3A_408 : memref<1x8x512xf32, #tpu.memory_space<vmem>> -> memref<8x512xf32, #tpu.memory_space<vmem>>
    %dma_wait3A_410 = arith.constant 0 : i32
    %dma_wait3A_411 = tpu.memref_slice %arg2[%select_n3A, %add3A_104, %dma_wait3A_410] : memref<4x512x512xf32, #tpu.memory_space<hbm>> -> memref<1x8x512xf32, #tpu.memory_space<hbm>>
    %dma_wait3A_412 = tpu.memref_squeeze %dma_wait3A_411 : memref<1x8x512xf32, #tpu.memory_space<hbm>> -> memref<8x512xf32, #tpu.memory_space<hbm>>
    %dma_wait3A_413 = arith.constant 0 : i32
    %dma_wait3A_414 = arith.constant 0 : i32
    %dma_wait3A_415 = tpu.memref_slice %arg5[%dma_wait3A_405, %dma_wait3A_413, %dma_wait3A_414] : memref<8x8x512xf32, #tpu.memory_space<vmem>> -> memref<1x8x512xf32, #tpu.memory_space<vmem>>
    %dma_wait3A_416 = tpu.memref_squeeze %dma_wait3A_415 : memref<1x8x512xf32, #tpu.memory_space<vmem>> -> memref<8x512xf32, #tpu.memory_space<vmem>>
    %dma_wait3A_417 = arith.constant 0 : i32
    %dma_wait3A_418 = tpu.memref_slice %arg2[%select_n3A, %add3A_104, %dma_wait3A_417] : memref<4x512x512xf32, #tpu.memory_space<hbm>> -> memref<1x8x512xf32, #tpu.memory_space<hbm>>
    %dma_wait3A_419 = tpu.memref_squeeze %dma_wait3A_418 : memref<1x8x512xf32, #tpu.memory_space<hbm>> -> memref<8x512xf32, #tpu.memory_space<hbm>>
    tpu.wait_dma2 semaphore(%arg9 : memref<!tpu.dma_semaphore, #tpu.memory_space<semaphore_mem>>) src(%dma_wait3A_419 : memref<8x512xf32, #tpu.memory_space<hbm>>) dst(%dma_wait3A_416 : memref<8x512xf32, #tpu.memory_space<vmem>>)
    %dma_wait3A_420 = arith.constant 2 : i32
    %dma_wait3A_421 = arith.constant 0 : i32
    %dma_wait3A_422 = arith.constant 0 : i32
    %dma_wait3A_423 = tpu.memref_slice %arg6[%dma_wait3A_420, %dma_wait3A_421, %dma_wait3A_422] : memref<8x8x512xi32, #tpu.memory_space<vmem>> -> memref<1x8x512xi32, #tpu.memory_space<vmem>>
    %dma_wait3A_424 = tpu.memref_squeeze %dma_wait3A_423 : memref<1x8x512xi32, #tpu.memory_space<vmem>> -> memref<8x512xi32, #tpu.memory_space<vmem>>
    %dma_wait3A_425 = arith.constant 0 : i32
    %dma_wait3A_426 = tpu.memref_slice %arg3[%select_n3A, %add3A_121, %dma_wait3A_425] : memref<4x512x512xi32, #tpu.memory_space<hbm>> -> memref<1x8x512xi32, #tpu.memory_space<hbm>>
    %dma_wait3A_427 = tpu.memref_squeeze %dma_wait3A_426 : memref<1x8x512xi32, #tpu.memory_space<hbm>> -> memref<8x512xi32, #tpu.memory_space<hbm>>
    %dma_wait3A_428 = arith.constant 0 : i32
    %dma_wait3A_429 = arith.constant 0 : i32
    %dma_wait3A_430 = tpu.memref_slice %arg6[%dma_wait3A_420, %dma_wait3A_428, %dma_wait3A_429] : memref<8x8x512xi32, #tpu.memory_space<vmem>> -> memref<1x8x512xi32, #tpu.memory_space<vmem>>
    %dma_wait3A_431 = tpu.memref_squeeze %dma_wait3A_430 : memref<1x8x512xi32, #tpu.memory_space<vmem>> -> memref<8x512xi32, #tpu.memory_space<vmem>>
    %dma_wait3A_432 = arith.constant 0 : i32
    %dma_wait3A_433 = tpu.memref_slice %arg3[%select_n3A, %add3A_121, %dma_wait3A_432] : memref<4x512x512xi32, #tpu.memory_space<hbm>> -> memref<1x8x512xi32, #tpu.memory_space<hbm>>
    %dma_wait3A_434 = tpu.memref_squeeze %dma_wait3A_433 : memref<1x8x512xi32, #tpu.memory_space<hbm>> -> memref<8x512xi32, #tpu.memory_space<hbm>>
    tpu.wait_dma2 semaphore(%arg9 : memref<!tpu.dma_semaphore, #tpu.memory_space<semaphore_mem>>) src(%dma_wait3A_434 : memref<8x512xi32, #tpu.memory_space<hbm>>) dst(%dma_wait3A_431 : memref<8x512xi32, #tpu.memory_space<vmem>>)
    %parallel_loop3A_435 = arith.constant 0 : i32
    %parallel_loop3A_436 = arith.constant 4096 : i32
    %parallel_loop3A_437 = arith.constant 16 : i32
    scf.for %parallel_loop3A_825 = %parallel_loop3A_435 to %parallel_loop3A_436 step %parallel_loop3A_437  : i32 {
      %parallel_loop3A_826 = arith.constant 512 : i32
      %parallel_loop3A_827 = arith.divsi %parallel_loop3A_825, %parallel_loop3A_826 : i32
      %parallel_loop3A_828 = arith.constant 0 : i32
      %parallel_loop3A_829 = arith.cmpi sgt, %parallel_loop3A_825, %parallel_loop3A_828 : i32
      %parallel_loop3A_830 = arith.extui %parallel_loop3A_829 : i1 to i32
      %parallel_loop3A_831 = arith.constant 0 : i32
      %parallel_loop3A_832 = arith.cmpi slt, %parallel_loop3A_825, %parallel_loop3A_831 : i32
      %parallel_loop3A_833 = arith.extui %parallel_loop3A_832 : i1 to i32
      %parallel_loop3A_834 = arith.subi %parallel_loop3A_830, %parallel_loop3A_833 : i32
      %parallel_loop3A_835 = arith.constant 0 : i32
      %parallel_loop3A_836 = arith.cmpi sgt, %parallel_loop3A_826, %parallel_loop3A_835 : i32
      %parallel_loop3A_837 = arith.extui %parallel_loop3A_836 : i1 to i32
      %parallel_loop3A_838 = arith.constant 0 : i32
      %parallel_loop3A_839 = arith.cmpi slt, %parallel_loop3A_826, %parallel_loop3A_838 : i32
      %parallel_loop3A_840 = arith.extui %parallel_loop3A_839 : i1 to i32
      %parallel_loop3A_841 = arith.subi %parallel_loop3A_837, %parallel_loop3A_840 : i32
      %parallel_loop3A_842 = arith.cmpi ne, %parallel_loop3A_834, %parallel_loop3A_841 : i32
      %parallel_loop3A_843 = arith.remsi %parallel_loop3A_825, %parallel_loop3A_826 : i32
      %parallel_loop3A_844 = arith.constant 0 : i32
      %parallel_loop3A_845 = arith.cmpi ne, %parallel_loop3A_843, %parallel_loop3A_844 : i32
      %parallel_loop3A_846 = arith.andi %parallel_loop3A_842, %parallel_loop3A_845 : i1
      %parallel_loop3A_847 = arith.constant 1 : i32
      %parallel_loop3A_848 = arith.subi %parallel_loop3A_827, %parallel_loop3A_847 : i32
      %parallel_loop3A_849 = arith.select %parallel_loop3A_846, %parallel_loop3A_848, %parallel_loop3A_827 : i32
      %parallel_loop3A_850 = arith.constant 512 : i32
      %parallel_loop3A_851 = arith.constant 0 : i32
      %parallel_loop3A_852 = arith.cmpi eq, %parallel_loop3A_850, %parallel_loop3A_851 : i32
      %parallel_loop3A_853 = arith.constant 1 : i32
      %parallel_loop3A_854 = arith.select %parallel_loop3A_852, %parallel_loop3A_853, %parallel_loop3A_850 : i32
      %parallel_loop3A_855 = arith.remsi %parallel_loop3A_825, %parallel_loop3A_854 : i32
      %parallel_loop3A_856 = arith.constant 0 : i32
      %parallel_loop3A_857 = arith.cmpi ne, %parallel_loop3A_855, %parallel_loop3A_856 : i32
      %parallel_loop3A_858 = arith.constant 0 : i32
      %parallel_loop3A_859 = arith.cmpi slt, %parallel_loop3A_855, %parallel_loop3A_858 : i32
      %parallel_loop3A_860 = arith.constant 0 : i32
      %parallel_loop3A_861 = arith.cmpi slt, %parallel_loop3A_854, %parallel_loop3A_860 : i32
      %parallel_loop3A_862 = arith.xori %parallel_loop3A_859, %parallel_loop3A_861 : i1
      %parallel_loop3A_863 = arith.andi %parallel_loop3A_862, %parallel_loop3A_857 : i1
      %parallel_loop3A_864 = arith.addi %parallel_loop3A_855, %parallel_loop3A_854 : i32
      %parallel_loop3A_865 = arith.select %parallel_loop3A_863, %parallel_loop3A_864, %parallel_loop3A_855 : i32
      %parallel_loop3A_866 = arith.constant 2 : i32
      %parallel_loop3A_867 = arith.index_cast %parallel_loop3A_866 : i32 to index
      %parallel_loop3A_868 = arith.index_cast %parallel_loop3A_849 : i32 to index
      %parallel_loop3A_869 = arith.index_cast %parallel_loop3A_865 : i32 to index
      %parallel_loop3A_870 = tpu.vector_load %arg6[%parallel_loop3A_867, %parallel_loop3A_868, %parallel_loop3A_869] {strides = array<i32>} : memref<8x8x512xi32, #tpu.memory_space<vmem>>, vector<1x1x16xi32>,
      %parallel_loop3A_871 = vector.shape_cast %parallel_loop3A_870 : vector<1x1x16xi32> to vector<16xi32>
      %parallel_loop3A_872 = arith.constant 32 : i32
      %parallel_loop3A_873 = vector.broadcast %parallel_loop3A_872 : i32 to vector<16xi32>
      %parallel_loop3A_874 = arith.cmpi slt, %parallel_loop3A_871, %parallel_loop3A_873 : vector<16xi32>
      %parallel_loop3A_875 = arith.select %parallel_loop3A_874, %broadcast_in_dim3A_33, %broadcast_in_dim3A_35 : vector<16xi1>, vector<16xi32>
      %parallel_loop3A_876 = arith.constant 31 : i32
      %parallel_loop3A_877 = vector.broadcast %parallel_loop3A_876 : i32 to vector<16xi32>
      %parallel_loop3A_878 = arith.andi %parallel_loop3A_871, %parallel_loop3A_877 : vector<16xi32>
      %parallel_loop3A_879 = arith.shrsi %parallel_loop3A_875, %parallel_loop3A_878 : vector<16xi32>
      %parallel_loop3A_880 = arith.constant 1 : i32
      %parallel_loop3A_881 = vector.broadcast %parallel_loop3A_880 : i32 to vector<16xi32>
      %parallel_loop3A_882 = arith.andi %parallel_loop3A_879, %parallel_loop3A_881 : vector<16xi32>
      %parallel_loop3A_883 = arith.constant 2 : i32
      %parallel_loop3A_884 = arith.index_cast %parallel_loop3A_883 : i32 to index
      %parallel_loop3A_885 = arith.index_cast %parallel_loop3A_849 : i32 to index
      %parallel_loop3A_886 = arith.index_cast %parallel_loop3A_865 : i32 to index
      %parallel_loop3A_887 = tpu.vector_load %arg5[%parallel_loop3A_884, %parallel_loop3A_885, %parallel_loop3A_886] {strides = array<i32>} : memref<8x8x512xf32, #tpu.memory_space<vmem>>, vector<1x1x16xf32>,
      %parallel_loop3A_888 = vector.shape_cast %parallel_loop3A_887 : vector<1x1x16xf32> to vector<16xf32>
      %parallel_loop3A_889 = arith.constant 1 : i32
      %parallel_loop3A_890 = vector.broadcast %parallel_loop3A_889 : i32 to vector<16xi32>
      %parallel_loop3A_891 = arith.cmpi eq, %parallel_loop3A_882, %parallel_loop3A_890 : vector<16xi32>
      %parallel_loop3A_892 = arith.constant 0.000000e+00 : f32
      %parallel_loop3A_893 = vector.broadcast %parallel_loop3A_892 : f32 to vector<16xf32>
      %parallel_loop3A_894 = arith.select %parallel_loop3A_891, %parallel_loop3A_888, %parallel_loop3A_893 : vector<16xi1>, vector<16xf32>
      %parallel_loop3A_895 = arith.constant 2 : i32
      %parallel_loop3A_896 = arith.index_cast %parallel_loop3A_895 : i32 to index
      %parallel_loop3A_897 = arith.index_cast %parallel_loop3A_849 : i32 to index
      %parallel_loop3A_898 = arith.index_cast %parallel_loop3A_865 : i32 to index
      %parallel_loop3A_899 = tpu.vector_load %arg5[%parallel_loop3A_896, %parallel_loop3A_897, %parallel_loop3A_898] {strides = array<i32>} : memref<8x8x512xf32, #tpu.memory_space<vmem>>, vector<1x1x16xf32>,
      %parallel_loop3A_900 = vector.shape_cast %parallel_loop3A_899 : vector<1x1x16xf32> to vector<16xf32>
      %parallel_loop3A_901 = vector.shape_cast %parallel_loop3A_894 : vector<16xf32> to vector<1x1x16xf32>
      tpu.vector_store %arg5[%parallel_loop3A_896, %parallel_loop3A_897, %parallel_loop3A_898], %parallel_loop3A_901 {strides = array<i32>} : memref<8x8x512xf32, #tpu.memory_space<vmem>>, vector<1x1x16xf32>,
    } {sc.loop_unroll_factor = 8 : i64, sc.parallel_access}
    %add3A_438 = arith.constant 16 : i32
    %add3A_439 = arith.addi %mul3A_32, %add3A_438 : i32
    %dma_start3A_440 = arith.constant 2 : i32
    %dma_start3A_441 = arith.constant 0 : i32
    %dma_start3A_442 = arith.constant 0 : i32
    %dma_start3A_443 = tpu.memref_slice %arg5[%dma_start3A_440, %dma_start3A_441, %dma_start3A_442] : memref<8x8x512xf32, #tpu.memory_space<vmem>> -> memref<1x8x512xf32, #tpu.memory_space<vmem>>
    %dma_start3A_444 = tpu.memref_squeeze %dma_start3A_443 : memref<1x8x512xf32, #tpu.memory_space<vmem>> -> memref<8x512xf32, #tpu.memory_space<vmem>>
    %dma_start3A_445 = arith.constant 0 : i32
    %dma_start3A_446 = tpu.memref_slice %arg4[%select_n3A, %add3A_439, %dma_start3A_445] : memref<4x512x512xf32, #tpu.memory_space<hbm>> -> memref<1x8x512xf32, #tpu.memory_space<hbm>>
    %dma_start3A_447 = tpu.memref_squeeze %dma_start3A_446 : memref<1x8x512xf32, #tpu.memory_space<hbm>> -> memref<8x512xf32, #tpu.memory_space<hbm>>
    %dma_start3A_448 = arith.constant 0 : i32
    %dma_start3A_449 = tpu.memref_slice %arg4[%select_n3A, %add3A_439, %dma_start3A_448] : memref<4x512x512xf32, #tpu.memory_space<hbm>> -> memref<1x8x512xf32, #tpu.memory_space<hbm>>
    %dma_start3A_450 = tpu.memref_squeeze %dma_start3A_449 : memref<1x8x512xf32, #tpu.memory_space<hbm>> -> memref<8x512xf32, #tpu.memory_space<hbm>>
    %dma_start3A_451 = arith.constant 0 : i32
    %dma_start3A_452 = arith.constant 0 : i32
    %dma_start3A_453 = tpu.memref_slice %arg5[%dma_start3A_440, %dma_start3A_451, %dma_start3A_452] : memref<8x8x512xf32, #tpu.memory_space<vmem>> -> memref<1x8x512xf32, #tpu.memory_space<vmem>>
    %dma_start3A_454 = tpu.memref_squeeze %dma_start3A_453 : memref<1x8x512xf32, #tpu.memory_space<vmem>> -> memref<8x512xf32, #tpu.memory_space<vmem>>
    tpu.enqueue_dma source(%dma_start3A_454 : memref<8x512xf32, #tpu.memory_space<vmem>>) target(%dma_start3A_450 : memref<8x512xf32, #tpu.memory_space<hbm>>) target_semaphore(%arg17 : memref<!tpu.dma_semaphore, #tpu.memory_space<semaphore_mem>>)
    %dma_wait3A_455 = arith.constant 3 : i32
    %dma_wait3A_456 = arith.constant 0 : i32
    %dma_wait3A_457 = arith.constant 0 : i32
    %dma_wait3A_458 = tpu.memref_slice %arg5[%dma_wait3A_455, %dma_wait3A_456, %dma_wait3A_457] : memref<8x8x512xf32, #tpu.memory_space<vmem>> -> memref<1x8x512xf32, #tpu.memory_space<vmem>>
    %dma_wait3A_459 = tpu.memref_squeeze %dma_wait3A_458 : memref<1x8x512xf32, #tpu.memory_space<vmem>> -> memref<8x512xf32, #tpu.memory_space<vmem>>
    %dma_wait3A_460 = arith.constant 0 : i32
    %dma_wait3A_461 = tpu.memref_slice %arg2[%select_n3A, %add3A_138, %dma_wait3A_460] : memref<4x512x512xf32, #tpu.memory_space<hbm>> -> memref<1x8x512xf32, #tpu.memory_space<hbm>>
    %dma_wait3A_462 = tpu.memref_squeeze %dma_wait3A_461 : memref<1x8x512xf32, #tpu.memory_space<hbm>> -> memref<8x512xf32, #tpu.memory_space<hbm>>
    %dma_wait3A_463 = arith.constant 0 : i32
    %dma_wait3A_464 = arith.constant 0 : i32
    %dma_wait3A_465 = tpu.memref_slice %arg5[%dma_wait3A_455, %dma_wait3A_463, %dma_wait3A_464] : memref<8x8x512xf32, #tpu.memory_space<vmem>> -> memref<1x8x512xf32, #tpu.memory_space<vmem>>
    %dma_wait3A_466 = tpu.memref_squeeze %dma_wait3A_465 : memref<1x8x512xf32, #tpu.memory_space<vmem>> -> memref<8x512xf32, #tpu.memory_space<vmem>>
    %dma_wait3A_467 = arith.constant 0 : i32
    %dma_wait3A_468 = tpu.memref_slice %arg2[%select_n3A, %add3A_138, %dma_wait3A_467] : memref<4x512x512xf32, #tpu.memory_space<hbm>> -> memref<1x8x512xf32, #tpu.memory_space<hbm>>
    %dma_wait3A_469 = tpu.memref_squeeze %dma_wait3A_468 : memref<1x8x512xf32, #tpu.memory_space<hbm>> -> memref<8x512xf32, #tpu.memory_space<hbm>>
    tpu.wait_dma2 semaphore(%arg10 : memref<!tpu.dma_semaphore, #tpu.memory_space<semaphore_mem>>) src(%dma_wait3A_469 : memref<8x512xf32, #tpu.memory_space<hbm>>) dst(%dma_wait3A_466 : memref<8x512xf32, #tpu.memory_space<vmem>>)
    %dma_wait3A_470 = arith.constant 3 : i32
    %dma_wait3A_471 = arith.constant 0 : i32
    %dma_wait3A_472 = arith.constant 0 : i32
    %dma_wait3A_473 = tpu.memref_slice %arg6[%dma_wait3A_470, %dma_wait3A_471, %dma_wait3A_472] : memref<8x8x512xi32, #tpu.memory_space<vmem>> -> memref<1x8x512xi32, #tpu.memory_space<vmem>>
    %dma_wait3A_474 = tpu.memref_squeeze %dma_wait3A_473 : memref<1x8x512xi32, #tpu.memory_space<vmem>> -> memref<8x512xi32, #tpu.memory_space<vmem>>
    %dma_wait3A_475 = arith.constant 0 : i32
    %dma_wait3A_476 = tpu.memref_slice %arg3[%select_n3A, %add3A_155, %dma_wait3A_475] : memref<4x512x512xi32, #tpu.memory_space<hbm>> -> memref<1x8x512xi32, #tpu.memory_space<hbm>>
    %dma_wait3A_477 = tpu.memref_squeeze %dma_wait3A_476 : memref<1x8x512xi32, #tpu.memory_space<hbm>> -> memref<8x512xi32, #tpu.memory_space<hbm>>
    %dma_wait3A_478 = arith.constant 0 : i32
    %dma_wait3A_479 = arith.constant 0 : i32
    %dma_wait3A_480 = tpu.memref_slice %arg6[%dma_wait3A_470, %dma_wait3A_478, %dma_wait3A_479] : memref<8x8x512xi32, #tpu.memory_space<vmem>> -> memref<1x8x512xi32, #tpu.memory_space<vmem>>
    %dma_wait3A_481 = tpu.memref_squeeze %dma_wait3A_480 : memref<1x8x512xi32, #tpu.memory_space<vmem>> -> memref<8x512xi32, #tpu.memory_space<vmem>>
    %dma_wait3A_482 = arith.constant 0 : i32
    %dma_wait3A_483 = tpu.memref_slice %arg3[%select_n3A, %add3A_155, %dma_wait3A_482] : memref<4x512x512xi32, #tpu.memory_space<hbm>> -> memref<1x8x512xi32, #tpu.memory_space<hbm>>
    %dma_wait3A_484 = tpu.memref_squeeze %dma_wait3A_483 : memref<1x8x512xi32, #tpu.memory_space<hbm>> -> memref<8x512xi32, #tpu.memory_space<hbm>>
    tpu.wait_dma2 semaphore(%arg10 : memref<!tpu.dma_semaphore, #tpu.memory_space<semaphore_mem>>) src(%dma_wait3A_484 : memref<8x512xi32, #tpu.memory_space<hbm>>) dst(%dma_wait3A_481 : memref<8x512xi32, #tpu.memory_space<vmem>>)
    %parallel_loop3A_485 = arith.constant 0 : i32
    %parallel_loop3A_486 = arith.constant 4096 : i32
    %parallel_loop3A_487 = arith.constant 16 : i32
    scf.for %parallel_loop3A_825 = %parallel_loop3A_485 to %parallel_loop3A_486 step %parallel_loop3A_487  : i32 {
      %parallel_loop3A_826 = arith.constant 512 : i32
      %parallel_loop3A_827 = arith.divsi %parallel_loop3A_825, %parallel_loop3A_826 : i32
      %parallel_loop3A_828 = arith.constant 0 : i32
      %parallel_loop3A_829 = arith.cmpi sgt, %parallel_loop3A_825, %parallel_loop3A_828 : i32
      %parallel_loop3A_830 = arith.extui %parallel_loop3A_829 : i1 to i32
      %parallel_loop3A_831 = arith.constant 0 : i32
      %parallel_loop3A_832 = arith.cmpi slt, %parallel_loop3A_825, %parallel_loop3A_831 : i32
      %parallel_loop3A_833 = arith.extui %parallel_loop3A_832 : i1 to i32
      %parallel_loop3A_834 = arith.subi %parallel_loop3A_830, %parallel_loop3A_833 : i32
      %parallel_loop3A_835 = arith.constant 0 : i32
      %parallel_loop3A_836 = arith.cmpi sgt, %parallel_loop3A_826, %parallel_loop3A_835 : i32
      %parallel_loop3A_837 = arith.extui %parallel_loop3A_836 : i1 to i32
      %parallel_loop3A_838 = arith.constant 0 : i32
      %parallel_loop3A_839 = arith.cmpi slt, %parallel_loop3A_826, %parallel_loop3A_838 : i32
      %parallel_loop3A_840 = arith.extui %parallel_loop3A_839 : i1 to i32
      %parallel_loop3A_841 = arith.subi %parallel_loop3A_837, %parallel_loop3A_840 : i32
      %parallel_loop3A_842 = arith.cmpi ne, %parallel_loop3A_834, %parallel_loop3A_841 : i32
      %parallel_loop3A_843 = arith.remsi %parallel_loop3A_825, %parallel_loop3A_826 : i32
      %parallel_loop3A_844 = arith.constant 0 : i32
      %parallel_loop3A_845 = arith.cmpi ne, %parallel_loop3A_843, %parallel_loop3A_844 : i32
      %parallel_loop3A_846 = arith.andi %parallel_loop3A_842, %parallel_loop3A_845 : i1
      %parallel_loop3A_847 = arith.constant 1 : i32
      %parallel_loop3A_848 = arith.subi %parallel_loop3A_827, %parallel_loop3A_847 : i32
      %parallel_loop3A_849 = arith.select %parallel_loop3A_846, %parallel_loop3A_848, %parallel_loop3A_827 : i32
      %parallel_loop3A_850 = arith.constant 512 : i32
      %parallel_loop3A_851 = arith.constant 0 : i32
      %parallel_loop3A_852 = arith.cmpi eq, %parallel_loop3A_850, %parallel_loop3A_851 : i32
      %parallel_loop3A_853 = arith.constant 1 : i32
      %parallel_loop3A_854 = arith.select %parallel_loop3A_852, %parallel_loop3A_853, %parallel_loop3A_850 : i32
      %parallel_loop3A_855 = arith.remsi %parallel_loop3A_825, %parallel_loop3A_854 : i32
      %parallel_loop3A_856 = arith.constant 0 : i32
      %parallel_loop3A_857 = arith.cmpi ne, %parallel_loop3A_855, %parallel_loop3A_856 : i32
      %parallel_loop3A_858 = arith.constant 0 : i32
      %parallel_loop3A_859 = arith.cmpi slt, %parallel_loop3A_855, %parallel_loop3A_858 : i32
      %parallel_loop3A_860 = arith.constant 0 : i32
      %parallel_loop3A_861 = arith.cmpi slt, %parallel_loop3A_854, %parallel_loop3A_860 : i32
      %parallel_loop3A_862 = arith.xori %parallel_loop3A_859, %parallel_loop3A_861 : i1
      %parallel_loop3A_863 = arith.andi %parallel_loop3A_862, %parallel_loop3A_857 : i1
      %parallel_loop3A_864 = arith.addi %parallel_loop3A_855, %parallel_loop3A_854 : i32
      %parallel_loop3A_865 = arith.select %parallel_loop3A_863, %parallel_loop3A_864, %parallel_loop3A_855 : i32
      %parallel_loop3A_866 = arith.constant 3 : i32
      %parallel_loop3A_867 = arith.index_cast %parallel_loop3A_866 : i32 to index
      %parallel_loop3A_868 = arith.index_cast %parallel_loop3A_849 : i32 to index
      %parallel_loop3A_869 = arith.index_cast %parallel_loop3A_865 : i32 to index
      %parallel_loop3A_870 = tpu.vector_load %arg6[%parallel_loop3A_867, %parallel_loop3A_868, %parallel_loop3A_869] {strides = array<i32>} : memref<8x8x512xi32, #tpu.memory_space<vmem>>, vector<1x1x16xi32>,
      %parallel_loop3A_871 = vector.shape_cast %parallel_loop3A_870 : vector<1x1x16xi32> to vector<16xi32>
      %parallel_loop3A_872 = arith.constant 32 : i32
      %parallel_loop3A_873 = vector.broadcast %parallel_loop3A_872 : i32 to vector<16xi32>
      %parallel_loop3A_874 = arith.cmpi slt, %parallel_loop3A_871, %parallel_loop3A_873 : vector<16xi32>
      %parallel_loop3A_875 = arith.select %parallel_loop3A_874, %broadcast_in_dim3A_33, %broadcast_in_dim3A_35 : vector<16xi1>, vector<16xi32>
      %parallel_loop3A_876 = arith.constant 31 : i32
      %parallel_loop3A_877 = vector.broadcast %parallel_loop3A_876 : i32 to vector<16xi32>
      %parallel_loop3A_878 = arith.andi %parallel_loop3A_871, %parallel_loop3A_877 : vector<16xi32>
      %parallel_loop3A_879 = arith.shrsi %parallel_loop3A_875, %parallel_loop3A_878 : vector<16xi32>
      %parallel_loop3A_880 = arith.constant 1 : i32
      %parallel_loop3A_881 = vector.broadcast %parallel_loop3A_880 : i32 to vector<16xi32>
      %parallel_loop3A_882 = arith.andi %parallel_loop3A_879, %parallel_loop3A_881 : vector<16xi32>
      %parallel_loop3A_883 = arith.constant 3 : i32
      %parallel_loop3A_884 = arith.index_cast %parallel_loop3A_883 : i32 to index
      %parallel_loop3A_885 = arith.index_cast %parallel_loop3A_849 : i32 to index
      %parallel_loop3A_886 = arith.index_cast %parallel_loop3A_865 : i32 to index
      %parallel_loop3A_887 = tpu.vector_load %arg5[%parallel_loop3A_884, %parallel_loop3A_885, %parallel_loop3A_886] {strides = array<i32>} : memref<8x8x512xf32, #tpu.memory_space<vmem>>, vector<1x1x16xf32>,
      %parallel_loop3A_888 = vector.shape_cast %parallel_loop3A_887 : vector<1x1x16xf32> to vector<16xf32>
      %parallel_loop3A_889 = arith.constant 1 : i32
      %parallel_loop3A_890 = vector.broadcast %parallel_loop3A_889 : i32 to vector<16xi32>
      %parallel_loop3A_891 = arith.cmpi eq, %parallel_loop3A_882, %parallel_loop3A_890 : vector<16xi32>
      %parallel_loop3A_892 = arith.constant 0.000000e+00 : f32
      %parallel_loop3A_893 = vector.broadcast %parallel_loop3A_892 : f32 to vector<16xf32>
      %parallel_loop3A_894 = arith.select %parallel_loop3A_891, %parallel_loop3A_888, %parallel_loop3A_893 : vector<16xi1>, vector<16xf32>
      %parallel_loop3A_895 = arith.constant 3 : i32
      %parallel_loop3A_896 = arith.index_cast %parallel_loop3A_895 : i32 to index
      %parallel_loop3A_897 = arith.index_cast %parallel_loop3A_849 : i32 to index
      %parallel_loop3A_898 = arith.index_cast %parallel_loop3A_865 : i32 to index
      %parallel_loop3A_899 = tpu.vector_load %arg5[%parallel_loop3A_896, %parallel_loop3A_897, %parallel_loop3A_898] {strides = array<i32>} : memref<8x8x512xf32, #tpu.memory_space<vmem>>, vector<1x1x16xf32>,
      %parallel_loop3A_900 = vector.shape_cast %parallel_loop3A_899 : vector<1x1x16xf32> to vector<16xf32>
      %parallel_loop3A_901 = vector.shape_cast %parallel_loop3A_894 : vector<16xf32> to vector<1x1x16xf32>
      tpu.vector_store %arg5[%parallel_loop3A_896, %parallel_loop3A_897, %parallel_loop3A_898], %parallel_loop3A_901 {strides = array<i32>} : memref<8x8x512xf32, #tpu.memory_space<vmem>>, vector<1x1x16xf32>,
    } {sc.loop_unroll_factor = 8 : i64, sc.parallel_access}
    %add3A_488 = arith.constant 24 : i32
    %add3A_489 = arith.addi %mul3A_32, %add3A_488 : i32
    %dma_start3A_490 = arith.constant 3 : i32
    %dma_start3A_491 = arith.constant 0 : i32
    %dma_start3A_492 = arith.constant 0 : i32
    %dma_start3A_493 = tpu.memref_slice %arg5[%dma_start3A_490, %dma_start3A_491, %dma_start3A_492] : memref<8x8x512xf32, #tpu.memory_space<vmem>> -> memref<1x8x512xf32, #tpu.memory_space<vmem>>
    %dma_start3A_494 = tpu.memref_squeeze %dma_start3A_493 : memref<1x8x512xf32, #tpu.memory_space<vmem>> -> memref<8x512xf32, #tpu.memory_space<vmem>>
    %dma_start3A_495 = arith.constant 0 : i32
    %dma_start3A_496 = tpu.memref_slice %arg4[%select_n3A, %add3A_489, %dma_start3A_495] : memref<4x512x512xf32, #tpu.memory_space<hbm>> -> memref<1x8x512xf32, #tpu.memory_space<hbm>>
    %dma_start3A_497 = tpu.memref_squeeze %dma_start3A_496 : memref<1x8x512xf32, #tpu.memory_space<hbm>> -> memref<8x512xf32, #tpu.memory_space<hbm>>
    %dma_start3A_498 = arith.constant 0 : i32
    %dma_start3A_499 = tpu.memref_slice %arg4[%select_n3A, %add3A_489, %dma_start3A_498] : memref<4x512x512xf32, #tpu.memory_space<hbm>> -> memref<1x8x512xf32, #tpu.memory_space<hbm>>
    %dma_start3A_500 = tpu.memref_squeeze %dma_start3A_499 : memref<1x8x512xf32, #tpu.memory_space<hbm>> -> memref<8x512xf32, #tpu.memory_space<hbm>>
    %dma_start3A_501 = arith.constant 0 : i32
    %dma_start3A_502 = arith.constant 0 : i32
    %dma_start3A_503 = tpu.memref_slice %arg5[%dma_start3A_490, %dma_start3A_501, %dma_start3A_502] : memref<8x8x512xf32, #tpu.memory_space<vmem>> -> memref<1x8x512xf32, #tpu.memory_space<vmem>>
    %dma_start3A_504 = tpu.memref_squeeze %dma_start3A_503 : memref<1x8x512xf32, #tpu.memory_space<vmem>> -> memref<8x512xf32, #tpu.memory_space<vmem>>
    tpu.enqueue_dma source(%dma_start3A_504 : memref<8x512xf32, #tpu.memory_space<vmem>>) target(%dma_start3A_500 : memref<8x512xf32, #tpu.memory_space<hbm>>) target_semaphore(%arg18 : memref<!tpu.dma_semaphore, #tpu.memory_space<semaphore_mem>>)
    %dma_wait3A_505 = arith.constant 4 : i32
    %dma_wait3A_506 = arith.constant 0 : i32
    %dma_wait3A_507 = arith.constant 0 : i32
    %dma_wait3A_508 = tpu.memref_slice %arg5[%dma_wait3A_505, %dma_wait3A_506, %dma_wait3A_507] : memref<8x8x512xf32, #tpu.memory_space<vmem>> -> memref<1x8x512xf32, #tpu.memory_space<vmem>>
    %dma_wait3A_509 = tpu.memref_squeeze %dma_wait3A_508 : memref<1x8x512xf32, #tpu.memory_space<vmem>> -> memref<8x512xf32, #tpu.memory_space<vmem>>
    %dma_wait3A_510 = arith.constant 0 : i32
    %dma_wait3A_511 = tpu.memref_slice %arg2[%select_n3A, %add3A_172, %dma_wait3A_510] : memref<4x512x512xf32, #tpu.memory_space<hbm>> -> memref<1x8x512xf32, #tpu.memory_space<hbm>>
    %dma_wait3A_512 = tpu.memref_squeeze %dma_wait3A_511 : memref<1x8x512xf32, #tpu.memory_space<hbm>> -> memref<8x512xf32, #tpu.memory_space<hbm>>
    %dma_wait3A_513 = arith.constant 0 : i32
    %dma_wait3A_514 = arith.constant 0 : i32
    %dma_wait3A_515 = tpu.memref_slice %arg5[%dma_wait3A_505, %dma_wait3A_513, %dma_wait3A_514] : memref<8x8x512xf32, #tpu.memory_space<vmem>> -> memref<1x8x512xf32, #tpu.memory_space<vmem>>
    %dma_wait3A_516 = tpu.memref_squeeze %dma_wait3A_515 : memref<1x8x512xf32, #tpu.memory_space<vmem>> -> memref<8x512xf32, #tpu.memory_space<vmem>>
    %dma_wait3A_517 = arith.constant 0 : i32
    %dma_wait3A_518 = tpu.memref_slice %arg2[%select_n3A, %add3A_172, %dma_wait3A_517] : memref<4x512x512xf32, #tpu.memory_space<hbm>> -> memref<1x8x512xf32, #tpu.memory_space<hbm>>
    %dma_wait3A_519 = tpu.memref_squeeze %dma_wait3A_518 : memref<1x8x512xf32, #tpu.memory_space<hbm>> -> memref<8x512xf32, #tpu.memory_space<hbm>>
    tpu.wait_dma2 semaphore(%arg11 : memref<!tpu.dma_semaphore, #tpu.memory_space<semaphore_mem>>) src(%dma_wait3A_519 : memref<8x512xf32, #tpu.memory_space<hbm>>) dst(%dma_wait3A_516 : memref<8x512xf32, #tpu.memory_space<vmem>>)
    %dma_wait3A_520 = arith.constant 4 : i32
    %dma_wait3A_521 = arith.constant 0 : i32
    %dma_wait3A_522 = arith.constant 0 : i32
    %dma_wait3A_523 = tpu.memref_slice %arg6[%dma_wait3A_520, %dma_wait3A_521, %dma_wait3A_522] : memref<8x8x512xi32, #tpu.memory_space<vmem>> -> memref<1x8x512xi32, #tpu.memory_space<vmem>>
    %dma_wait3A_524 = tpu.memref_squeeze %dma_wait3A_523 : memref<1x8x512xi32, #tpu.memory_space<vmem>> -> memref<8x512xi32, #tpu.memory_space<vmem>>
    %dma_wait3A_525 = arith.constant 0 : i32
    %dma_wait3A_526 = tpu.memref_slice %arg3[%select_n3A, %add3A_189, %dma_wait3A_525] : memref<4x512x512xi32, #tpu.memory_space<hbm>> -> memref<1x8x512xi32, #tpu.memory_space<hbm>>
    %dma_wait3A_527 = tpu.memref_squeeze %dma_wait3A_526 : memref<1x8x512xi32, #tpu.memory_space<hbm>> -> memref<8x512xi32, #tpu.memory_space<hbm>>
    %dma_wait3A_528 = arith.constant 0 : i32
    %dma_wait3A_529 = arith.constant 0 : i32
    %dma_wait3A_530 = tpu.memref_slice %arg6[%dma_wait3A_520, %dma_wait3A_528, %dma_wait3A_529] : memref<8x8x512xi32, #tpu.memory_space<vmem>> -> memref<1x8x512xi32, #tpu.memory_space<vmem>>
    %dma_wait3A_531 = tpu.memref_squeeze %dma_wait3A_530 : memref<1x8x512xi32, #tpu.memory_space<vmem>> -> memref<8x512xi32, #tpu.memory_space<vmem>>
    %dma_wait3A_532 = arith.constant 0 : i32
    %dma_wait3A_533 = tpu.memref_slice %arg3[%select_n3A, %add3A_189, %dma_wait3A_532] : memref<4x512x512xi32, #tpu.memory_space<hbm>> -> memref<1x8x512xi32, #tpu.memory_space<hbm>>
    %dma_wait3A_534 = tpu.memref_squeeze %dma_wait3A_533 : memref<1x8x512xi32, #tpu.memory_space<hbm>> -> memref<8x512xi32, #tpu.memory_space<hbm>>
    tpu.wait_dma2 semaphore(%arg11 : memref<!tpu.dma_semaphore, #tpu.memory_space<semaphore_mem>>) src(%dma_wait3A_534 : memref<8x512xi32, #tpu.memory_space<hbm>>) dst(%dma_wait3A_531 : memref<8x512xi32, #tpu.memory_space<vmem>>)
    %parallel_loop3A_535 = arith.constant 0 : i32
    %parallel_loop3A_536 = arith.constant 4096 : i32
    %parallel_loop3A_537 = arith.constant 16 : i32
    scf.for %parallel_loop3A_825 = %parallel_loop3A_535 to %parallel_loop3A_536 step %parallel_loop3A_537  : i32 {
      %parallel_loop3A_826 = arith.constant 512 : i32
      %parallel_loop3A_827 = arith.divsi %parallel_loop3A_825, %parallel_loop3A_826 : i32
      %parallel_loop3A_828 = arith.constant 0 : i32
      %parallel_loop3A_829 = arith.cmpi sgt, %parallel_loop3A_825, %parallel_loop3A_828 : i32
      %parallel_loop3A_830 = arith.extui %parallel_loop3A_829 : i1 to i32
      %parallel_loop3A_831 = arith.constant 0 : i32
      %parallel_loop3A_832 = arith.cmpi slt, %parallel_loop3A_825, %parallel_loop3A_831 : i32
      %parallel_loop3A_833 = arith.extui %parallel_loop3A_832 : i1 to i32
      %parallel_loop3A_834 = arith.subi %parallel_loop3A_830, %parallel_loop3A_833 : i32
      %parallel_loop3A_835 = arith.constant 0 : i32
      %parallel_loop3A_836 = arith.cmpi sgt, %parallel_loop3A_826, %parallel_loop3A_835 : i32
      %parallel_loop3A_837 = arith.extui %parallel_loop3A_836 : i1 to i32
      %parallel_loop3A_838 = arith.constant 0 : i32
      %parallel_loop3A_839 = arith.cmpi slt, %parallel_loop3A_826, %parallel_loop3A_838 : i32
      %parallel_loop3A_840 = arith.extui %parallel_loop3A_839 : i1 to i32
      %parallel_loop3A_841 = arith.subi %parallel_loop3A_837, %parallel_loop3A_840 : i32
      %parallel_loop3A_842 = arith.cmpi ne, %parallel_loop3A_834, %parallel_loop3A_841 : i32
      %parallel_loop3A_843 = arith.remsi %parallel_loop3A_825, %parallel_loop3A_826 : i32
      %parallel_loop3A_844 = arith.constant 0 : i32
      %parallel_loop3A_845 = arith.cmpi ne, %parallel_loop3A_843, %parallel_loop3A_844 : i32
      %parallel_loop3A_846 = arith.andi %parallel_loop3A_842, %parallel_loop3A_845 : i1
      %parallel_loop3A_847 = arith.constant 1 : i32
      %parallel_loop3A_848 = arith.subi %parallel_loop3A_827, %parallel_loop3A_847 : i32
      %parallel_loop3A_849 = arith.select %parallel_loop3A_846, %parallel_loop3A_848, %parallel_loop3A_827 : i32
      %parallel_loop3A_850 = arith.constant 512 : i32
      %parallel_loop3A_851 = arith.constant 0 : i32
      %parallel_loop3A_852 = arith.cmpi eq, %parallel_loop3A_850, %parallel_loop3A_851 : i32
      %parallel_loop3A_853 = arith.constant 1 : i32
      %parallel_loop3A_854 = arith.select %parallel_loop3A_852, %parallel_loop3A_853, %parallel_loop3A_850 : i32
      %parallel_loop3A_855 = arith.remsi %parallel_loop3A_825, %parallel_loop3A_854 : i32
      %parallel_loop3A_856 = arith.constant 0 : i32
      %parallel_loop3A_857 = arith.cmpi ne, %parallel_loop3A_855, %parallel_loop3A_856 : i32
      %parallel_loop3A_858 = arith.constant 0 : i32
      %parallel_loop3A_859 = arith.cmpi slt, %parallel_loop3A_855, %parallel_loop3A_858 : i32
      %parallel_loop3A_860 = arith.constant 0 : i32
      %parallel_loop3A_861 = arith.cmpi slt, %parallel_loop3A_854, %parallel_loop3A_860 : i32
      %parallel_loop3A_862 = arith.xori %parallel_loop3A_859, %parallel_loop3A_861 : i1
      %parallel_loop3A_863 = arith.andi %parallel_loop3A_862, %parallel_loop3A_857 : i1
      %parallel_loop3A_864 = arith.addi %parallel_loop3A_855, %parallel_loop3A_854 : i32
      %parallel_loop3A_865 = arith.select %parallel_loop3A_863, %parallel_loop3A_864, %parallel_loop3A_855 : i32
      %parallel_loop3A_866 = arith.constant 4 : i32
      %parallel_loop3A_867 = arith.index_cast %parallel_loop3A_866 : i32 to index
      %parallel_loop3A_868 = arith.index_cast %parallel_loop3A_849 : i32 to index
      %parallel_loop3A_869 = arith.index_cast %parallel_loop3A_865 : i32 to index
      %parallel_loop3A_870 = tpu.vector_load %arg6[%parallel_loop3A_867, %parallel_loop3A_868, %parallel_loop3A_869] {strides = array<i32>} : memref<8x8x512xi32, #tpu.memory_space<vmem>>, vector<1x1x16xi32>,
      %parallel_loop3A_871 = vector.shape_cast %parallel_loop3A_870 : vector<1x1x16xi32> to vector<16xi32>
      %parallel_loop3A_872 = arith.constant 32 : i32
      %parallel_loop3A_873 = vector.broadcast %parallel_loop3A_872 : i32 to vector<16xi32>
      %parallel_loop3A_874 = arith.cmpi slt, %parallel_loop3A_871, %parallel_loop3A_873 : vector<16xi32>
      %parallel_loop3A_875 = arith.select %parallel_loop3A_874, %broadcast_in_dim3A_33, %broadcast_in_dim3A_35 : vector<16xi1>, vector<16xi32>
      %parallel_loop3A_876 = arith.constant 31 : i32
      %parallel_loop3A_877 = vector.broadcast %parallel_loop3A_876 : i32 to vector<16xi32>
      %parallel_loop3A_878 = arith.andi %parallel_loop3A_871, %parallel_loop3A_877 : vector<16xi32>
      %parallel_loop3A_879 = arith.shrsi %parallel_loop3A_875, %parallel_loop3A_878 : vector<16xi32>
      %parallel_loop3A_880 = arith.constant 1 : i32
      %parallel_loop3A_881 = vector.broadcast %parallel_loop3A_880 : i32 to vector<16xi32>
      %parallel_loop3A_882 = arith.andi %parallel_loop3A_879, %parallel_loop3A_881 : vector<16xi32>
      %parallel_loop3A_883 = arith.constant 4 : i32
      %parallel_loop3A_884 = arith.index_cast %parallel_loop3A_883 : i32 to index
      %parallel_loop3A_885 = arith.index_cast %parallel_loop3A_849 : i32 to index
      %parallel_loop3A_886 = arith.index_cast %parallel_loop3A_865 : i32 to index
      %parallel_loop3A_887 = tpu.vector_load %arg5[%parallel_loop3A_884, %parallel_loop3A_885, %parallel_loop3A_886] {strides = array<i32>} : memref<8x8x512xf32, #tpu.memory_space<vmem>>, vector<1x1x16xf32>,
      %parallel_loop3A_888 = vector.shape_cast %parallel_loop3A_887 : vector<1x1x16xf32> to vector<16xf32>
      %parallel_loop3A_889 = arith.constant 1 : i32
      %parallel_loop3A_890 = vector.broadcast %parallel_loop3A_889 : i32 to vector<16xi32>
      %parallel_loop3A_891 = arith.cmpi eq, %parallel_loop3A_882, %parallel_loop3A_890 : vector<16xi32>
      %parallel_loop3A_892 = arith.constant 0.000000e+00 : f32
      %parallel_loop3A_893 = vector.broadcast %parallel_loop3A_892 : f32 to vector<16xf32>
      %parallel_loop3A_894 = arith.select %parallel_loop3A_891, %parallel_loop3A_888, %parallel_loop3A_893 : vector<16xi1>, vector<16xf32>
      %parallel_loop3A_895 = arith.constant 4 : i32
      %parallel_loop3A_896 = arith.index_cast %parallel_loop3A_895 : i32 to index
      %parallel_loop3A_897 = arith.index_cast %parallel_loop3A_849 : i32 to index
      %parallel_loop3A_898 = arith.index_cast %parallel_loop3A_865 : i32 to index
      %parallel_loop3A_899 = tpu.vector_load %arg5[%parallel_loop3A_896, %parallel_loop3A_897, %parallel_loop3A_898] {strides = array<i32>} : memref<8x8x512xf32, #tpu.memory_space<vmem>>, vector<1x1x16xf32>,
      %parallel_loop3A_900 = vector.shape_cast %parallel_loop3A_899 : vector<1x1x16xf32> to vector<16xf32>
      %parallel_loop3A_901 = vector.shape_cast %parallel_loop3A_894 : vector<16xf32> to vector<1x1x16xf32>
      tpu.vector_store %arg5[%parallel_loop3A_896, %parallel_loop3A_897, %parallel_loop3A_898], %parallel_loop3A_901 {strides = array<i32>} : memref<8x8x512xf32, #tpu.memory_space<vmem>>, vector<1x1x16xf32>,
    } {sc.loop_unroll_factor = 8 : i64, sc.parallel_access}
    %add3A_538 = arith.constant 32 : i32
    %add3A_539 = arith.addi %mul3A_32, %add3A_538 : i32
    %dma_start3A_540 = arith.constant 4 : i32
    %dma_start3A_541 = arith.constant 0 : i32
    %dma_start3A_542 = arith.constant 0 : i32
    %dma_start3A_543 = tpu.memref_slice %arg5[%dma_start3A_540, %dma_start3A_541, %dma_start3A_542] : memref<8x8x512xf32, #tpu.memory_space<vmem>> -> memref<1x8x512xf32, #tpu.memory_space<vmem>>
    %dma_start3A_544 = tpu.memref_squeeze %dma_start3A_543 : memref<1x8x512xf32, #tpu.memory_space<vmem>> -> memref<8x512xf32, #tpu.memory_space<vmem>>
    %dma_start3A_545 = arith.constant 0 : i32
    %dma_start3A_546 = tpu.memref_slice %arg4[%select_n3A, %add3A_539, %dma_start3A_545] : memref<4x512x512xf32, #tpu.memory_space<hbm>> -> memref<1x8x512xf32, #tpu.memory_space<hbm>>
    %dma_start3A_547 = tpu.memref_squeeze %dma_start3A_546 : memref<1x8x512xf32, #tpu.memory_space<hbm>> -> memref<8x512xf32, #tpu.memory_space<hbm>>
    %dma_start3A_548 = arith.constant 0 : i32
    %dma_start3A_549 = tpu.memref_slice %arg4[%select_n3A, %add3A_539, %dma_start3A_548] : memref<4x512x512xf32, #tpu.memory_space<hbm>> -> memref<1x8x512xf32, #tpu.memory_space<hbm>>
    %dma_start3A_550 = tpu.memref_squeeze %dma_start3A_549 : memref<1x8x512xf32, #tpu.memory_space<hbm>> -> memref<8x512xf32, #tpu.memory_space<hbm>>
    %dma_start3A_551 = arith.constant 0 : i32
    %dma_start3A_552 = arith.constant 0 : i32
    %dma_start3A_553 = tpu.memref_slice %arg5[%dma_start3A_540, %dma_start3A_551, %dma_start3A_552] : memref<8x8x512xf32, #tpu.memory_space<vmem>> -> memref<1x8x512xf32, #tpu.memory_space<vmem>>
    %dma_start3A_554 = tpu.memref_squeeze %dma_start3A_553 : memref<1x8x512xf32, #tpu.memory_space<vmem>> -> memref<8x512xf32, #tpu.memory_space<vmem>>
    tpu.enqueue_dma source(%dma_start3A_554 : memref<8x512xf32, #tpu.memory_space<vmem>>) target(%dma_start3A_550 : memref<8x512xf32, #tpu.memory_space<hbm>>) target_semaphore(%arg19 : memref<!tpu.dma_semaphore, #tpu.memory_space<semaphore_mem>>)
    %dma_wait3A_555 = arith.constant 5 : i32
    %dma_wait3A_556 = arith.constant 0 : i32
    %dma_wait3A_557 = arith.constant 0 : i32
    %dma_wait3A_558 = tpu.memref_slice %arg5[%dma_wait3A_555, %dma_wait3A_556, %dma_wait3A_557] : memref<8x8x512xf32, #tpu.memory_space<vmem>> -> memref<1x8x512xf32, #tpu.memory_space<vmem>>
    %dma_wait3A_559 = tpu.memref_squeeze %dma_wait3A_558 : memref<1x8x512xf32, #tpu.memory_space<vmem>> -> memref<8x512xf32, #tpu.memory_space<vmem>>
    %dma_wait3A_560 = arith.constant 0 : i32
    %dma_wait3A_561 = tpu.memref_slice %arg2[%select_n3A, %add3A_206, %dma_wait3A_560] : memref<4x512x512xf32, #tpu.memory_space<hbm>> -> memref<1x8x512xf32, #tpu.memory_space<hbm>>
    %dma_wait3A_562 = tpu.memref_squeeze %dma_wait3A_561 : memref<1x8x512xf32, #tpu.memory_space<hbm>> -> memref<8x512xf32, #tpu.memory_space<hbm>>
    %dma_wait3A_563 = arith.constant 0 : i32
    %dma_wait3A_564 = arith.constant 0 : i32
    %dma_wait3A_565 = tpu.memref_slice %arg5[%dma_wait3A_555, %dma_wait3A_563, %dma_wait3A_564] : memref<8x8x512xf32, #tpu.memory_space<vmem>> -> memref<1x8x512xf32, #tpu.memory_space<vmem>>
    %dma_wait3A_566 = tpu.memref_squeeze %dma_wait3A_565 : memref<1x8x512xf32, #tpu.memory_space<vmem>> -> memref<8x512xf32, #tpu.memory_space<vmem>>
    %dma_wait3A_567 = arith.constant 0 : i32
    %dma_wait3A_568 = tpu.memref_slice %arg2[%select_n3A, %add3A_206, %dma_wait3A_567] : memref<4x512x512xf32, #tpu.memory_space<hbm>> -> memref<1x8x512xf32, #tpu.memory_space<hbm>>
    %dma_wait3A_569 = tpu.memref_squeeze %dma_wait3A_568 : memref<1x8x512xf32, #tpu.memory_space<hbm>> -> memref<8x512xf32, #tpu.memory_space<hbm>>
    tpu.wait_dma2 semaphore(%arg12 : memref<!tpu.dma_semaphore, #tpu.memory_space<semaphore_mem>>) src(%dma_wait3A_569 : memref<8x512xf32, #tpu.memory_space<hbm>>) dst(%dma_wait3A_566 : memref<8x512xf32, #tpu.memory_space<vmem>>)
    %dma_wait3A_570 = arith.constant 5 : i32
    %dma_wait3A_571 = arith.constant 0 : i32
    %dma_wait3A_572 = arith.constant 0 : i32
    %dma_wait3A_573 = tpu.memref_slice %arg6[%dma_wait3A_570, %dma_wait3A_571, %dma_wait3A_572] : memref<8x8x512xi32, #tpu.memory_space<vmem>> -> memref<1x8x512xi32, #tpu.memory_space<vmem>>
    %dma_wait3A_574 = tpu.memref_squeeze %dma_wait3A_573 : memref<1x8x512xi32, #tpu.memory_space<vmem>> -> memref<8x512xi32, #tpu.memory_space<vmem>>
    %dma_wait3A_575 = arith.constant 0 : i32
    %dma_wait3A_576 = tpu.memref_slice %arg3[%select_n3A, %add3A_223, %dma_wait3A_575] : memref<4x512x512xi32, #tpu.memory_space<hbm>> -> memref<1x8x512xi32, #tpu.memory_space<hbm>>
    %dma_wait3A_577 = tpu.memref_squeeze %dma_wait3A_576 : memref<1x8x512xi32, #tpu.memory_space<hbm>> -> memref<8x512xi32, #tpu.memory_space<hbm>>
    %dma_wait3A_578 = arith.constant 0 : i32
    %dma_wait3A_579 = arith.constant 0 : i32
    %dma_wait3A_580 = tpu.memref_slice %arg6[%dma_wait3A_570, %dma_wait3A_578, %dma_wait3A_579] : memref<8x8x512xi32, #tpu.memory_space<vmem>> -> memref<1x8x512xi32, #tpu.memory_space<vmem>>
    %dma_wait3A_581 = tpu.memref_squeeze %dma_wait3A_580 : memref<1x8x512xi32, #tpu.memory_space<vmem>> -> memref<8x512xi32, #tpu.memory_space<vmem>>
    %dma_wait3A_582 = arith.constant 0 : i32
    %dma_wait3A_583 = tpu.memref_slice %arg3[%select_n3A, %add3A_223, %dma_wait3A_582] : memref<4x512x512xi32, #tpu.memory_space<hbm>> -> memref<1x8x512xi32, #tpu.memory_space<hbm>>
    %dma_wait3A_584 = tpu.memref_squeeze %dma_wait3A_583 : memref<1x8x512xi32, #tpu.memory_space<hbm>> -> memref<8x512xi32, #tpu.memory_space<hbm>>
    tpu.wait_dma2 semaphore(%arg12 : memref<!tpu.dma_semaphore, #tpu.memory_space<semaphore_mem>>) src(%dma_wait3A_584 : memref<8x512xi32, #tpu.memory_space<hbm>>) dst(%dma_wait3A_581 : memref<8x512xi32, #tpu.memory_space<vmem>>)
    %parallel_loop3A_585 = arith.constant 0 : i32
    %parallel_loop3A_586 = arith.constant 4096 : i32
    %parallel_loop3A_587 = arith.constant 16 : i32
    scf.for %parallel_loop3A_825 = %parallel_loop3A_585 to %parallel_loop3A_586 step %parallel_loop3A_587  : i32 {
      %parallel_loop3A_826 = arith.constant 512 : i32
      %parallel_loop3A_827 = arith.divsi %parallel_loop3A_825, %parallel_loop3A_826 : i32
      %parallel_loop3A_828 = arith.constant 0 : i32
      %parallel_loop3A_829 = arith.cmpi sgt, %parallel_loop3A_825, %parallel_loop3A_828 : i32
      %parallel_loop3A_830 = arith.extui %parallel_loop3A_829 : i1 to i32
      %parallel_loop3A_831 = arith.constant 0 : i32
      %parallel_loop3A_832 = arith.cmpi slt, %parallel_loop3A_825, %parallel_loop3A_831 : i32
      %parallel_loop3A_833 = arith.extui %parallel_loop3A_832 : i1 to i32
      %parallel_loop3A_834 = arith.subi %parallel_loop3A_830, %parallel_loop3A_833 : i32
      %parallel_loop3A_835 = arith.constant 0 : i32
      %parallel_loop3A_836 = arith.cmpi sgt, %parallel_loop3A_826, %parallel_loop3A_835 : i32
      %parallel_loop3A_837 = arith.extui %parallel_loop3A_836 : i1 to i32
      %parallel_loop3A_838 = arith.constant 0 : i32
      %parallel_loop3A_839 = arith.cmpi slt, %parallel_loop3A_826, %parallel_loop3A_838 : i32
      %parallel_loop3A_840 = arith.extui %parallel_loop3A_839 : i1 to i32
      %parallel_loop3A_841 = arith.subi %parallel_loop3A_837, %parallel_loop3A_840 : i32
      %parallel_loop3A_842 = arith.cmpi ne, %parallel_loop3A_834, %parallel_loop3A_841 : i32
      %parallel_loop3A_843 = arith.remsi %parallel_loop3A_825, %parallel_loop3A_826 : i32
      %parallel_loop3A_844 = arith.constant 0 : i32
      %parallel_loop3A_845 = arith.cmpi ne, %parallel_loop3A_843, %parallel_loop3A_844 : i32
      %parallel_loop3A_846 = arith.andi %parallel_loop3A_842, %parallel_loop3A_845 : i1
      %parallel_loop3A_847 = arith.constant 1 : i32
      %parallel_loop3A_848 = arith.subi %parallel_loop3A_827, %parallel_loop3A_847 : i32
      %parallel_loop3A_849 = arith.select %parallel_loop3A_846, %parallel_loop3A_848, %parallel_loop3A_827 : i32
      %parallel_loop3A_850 = arith.constant 512 : i32
      %parallel_loop3A_851 = arith.constant 0 : i32
      %parallel_loop3A_852 = arith.cmpi eq, %parallel_loop3A_850, %parallel_loop3A_851 : i32
      %parallel_loop3A_853 = arith.constant 1 : i32
      %parallel_loop3A_854 = arith.select %parallel_loop3A_852, %parallel_loop3A_853, %parallel_loop3A_850 : i32
      %parallel_loop3A_855 = arith.remsi %parallel_loop3A_825, %parallel_loop3A_854 : i32
      %parallel_loop3A_856 = arith.constant 0 : i32
      %parallel_loop3A_857 = arith.cmpi ne, %parallel_loop3A_855, %parallel_loop3A_856 : i32
      %parallel_loop3A_858 = arith.constant 0 : i32
      %parallel_loop3A_859 = arith.cmpi slt, %parallel_loop3A_855, %parallel_loop3A_858 : i32
      %parallel_loop3A_860 = arith.constant 0 : i32
      %parallel_loop3A_861 = arith.cmpi slt, %parallel_loop3A_854, %parallel_loop3A_860 : i32
      %parallel_loop3A_862 = arith.xori %parallel_loop3A_859, %parallel_loop3A_861 : i1
      %parallel_loop3A_863 = arith.andi %parallel_loop3A_862, %parallel_loop3A_857 : i1
      %parallel_loop3A_864 = arith.addi %parallel_loop3A_855, %parallel_loop3A_854 : i32
      %parallel_loop3A_865 = arith.select %parallel_loop3A_863, %parallel_loop3A_864, %parallel_loop3A_855 : i32
      %parallel_loop3A_866 = arith.constant 5 : i32
      %parallel_loop3A_867 = arith.index_cast %parallel_loop3A_866 : i32 to index
      %parallel_loop3A_868 = arith.index_cast %parallel_loop3A_849 : i32 to index
      %parallel_loop3A_869 = arith.index_cast %parallel_loop3A_865 : i32 to index
      %parallel_loop3A_870 = tpu.vector_load %arg6[%parallel_loop3A_867, %parallel_loop3A_868, %parallel_loop3A_869] {strides = array<i32>} : memref<8x8x512xi32, #tpu.memory_space<vmem>>, vector<1x1x16xi32>,
      %parallel_loop3A_871 = vector.shape_cast %parallel_loop3A_870 : vector<1x1x16xi32> to vector<16xi32>
      %parallel_loop3A_872 = arith.constant 32 : i32
      %parallel_loop3A_873 = vector.broadcast %parallel_loop3A_872 : i32 to vector<16xi32>
      %parallel_loop3A_874 = arith.cmpi slt, %parallel_loop3A_871, %parallel_loop3A_873 : vector<16xi32>
      %parallel_loop3A_875 = arith.select %parallel_loop3A_874, %broadcast_in_dim3A_33, %broadcast_in_dim3A_35 : vector<16xi1>, vector<16xi32>
      %parallel_loop3A_876 = arith.constant 31 : i32
      %parallel_loop3A_877 = vector.broadcast %parallel_loop3A_876 : i32 to vector<16xi32>
      %parallel_loop3A_878 = arith.andi %parallel_loop3A_871, %parallel_loop3A_877 : vector<16xi32>
      %parallel_loop3A_879 = arith.shrsi %parallel_loop3A_875, %parallel_loop3A_878 : vector<16xi32>
      %parallel_loop3A_880 = arith.constant 1 : i32
      %parallel_loop3A_881 = vector.broadcast %parallel_loop3A_880 : i32 to vector<16xi32>
      %parallel_loop3A_882 = arith.andi %parallel_loop3A_879, %parallel_loop3A_881 : vector<16xi32>
      %parallel_loop3A_883 = arith.constant 5 : i32
      %parallel_loop3A_884 = arith.index_cast %parallel_loop3A_883 : i32 to index
      %parallel_loop3A_885 = arith.index_cast %parallel_loop3A_849 : i32 to index
      %parallel_loop3A_886 = arith.index_cast %parallel_loop3A_865 : i32 to index
      %parallel_loop3A_887 = tpu.vector_load %arg5[%parallel_loop3A_884, %parallel_loop3A_885, %parallel_loop3A_886] {strides = array<i32>} : memref<8x8x512xf32, #tpu.memory_space<vmem>>, vector<1x1x16xf32>,
      %parallel_loop3A_888 = vector.shape_cast %parallel_loop3A_887 : vector<1x1x16xf32> to vector<16xf32>
      %parallel_loop3A_889 = arith.constant 1 : i32
      %parallel_loop3A_890 = vector.broadcast %parallel_loop3A_889 : i32 to vector<16xi32>
      %parallel_loop3A_891 = arith.cmpi eq, %parallel_loop3A_882, %parallel_loop3A_890 : vector<16xi32>
      %parallel_loop3A_892 = arith.constant 0.000000e+00 : f32
      %parallel_loop3A_893 = vector.broadcast %parallel_loop3A_892 : f32 to vector<16xf32>
      %parallel_loop3A_894 = arith.select %parallel_loop3A_891, %parallel_loop3A_888, %parallel_loop3A_893 : vector<16xi1>, vector<16xf32>
      %parallel_loop3A_895 = arith.constant 5 : i32
      %parallel_loop3A_896 = arith.index_cast %parallel_loop3A_895 : i32 to index
      %parallel_loop3A_897 = arith.index_cast %parallel_loop3A_849 : i32 to index
      %parallel_loop3A_898 = arith.index_cast %parallel_loop3A_865 : i32 to index
      %parallel_loop3A_899 = tpu.vector_load %arg5[%parallel_loop3A_896, %parallel_loop3A_897, %parallel_loop3A_898] {strides = array<i32>} : memref<8x8x512xf32, #tpu.memory_space<vmem>>, vector<1x1x16xf32>,
      %parallel_loop3A_900 = vector.shape_cast %parallel_loop3A_899 : vector<1x1x16xf32> to vector<16xf32>
      %parallel_loop3A_901 = vector.shape_cast %parallel_loop3A_894 : vector<16xf32> to vector<1x1x16xf32>
      tpu.vector_store %arg5[%parallel_loop3A_896, %parallel_loop3A_897, %parallel_loop3A_898], %parallel_loop3A_901 {strides = array<i32>} : memref<8x8x512xf32, #tpu.memory_space<vmem>>, vector<1x1x16xf32>,
    } {sc.loop_unroll_factor = 8 : i64, sc.parallel_access}
    %add3A_588 = arith.constant 40 : i32
    %add3A_589 = arith.addi %mul3A_32, %add3A_588 : i32
    %dma_start3A_590 = arith.constant 5 : i32
    %dma_start3A_591 = arith.constant 0 : i32
    %dma_start3A_592 = arith.constant 0 : i32
    %dma_start3A_593 = tpu.memref_slice %arg5[%dma_start3A_590, %dma_start3A_591, %dma_start3A_592] : memref<8x8x512xf32, #tpu.memory_space<vmem>> -> memref<1x8x512xf32, #tpu.memory_space<vmem>>
    %dma_start3A_594 = tpu.memref_squeeze %dma_start3A_593 : memref<1x8x512xf32, #tpu.memory_space<vmem>> -> memref<8x512xf32, #tpu.memory_space<vmem>>
    %dma_start3A_595 = arith.constant 0 : i32
    %dma_start3A_596 = tpu.memref_slice %arg4[%select_n3A, %add3A_589, %dma_start3A_595] : memref<4x512x512xf32, #tpu.memory_space<hbm>> -> memref<1x8x512xf32, #tpu.memory_space<hbm>>
    %dma_start3A_597 = tpu.memref_squeeze %dma_start3A_596 : memref<1x8x512xf32, #tpu.memory_space<hbm>> -> memref<8x512xf32, #tpu.memory_space<hbm>>
    %dma_start3A_598 = arith.constant 0 : i32
    %dma_start3A_599 = tpu.memref_slice %arg4[%select_n3A, %add3A_589, %dma_start3A_598] : memref<4x512x512xf32, #tpu.memory_space<hbm>> -> memref<1x8x512xf32, #tpu.memory_space<hbm>>
    %dma_start3A_600 = tpu.memref_squeeze %dma_start3A_599 : memref<1x8x512xf32, #tpu.memory_space<hbm>> -> memref<8x512xf32, #tpu.memory_space<hbm>>
    %dma_start3A_601 = arith.constant 0 : i32
    %dma_start3A_602 = arith.constant 0 : i32
    %dma_start3A_603 = tpu.memref_slice %arg5[%dma_start3A_590, %dma_start3A_601, %dma_start3A_602] : memref<8x8x512xf32, #tpu.memory_space<vmem>> -> memref<1x8x512xf32, #tpu.memory_space<vmem>>
    %dma_start3A_604 = tpu.memref_squeeze %dma_start3A_603 : memref<1x8x512xf32, #tpu.memory_space<vmem>> -> memref<8x512xf32, #tpu.memory_space<vmem>>
    tpu.enqueue_dma source(%dma_start3A_604 : memref<8x512xf32, #tpu.memory_space<vmem>>) target(%dma_start3A_600 : memref<8x512xf32, #tpu.memory_space<hbm>>) target_semaphore(%arg20 : memref<!tpu.dma_semaphore, #tpu.memory_space<semaphore_mem>>)
    %dma_wait3A_605 = arith.constant 6 : i32
    %dma_wait3A_606 = arith.constant 0 : i32
    %dma_wait3A_607 = arith.constant 0 : i32
    %dma_wait3A_608 = tpu.memref_slice %arg5[%dma_wait3A_605, %dma_wait3A_606, %dma_wait3A_607] : memref<8x8x512xf32, #tpu.memory_space<vmem>> -> memref<1x8x512xf32, #tpu.memory_space<vmem>>
    %dma_wait3A_609 = tpu.memref_squeeze %dma_wait3A_608 : memref<1x8x512xf32, #tpu.memory_space<vmem>> -> memref<8x512xf32, #tpu.memory_space<vmem>>
    %dma_wait3A_610 = arith.constant 0 : i32
    %dma_wait3A_611 = tpu.memref_slice %arg2[%select_n3A, %add3A_240, %dma_wait3A_610] : memref<4x512x512xf32, #tpu.memory_space<hbm>> -> memref<1x8x512xf32, #tpu.memory_space<hbm>>
    %dma_wait3A_612 = tpu.memref_squeeze %dma_wait3A_611 : memref<1x8x512xf32, #tpu.memory_space<hbm>> -> memref<8x512xf32, #tpu.memory_space<hbm>>
    %dma_wait3A_613 = arith.constant 0 : i32
    %dma_wait3A_614 = arith.constant 0 : i32
    %dma_wait3A_615 = tpu.memref_slice %arg5[%dma_wait3A_605, %dma_wait3A_613, %dma_wait3A_614] : memref<8x8x512xf32, #tpu.memory_space<vmem>> -> memref<1x8x512xf32, #tpu.memory_space<vmem>>
    %dma_wait3A_616 = tpu.memref_squeeze %dma_wait3A_615 : memref<1x8x512xf32, #tpu.memory_space<vmem>> -> memref<8x512xf32, #tpu.memory_space<vmem>>
    %dma_wait3A_617 = arith.constant 0 : i32
    %dma_wait3A_618 = tpu.memref_slice %arg2[%select_n3A, %add3A_240, %dma_wait3A_617] : memref<4x512x512xf32, #tpu.memory_space<hbm>> -> memref<1x8x512xf32, #tpu.memory_space<hbm>>
    %dma_wait3A_619 = tpu.memref_squeeze %dma_wait3A_618 : memref<1x8x512xf32, #tpu.memory_space<hbm>> -> memref<8x512xf32, #tpu.memory_space<hbm>>
    tpu.wait_dma2 semaphore(%arg13 : memref<!tpu.dma_semaphore, #tpu.memory_space<semaphore_mem>>) src(%dma_wait3A_619 : memref<8x512xf32, #tpu.memory_space<hbm>>) dst(%dma_wait3A_616 : memref<8x512xf32, #tpu.memory_space<vmem>>)
    %dma_wait3A_620 = arith.constant 6 : i32
    %dma_wait3A_621 = arith.constant 0 : i32
    %dma_wait3A_622 = arith.constant 0 : i32
    %dma_wait3A_623 = tpu.memref_slice %arg6[%dma_wait3A_620, %dma_wait3A_621, %dma_wait3A_622] : memref<8x8x512xi32, #tpu.memory_space<vmem>> -> memref<1x8x512xi32, #tpu.memory_space<vmem>>
    %dma_wait3A_624 = tpu.memref_squeeze %dma_wait3A_623 : memref<1x8x512xi32, #tpu.memory_space<vmem>> -> memref<8x512xi32, #tpu.memory_space<vmem>>
    %dma_wait3A_625 = arith.constant 0 : i32
    %dma_wait3A_626 = tpu.memref_slice %arg3[%select_n3A, %add3A_257, %dma_wait3A_625] : memref<4x512x512xi32, #tpu.memory_space<hbm>> -> memref<1x8x512xi32, #tpu.memory_space<hbm>>
    %dma_wait3A_627 = tpu.memref_squeeze %dma_wait3A_626 : memref<1x8x512xi32, #tpu.memory_space<hbm>> -> memref<8x512xi32, #tpu.memory_space<hbm>>
    %dma_wait3A_628 = arith.constant 0 : i32
    %dma_wait3A_629 = arith.constant 0 : i32
    %dma_wait3A_630 = tpu.memref_slice %arg6[%dma_wait3A_620, %dma_wait3A_628, %dma_wait3A_629] : memref<8x8x512xi32, #tpu.memory_space<vmem>> -> memref<1x8x512xi32, #tpu.memory_space<vmem>>
    %dma_wait3A_631 = tpu.memref_squeeze %dma_wait3A_630 : memref<1x8x512xi32, #tpu.memory_space<vmem>> -> memref<8x512xi32, #tpu.memory_space<vmem>>
    %dma_wait3A_632 = arith.constant 0 : i32
    %dma_wait3A_633 = tpu.memref_slice %arg3[%select_n3A, %add3A_257, %dma_wait3A_632] : memref<4x512x512xi32, #tpu.memory_space<hbm>> -> memref<1x8x512xi32, #tpu.memory_space<hbm>>
    %dma_wait3A_634 = tpu.memref_squeeze %dma_wait3A_633 : memref<1x8x512xi32, #tpu.memory_space<hbm>> -> memref<8x512xi32, #tpu.memory_space<hbm>>
    tpu.wait_dma2 semaphore(%arg13 : memref<!tpu.dma_semaphore, #tpu.memory_space<semaphore_mem>>) src(%dma_wait3A_634 : memref<8x512xi32, #tpu.memory_space<hbm>>) dst(%dma_wait3A_631 : memref<8x512xi32, #tpu.memory_space<vmem>>)
    %parallel_loop3A_635 = arith.constant 0 : i32
    %parallel_loop3A_636 = arith.constant 4096 : i32
    %parallel_loop3A_637 = arith.constant 16 : i32
    scf.for %parallel_loop3A_825 = %parallel_loop3A_635 to %parallel_loop3A_636 step %parallel_loop3A_637  : i32 {
      %parallel_loop3A_826 = arith.constant 512 : i32
      %parallel_loop3A_827 = arith.divsi %parallel_loop3A_825, %parallel_loop3A_826 : i32
      %parallel_loop3A_828 = arith.constant 0 : i32
      %parallel_loop3A_829 = arith.cmpi sgt, %parallel_loop3A_825, %parallel_loop3A_828 : i32
      %parallel_loop3A_830 = arith.extui %parallel_loop3A_829 : i1 to i32
      %parallel_loop3A_831 = arith.constant 0 : i32
      %parallel_loop3A_832 = arith.cmpi slt, %parallel_loop3A_825, %parallel_loop3A_831 : i32
      %parallel_loop3A_833 = arith.extui %parallel_loop3A_832 : i1 to i32
      %parallel_loop3A_834 = arith.subi %parallel_loop3A_830, %parallel_loop3A_833 : i32
      %parallel_loop3A_835 = arith.constant 0 : i32
      %parallel_loop3A_836 = arith.cmpi sgt, %parallel_loop3A_826, %parallel_loop3A_835 : i32
      %parallel_loop3A_837 = arith.extui %parallel_loop3A_836 : i1 to i32
      %parallel_loop3A_838 = arith.constant 0 : i32
      %parallel_loop3A_839 = arith.cmpi slt, %parallel_loop3A_826, %parallel_loop3A_838 : i32
      %parallel_loop3A_840 = arith.extui %parallel_loop3A_839 : i1 to i32
      %parallel_loop3A_841 = arith.subi %parallel_loop3A_837, %parallel_loop3A_840 : i32
      %parallel_loop3A_842 = arith.cmpi ne, %parallel_loop3A_834, %parallel_loop3A_841 : i32
      %parallel_loop3A_843 = arith.remsi %parallel_loop3A_825, %parallel_loop3A_826 : i32
      %parallel_loop3A_844 = arith.constant 0 : i32
      %parallel_loop3A_845 = arith.cmpi ne, %parallel_loop3A_843, %parallel_loop3A_844 : i32
      %parallel_loop3A_846 = arith.andi %parallel_loop3A_842, %parallel_loop3A_845 : i1
      %parallel_loop3A_847 = arith.constant 1 : i32
      %parallel_loop3A_848 = arith.subi %parallel_loop3A_827, %parallel_loop3A_847 : i32
      %parallel_loop3A_849 = arith.select %parallel_loop3A_846, %parallel_loop3A_848, %parallel_loop3A_827 : i32
      %parallel_loop3A_850 = arith.constant 512 : i32
      %parallel_loop3A_851 = arith.constant 0 : i32
      %parallel_loop3A_852 = arith.cmpi eq, %parallel_loop3A_850, %parallel_loop3A_851 : i32
      %parallel_loop3A_853 = arith.constant 1 : i32
      %parallel_loop3A_854 = arith.select %parallel_loop3A_852, %parallel_loop3A_853, %parallel_loop3A_850 : i32
      %parallel_loop3A_855 = arith.remsi %parallel_loop3A_825, %parallel_loop3A_854 : i32
      %parallel_loop3A_856 = arith.constant 0 : i32
      %parallel_loop3A_857 = arith.cmpi ne, %parallel_loop3A_855, %parallel_loop3A_856 : i32
      %parallel_loop3A_858 = arith.constant 0 : i32
      %parallel_loop3A_859 = arith.cmpi slt, %parallel_loop3A_855, %parallel_loop3A_858 : i32
      %parallel_loop3A_860 = arith.constant 0 : i32
      %parallel_loop3A_861 = arith.cmpi slt, %parallel_loop3A_854, %parallel_loop3A_860 : i32
      %parallel_loop3A_862 = arith.xori %parallel_loop3A_859, %parallel_loop3A_861 : i1
      %parallel_loop3A_863 = arith.andi %parallel_loop3A_862, %parallel_loop3A_857 : i1
      %parallel_loop3A_864 = arith.addi %parallel_loop3A_855, %parallel_loop3A_854 : i32
      %parallel_loop3A_865 = arith.select %parallel_loop3A_863, %parallel_loop3A_864, %parallel_loop3A_855 : i32
      %parallel_loop3A_866 = arith.constant 6 : i32
      %parallel_loop3A_867 = arith.index_cast %parallel_loop3A_866 : i32 to index
      %parallel_loop3A_868 = arith.index_cast %parallel_loop3A_849 : i32 to index
      %parallel_loop3A_869 = arith.index_cast %parallel_loop3A_865 : i32 to index
      %parallel_loop3A_870 = tpu.vector_load %arg6[%parallel_loop3A_867, %parallel_loop3A_868, %parallel_loop3A_869] {strides = array<i32>} : memref<8x8x512xi32, #tpu.memory_space<vmem>>, vector<1x1x16xi32>,
      %parallel_loop3A_871 = vector.shape_cast %parallel_loop3A_870 : vector<1x1x16xi32> to vector<16xi32>
      %parallel_loop3A_872 = arith.constant 32 : i32
      %parallel_loop3A_873 = vector.broadcast %parallel_loop3A_872 : i32 to vector<16xi32>
      %parallel_loop3A_874 = arith.cmpi slt, %parallel_loop3A_871, %parallel_loop3A_873 : vector<16xi32>
      %parallel_loop3A_875 = arith.select %parallel_loop3A_874, %broadcast_in_dim3A_33, %broadcast_in_dim3A_35 : vector<16xi1>, vector<16xi32>
      %parallel_loop3A_876 = arith.constant 31 : i32
      %parallel_loop3A_877 = vector.broadcast %parallel_loop3A_876 : i32 to vector<16xi32>
      %parallel_loop3A_878 = arith.andi %parallel_loop3A_871, %parallel_loop3A_877 : vector<16xi32>
      %parallel_loop3A_879 = arith.shrsi %parallel_loop3A_875, %parallel_loop3A_878 : vector<16xi32>
      %parallel_loop3A_880 = arith.constant 1 : i32
      %parallel_loop3A_881 = vector.broadcast %parallel_loop3A_880 : i32 to vector<16xi32>
      %parallel_loop3A_882 = arith.andi %parallel_loop3A_879, %parallel_loop3A_881 : vector<16xi32>
      %parallel_loop3A_883 = arith.constant 6 : i32
      %parallel_loop3A_884 = arith.index_cast %parallel_loop3A_883 : i32 to index
      %parallel_loop3A_885 = arith.index_cast %parallel_loop3A_849 : i32 to index
      %parallel_loop3A_886 = arith.index_cast %parallel_loop3A_865 : i32 to index
      %parallel_loop3A_887 = tpu.vector_load %arg5[%parallel_loop3A_884, %parallel_loop3A_885, %parallel_loop3A_886] {strides = array<i32>} : memref<8x8x512xf32, #tpu.memory_space<vmem>>, vector<1x1x16xf32>,
      %parallel_loop3A_888 = vector.shape_cast %parallel_loop3A_887 : vector<1x1x16xf32> to vector<16xf32>
      %parallel_loop3A_889 = arith.constant 1 : i32
      %parallel_loop3A_890 = vector.broadcast %parallel_loop3A_889 : i32 to vector<16xi32>
      %parallel_loop3A_891 = arith.cmpi eq, %parallel_loop3A_882, %parallel_loop3A_890 : vector<16xi32>
      %parallel_loop3A_892 = arith.constant 0.000000e+00 : f32
      %parallel_loop3A_893 = vector.broadcast %parallel_loop3A_892 : f32 to vector<16xf32>
      %parallel_loop3A_894 = arith.select %parallel_loop3A_891, %parallel_loop3A_888, %parallel_loop3A_893 : vector<16xi1>, vector<16xf32>
      %parallel_loop3A_895 = arith.constant 6 : i32
      %parallel_loop3A_896 = arith.index_cast %parallel_loop3A_895 : i32 to index
      %parallel_loop3A_897 = arith.index_cast %parallel_loop3A_849 : i32 to index
      %parallel_loop3A_898 = arith.index_cast %parallel_loop3A_865 : i32 to index
      %parallel_loop3A_899 = tpu.vector_load %arg5[%parallel_loop3A_896, %parallel_loop3A_897, %parallel_loop3A_898] {strides = array<i32>} : memref<8x8x512xf32, #tpu.memory_space<vmem>>, vector<1x1x16xf32>,
      %parallel_loop3A_900 = vector.shape_cast %parallel_loop3A_899 : vector<1x1x16xf32> to vector<16xf32>
      %parallel_loop3A_901 = vector.shape_cast %parallel_loop3A_894 : vector<16xf32> to vector<1x1x16xf32>
      tpu.vector_store %arg5[%parallel_loop3A_896, %parallel_loop3A_897, %parallel_loop3A_898], %parallel_loop3A_901 {strides = array<i32>} : memref<8x8x512xf32, #tpu.memory_space<vmem>>, vector<1x1x16xf32>,
    } {sc.loop_unroll_factor = 8 : i64, sc.parallel_access}
    %add3A_638 = arith.constant 48 : i32
    %add3A_639 = arith.addi %mul3A_32, %add3A_638 : i32
    %dma_start3A_640 = arith.constant 6 : i32
    %dma_start3A_641 = arith.constant 0 : i32
    %dma_start3A_642 = arith.constant 0 : i32
    %dma_start3A_643 = tpu.memref_slice %arg5[%dma_start3A_640, %dma_start3A_641, %dma_start3A_642] : memref<8x8x512xf32, #tpu.memory_space<vmem>> -> memref<1x8x512xf32, #tpu.memory_space<vmem>>
    %dma_start3A_644 = tpu.memref_squeeze %dma_start3A_643 : memref<1x8x512xf32, #tpu.memory_space<vmem>> -> memref<8x512xf32, #tpu.memory_space<vmem>>
    %dma_start3A_645 = arith.constant 0 : i32
    %dma_start3A_646 = tpu.memref_slice %arg4[%select_n3A, %add3A_639, %dma_start3A_645] : memref<4x512x512xf32, #tpu.memory_space<hbm>> -> memref<1x8x512xf32, #tpu.memory_space<hbm>>
    %dma_start3A_647 = tpu.memref_squeeze %dma_start3A_646 : memref<1x8x512xf32, #tpu.memory_space<hbm>> -> memref<8x512xf32, #tpu.memory_space<hbm>>
    %dma_start3A_648 = arith.constant 0 : i32
    %dma_start3A_649 = tpu.memref_slice %arg4[%select_n3A, %add3A_639, %dma_start3A_648] : memref<4x512x512xf32, #tpu.memory_space<hbm>> -> memref<1x8x512xf32, #tpu.memory_space<hbm>>
    %dma_start3A_650 = tpu.memref_squeeze %dma_start3A_649 : memref<1x8x512xf32, #tpu.memory_space<hbm>> -> memref<8x512xf32, #tpu.memory_space<hbm>>
    %dma_start3A_651 = arith.constant 0 : i32
    %dma_start3A_652 = arith.constant 0 : i32
    %dma_start3A_653 = tpu.memref_slice %arg5[%dma_start3A_640, %dma_start3A_651, %dma_start3A_652] : memref<8x8x512xf32, #tpu.memory_space<vmem>> -> memref<1x8x512xf32, #tpu.memory_space<vmem>>
    %dma_start3A_654 = tpu.memref_squeeze %dma_start3A_653 : memref<1x8x512xf32, #tpu.memory_space<vmem>> -> memref<8x512xf32, #tpu.memory_space<vmem>>
    tpu.enqueue_dma source(%dma_start3A_654 : memref<8x512xf32, #tpu.memory_space<vmem>>) target(%dma_start3A_650 : memref<8x512xf32, #tpu.memory_space<hbm>>) target_semaphore(%arg21 : memref<!tpu.dma_semaphore, #tpu.memory_space<semaphore_mem>>)
    %dma_wait3A_655 = arith.constant 7 : i32
    %dma_wait3A_656 = arith.constant 0 : i32
    %dma_wait3A_657 = arith.constant 0 : i32
    %dma_wait3A_658 = tpu.memref_slice %arg5[%dma_wait3A_655, %dma_wait3A_656, %dma_wait3A_657] : memref<8x8x512xf32, #tpu.memory_space<vmem>> -> memref<1x8x512xf32, #tpu.memory_space<vmem>>
    %dma_wait3A_659 = tpu.memref_squeeze %dma_wait3A_658 : memref<1x8x512xf32, #tpu.memory_space<vmem>> -> memref<8x512xf32, #tpu.memory_space<vmem>>
    %dma_wait3A_660 = arith.constant 0 : i32
    %dma_wait3A_661 = tpu.memref_slice %arg2[%select_n3A, %add3A_274, %dma_wait3A_660] : memref<4x512x512xf32, #tpu.memory_space<hbm>> -> memref<1x8x512xf32, #tpu.memory_space<hbm>>
    %dma_wait3A_662 = tpu.memref_squeeze %dma_wait3A_661 : memref<1x8x512xf32, #tpu.memory_space<hbm>> -> memref<8x512xf32, #tpu.memory_space<hbm>>
    %dma_wait3A_663 = arith.constant 0 : i32
    %dma_wait3A_664 = arith.constant 0 : i32
    %dma_wait3A_665 = tpu.memref_slice %arg5[%dma_wait3A_655, %dma_wait3A_663, %dma_wait3A_664] : memref<8x8x512xf32, #tpu.memory_space<vmem>> -> memref<1x8x512xf32, #tpu.memory_space<vmem>>
    %dma_wait3A_666 = tpu.memref_squeeze %dma_wait3A_665 : memref<1x8x512xf32, #tpu.memory_space<vmem>> -> memref<8x512xf32, #tpu.memory_space<vmem>>
    %dma_wait3A_667 = arith.constant 0 : i32
    %dma_wait3A_668 = tpu.memref_slice %arg2[%select_n3A, %add3A_274, %dma_wait3A_667] : memref<4x512x512xf32, #tpu.memory_space<hbm>> -> memref<1x8x512xf32, #tpu.memory_space<hbm>>
    %dma_wait3A_669 = tpu.memref_squeeze %dma_wait3A_668 : memref<1x8x512xf32, #tpu.memory_space<hbm>> -> memref<8x512xf32, #tpu.memory_space<hbm>>
    tpu.wait_dma2 semaphore(%arg14 : memref<!tpu.dma_semaphore, #tpu.memory_space<semaphore_mem>>) src(%dma_wait3A_669 : memref<8x512xf32, #tpu.memory_space<hbm>>) dst(%dma_wait3A_666 : memref<8x512xf32, #tpu.memory_space<vmem>>)
    %dma_wait3A_670 = arith.constant 7 : i32
    %dma_wait3A_671 = arith.constant 0 : i32
    %dma_wait3A_672 = arith.constant 0 : i32
    %dma_wait3A_673 = tpu.memref_slice %arg6[%dma_wait3A_670, %dma_wait3A_671, %dma_wait3A_672] : memref<8x8x512xi32, #tpu.memory_space<vmem>> -> memref<1x8x512xi32, #tpu.memory_space<vmem>>
    %dma_wait3A_674 = tpu.memref_squeeze %dma_wait3A_673 : memref<1x8x512xi32, #tpu.memory_space<vmem>> -> memref<8x512xi32, #tpu.memory_space<vmem>>
    %dma_wait3A_675 = arith.constant 0 : i32
    %dma_wait3A_676 = tpu.memref_slice %arg3[%select_n3A, %add3A_291, %dma_wait3A_675] : memref<4x512x512xi32, #tpu.memory_space<hbm>> -> memref<1x8x512xi32, #tpu.memory_space<hbm>>
    %dma_wait3A_677 = tpu.memref_squeeze %dma_wait3A_676 : memref<1x8x512xi32, #tpu.memory_space<hbm>> -> memref<8x512xi32, #tpu.memory_space<hbm>>
    %dma_wait3A_678 = arith.constant 0 : i32
    %dma_wait3A_679 = arith.constant 0 : i32
    %dma_wait3A_680 = tpu.memref_slice %arg6[%dma_wait3A_670, %dma_wait3A_678, %dma_wait3A_679] : memref<8x8x512xi32, #tpu.memory_space<vmem>> -> memref<1x8x512xi32, #tpu.memory_space<vmem>>
    %dma_wait3A_681 = tpu.memref_squeeze %dma_wait3A_680 : memref<1x8x512xi32, #tpu.memory_space<vmem>> -> memref<8x512xi32, #tpu.memory_space<vmem>>
    %dma_wait3A_682 = arith.constant 0 : i32
    %dma_wait3A_683 = tpu.memref_slice %arg3[%select_n3A, %add3A_291, %dma_wait3A_682] : memref<4x512x512xi32, #tpu.memory_space<hbm>> -> memref<1x8x512xi32, #tpu.memory_space<hbm>>
    %dma_wait3A_684 = tpu.memref_squeeze %dma_wait3A_683 : memref<1x8x512xi32, #tpu.memory_space<hbm>> -> memref<8x512xi32, #tpu.memory_space<hbm>>
    tpu.wait_dma2 semaphore(%arg14 : memref<!tpu.dma_semaphore, #tpu.memory_space<semaphore_mem>>) src(%dma_wait3A_684 : memref<8x512xi32, #tpu.memory_space<hbm>>) dst(%dma_wait3A_681 : memref<8x512xi32, #tpu.memory_space<vmem>>)
    %parallel_loop3A_685 = arith.constant 0 : i32
    %parallel_loop3A_686 = arith.constant 4096 : i32
    %parallel_loop3A_687 = arith.constant 16 : i32
    scf.for %parallel_loop3A_825 = %parallel_loop3A_685 to %parallel_loop3A_686 step %parallel_loop3A_687  : i32 {
      %parallel_loop3A_826 = arith.constant 512 : i32
      %parallel_loop3A_827 = arith.divsi %parallel_loop3A_825, %parallel_loop3A_826 : i32
      %parallel_loop3A_828 = arith.constant 0 : i32
      %parallel_loop3A_829 = arith.cmpi sgt, %parallel_loop3A_825, %parallel_loop3A_828 : i32
      %parallel_loop3A_830 = arith.extui %parallel_loop3A_829 : i1 to i32
      %parallel_loop3A_831 = arith.constant 0 : i32
      %parallel_loop3A_832 = arith.cmpi slt, %parallel_loop3A_825, %parallel_loop3A_831 : i32
      %parallel_loop3A_833 = arith.extui %parallel_loop3A_832 : i1 to i32
      %parallel_loop3A_834 = arith.subi %parallel_loop3A_830, %parallel_loop3A_833 : i32
      %parallel_loop3A_835 = arith.constant 0 : i32
      %parallel_loop3A_836 = arith.cmpi sgt, %parallel_loop3A_826, %parallel_loop3A_835 : i32
      %parallel_loop3A_837 = arith.extui %parallel_loop3A_836 : i1 to i32
      %parallel_loop3A_838 = arith.constant 0 : i32
      %parallel_loop3A_839 = arith.cmpi slt, %parallel_loop3A_826, %parallel_loop3A_838 : i32
      %parallel_loop3A_840 = arith.extui %parallel_loop3A_839 : i1 to i32
      %parallel_loop3A_841 = arith.subi %parallel_loop3A_837, %parallel_loop3A_840 : i32
      %parallel_loop3A_842 = arith.cmpi ne, %parallel_loop3A_834, %parallel_loop3A_841 : i32
      %parallel_loop3A_843 = arith.remsi %parallel_loop3A_825, %parallel_loop3A_826 : i32
      %parallel_loop3A_844 = arith.constant 0 : i32
      %parallel_loop3A_845 = arith.cmpi ne, %parallel_loop3A_843, %parallel_loop3A_844 : i32
      %parallel_loop3A_846 = arith.andi %parallel_loop3A_842, %parallel_loop3A_845 : i1
      %parallel_loop3A_847 = arith.constant 1 : i32
      %parallel_loop3A_848 = arith.subi %parallel_loop3A_827, %parallel_loop3A_847 : i32
      %parallel_loop3A_849 = arith.select %parallel_loop3A_846, %parallel_loop3A_848, %parallel_loop3A_827 : i32
      %parallel_loop3A_850 = arith.constant 512 : i32
      %parallel_loop3A_851 = arith.constant 0 : i32
      %parallel_loop3A_852 = arith.cmpi eq, %parallel_loop3A_850, %parallel_loop3A_851 : i32
      %parallel_loop3A_853 = arith.constant 1 : i32
      %parallel_loop3A_854 = arith.select %parallel_loop3A_852, %parallel_loop3A_853, %parallel_loop3A_850 : i32
      %parallel_loop3A_855 = arith.remsi %parallel_loop3A_825, %parallel_loop3A_854 : i32
      %parallel_loop3A_856 = arith.constant 0 : i32
      %parallel_loop3A_857 = arith.cmpi ne, %parallel_loop3A_855, %parallel_loop3A_856 : i32
      %parallel_loop3A_858 = arith.constant 0 : i32
      %parallel_loop3A_859 = arith.cmpi slt, %parallel_loop3A_855, %parallel_loop3A_858 : i32
      %parallel_loop3A_860 = arith.constant 0 : i32
      %parallel_loop3A_861 = arith.cmpi slt, %parallel_loop3A_854, %parallel_loop3A_860 : i32
      %parallel_loop3A_862 = arith.xori %parallel_loop3A_859, %parallel_loop3A_861 : i1
      %parallel_loop3A_863 = arith.andi %parallel_loop3A_862, %parallel_loop3A_857 : i1
      %parallel_loop3A_864 = arith.addi %parallel_loop3A_855, %parallel_loop3A_854 : i32
      %parallel_loop3A_865 = arith.select %parallel_loop3A_863, %parallel_loop3A_864, %parallel_loop3A_855 : i32
      %parallel_loop3A_866 = arith.constant 7 : i32
      %parallel_loop3A_867 = arith.index_cast %parallel_loop3A_866 : i32 to index
      %parallel_loop3A_868 = arith.index_cast %parallel_loop3A_849 : i32 to index
      %parallel_loop3A_869 = arith.index_cast %parallel_loop3A_865 : i32 to index
      %parallel_loop3A_870 = tpu.vector_load %arg6[%parallel_loop3A_867, %parallel_loop3A_868, %parallel_loop3A_869] {strides = array<i32>} : memref<8x8x512xi32, #tpu.memory_space<vmem>>, vector<1x1x16xi32>,
      %parallel_loop3A_871 = vector.shape_cast %parallel_loop3A_870 : vector<1x1x16xi32> to vector<16xi32>
      %parallel_loop3A_872 = arith.constant 32 : i32
      %parallel_loop3A_873 = vector.broadcast %parallel_loop3A_872 : i32 to vector<16xi32>
      %parallel_loop3A_874 = arith.cmpi slt, %parallel_loop3A_871, %parallel_loop3A_873 : vector<16xi32>
      %parallel_loop3A_875 = arith.select %parallel_loop3A_874, %broadcast_in_dim3A_33, %broadcast_in_dim3A_35 : vector<16xi1>, vector<16xi32>
      %parallel_loop3A_876 = arith.constant 31 : i32
      %parallel_loop3A_877 = vector.broadcast %parallel_loop3A_876 : i32 to vector<16xi32>
      %parallel_loop3A_878 = arith.andi %parallel_loop3A_871, %parallel_loop3A_877 : vector<16xi32>
      %parallel_loop3A_879 = arith.shrsi %parallel_loop3A_875, %parallel_loop3A_878 : vector<16xi32>
      %parallel_loop3A_880 = arith.constant 1 : i32
      %parallel_loop3A_881 = vector.broadcast %parallel_loop3A_880 : i32 to vector<16xi32>
      %parallel_loop3A_882 = arith.andi %parallel_loop3A_879, %parallel_loop3A_881 : vector<16xi32>
      %parallel_loop3A_883 = arith.constant 7 : i32
      %parallel_loop3A_884 = arith.index_cast %parallel_loop3A_883 : i32 to index
      %parallel_loop3A_885 = arith.index_cast %parallel_loop3A_849 : i32 to index
      %parallel_loop3A_886 = arith.index_cast %parallel_loop3A_865 : i32 to index
      %parallel_loop3A_887 = tpu.vector_load %arg5[%parallel_loop3A_884, %parallel_loop3A_885, %parallel_loop3A_886] {strides = array<i32>} : memref<8x8x512xf32, #tpu.memory_space<vmem>>, vector<1x1x16xf32>,
      %parallel_loop3A_888 = vector.shape_cast %parallel_loop3A_887 : vector<1x1x16xf32> to vector<16xf32>
      %parallel_loop3A_889 = arith.constant 1 : i32
      %parallel_loop3A_890 = vector.broadcast %parallel_loop3A_889 : i32 to vector<16xi32>
      %parallel_loop3A_891 = arith.cmpi eq, %parallel_loop3A_882, %parallel_loop3A_890 : vector<16xi32>
      %parallel_loop3A_892 = arith.constant 0.000000e+00 : f32
      %parallel_loop3A_893 = vector.broadcast %parallel_loop3A_892 : f32 to vector<16xf32>
      %parallel_loop3A_894 = arith.select %parallel_loop3A_891, %parallel_loop3A_888, %parallel_loop3A_893 : vector<16xi1>, vector<16xf32>
      %parallel_loop3A_895 = arith.constant 7 : i32
      %parallel_loop3A_896 = arith.index_cast %parallel_loop3A_895 : i32 to index
      %parallel_loop3A_897 = arith.index_cast %parallel_loop3A_849 : i32 to index
      %parallel_loop3A_898 = arith.index_cast %parallel_loop3A_865 : i32 to index
      %parallel_loop3A_899 = tpu.vector_load %arg5[%parallel_loop3A_896, %parallel_loop3A_897, %parallel_loop3A_898] {strides = array<i32>} : memref<8x8x512xf32, #tpu.memory_space<vmem>>, vector<1x1x16xf32>,
      %parallel_loop3A_900 = vector.shape_cast %parallel_loop3A_899 : vector<1x1x16xf32> to vector<16xf32>
      %parallel_loop3A_901 = vector.shape_cast %parallel_loop3A_894 : vector<16xf32> to vector<1x1x16xf32>
      tpu.vector_store %arg5[%parallel_loop3A_896, %parallel_loop3A_897, %parallel_loop3A_898], %parallel_loop3A_901 {strides = array<i32>} : memref<8x8x512xf32, #tpu.memory_space<vmem>>, vector<1x1x16xf32>,
    } {sc.loop_unroll_factor = 8 : i64, sc.parallel_access}
    %add3A_688 = arith.constant 56 : i32
    %add3A_689 = arith.addi %mul3A_32, %add3A_688 : i32
    %dma_start3A_690 = arith.constant 7 : i32
    %dma_start3A_691 = arith.constant 0 : i32
    %dma_start3A_692 = arith.constant 0 : i32
    %dma_start3A_693 = tpu.memref_slice %arg5[%dma_start3A_690, %dma_start3A_691, %dma_start3A_692] : memref<8x8x512xf32, #tpu.memory_space<vmem>> -> memref<1x8x512xf32, #tpu.memory_space<vmem>>
    %dma_start3A_694 = tpu.memref_squeeze %dma_start3A_693 : memref<1x8x512xf32, #tpu.memory_space<vmem>> -> memref<8x512xf32, #tpu.memory_space<vmem>>
    %dma_start3A_695 = arith.constant 0 : i32
    %dma_start3A_696 = tpu.memref_slice %arg4[%select_n3A, %add3A_689, %dma_start3A_695] : memref<4x512x512xf32, #tpu.memory_space<hbm>> -> memref<1x8x512xf32, #tpu.memory_space<hbm>>
    %dma_start3A_697 = tpu.memref_squeeze %dma_start3A_696 : memref<1x8x512xf32, #tpu.memory_space<hbm>> -> memref<8x512xf32, #tpu.memory_space<hbm>>
    %dma_start3A_698 = arith.constant 0 : i32
    %dma_start3A_699 = tpu.memref_slice %arg4[%select_n3A, %add3A_689, %dma_start3A_698] : memref<4x512x512xf32, #tpu.memory_space<hbm>> -> memref<1x8x512xf32, #tpu.memory_space<hbm>>
    %dma_start3A_700 = tpu.memref_squeeze %dma_start3A_699 : memref<1x8x512xf32, #tpu.memory_space<hbm>> -> memref<8x512xf32, #tpu.memory_space<hbm>>
    %dma_start3A_701 = arith.constant 0 : i32
    %dma_start3A_702 = arith.constant 0 : i32
    %dma_start3A_703 = tpu.memref_slice %arg5[%dma_start3A_690, %dma_start3A_701, %dma_start3A_702] : memref<8x8x512xf32, #tpu.memory_space<vmem>> -> memref<1x8x512xf32, #tpu.memory_space<vmem>>
    %dma_start3A_704 = tpu.memref_squeeze %dma_start3A_703 : memref<1x8x512xf32, #tpu.memory_space<vmem>> -> memref<8x512xf32, #tpu.memory_space<vmem>>
    tpu.enqueue_dma source(%dma_start3A_704 : memref<8x512xf32, #tpu.memory_space<vmem>>) target(%dma_start3A_700 : memref<8x512xf32, #tpu.memory_space<hbm>>) target_semaphore(%arg22 : memref<!tpu.dma_semaphore, #tpu.memory_space<semaphore_mem>>)
    %dma_wait3A_705 = arith.constant 0 : i32
    %dma_wait3A_706 = arith.constant 0 : i32
    %dma_wait3A_707 = arith.constant 0 : i32
    %dma_wait3A_708 = tpu.memref_slice %arg5[%dma_wait3A_705, %dma_wait3A_706, %dma_wait3A_707] : memref<8x8x512xf32, #tpu.memory_space<vmem>> -> memref<1x8x512xf32, #tpu.memory_space<vmem>>
    %dma_wait3A_709 = tpu.memref_squeeze %dma_wait3A_708 : memref<1x8x512xf32, #tpu.memory_space<vmem>> -> memref<8x512xf32, #tpu.memory_space<vmem>>
    %dma_wait3A_710 = arith.constant 0 : i32
    %dma_wait3A_711 = tpu.memref_slice %arg4[%select_n3A, %add3A_339, %dma_wait3A_710] : memref<4x512x512xf32, #tpu.memory_space<hbm>> -> memref<1x8x512xf32, #tpu.memory_space<hbm>>
    %dma_wait3A_712 = tpu.memref_squeeze %dma_wait3A_711 : memref<1x8x512xf32, #tpu.memory_space<hbm>> -> memref<8x512xf32, #tpu.memory_space<hbm>>
    %dma_wait3A_713 = arith.constant 0 : i32
    %dma_wait3A_714 = tpu.memref_slice %arg4[%select_n3A, %add3A_339, %dma_wait3A_713] : memref<4x512x512xf32, #tpu.memory_space<hbm>> -> memref<1x8x512xf32, #tpu.memory_space<hbm>>
    %dma_wait3A_715 = tpu.memref_squeeze %dma_wait3A_714 : memref<1x8x512xf32, #tpu.memory_space<hbm>> -> memref<8x512xf32, #tpu.memory_space<hbm>>
    %dma_wait3A_716 = arith.constant 0 : i32
    %dma_wait3A_717 = arith.constant 0 : i32
    %dma_wait3A_718 = tpu.memref_slice %arg5[%dma_wait3A_705, %dma_wait3A_716, %dma_wait3A_717] : memref<8x8x512xf32, #tpu.memory_space<vmem>> -> memref<1x8x512xf32, #tpu.memory_space<vmem>>
    %dma_wait3A_719 = tpu.memref_squeeze %dma_wait3A_718 : memref<1x8x512xf32, #tpu.memory_space<vmem>> -> memref<8x512xf32, #tpu.memory_space<vmem>>
    tpu.wait_dma2 semaphore(%arg15 : memref<!tpu.dma_semaphore, #tpu.memory_space<semaphore_mem>>) src(%dma_wait3A_719 : memref<8x512xf32, #tpu.memory_space<vmem>>) dst(%dma_wait3A_715 : memref<8x512xf32, #tpu.memory_space<hbm>>)
    %dma_wait3A_720 = arith.constant 1 : i32
    %dma_wait3A_721 = arith.constant 0 : i32
    %dma_wait3A_722 = arith.constant 0 : i32
    %dma_wait3A_723 = tpu.memref_slice %arg5[%dma_wait3A_720, %dma_wait3A_721, %dma_wait3A_722] : memref<8x8x512xf32, #tpu.memory_space<vmem>> -> memref<1x8x512xf32, #tpu.memory_space<vmem>>
    %dma_wait3A_724 = tpu.memref_squeeze %dma_wait3A_723 : memref<1x8x512xf32, #tpu.memory_space<vmem>> -> memref<8x512xf32, #tpu.memory_space<vmem>>
    %dma_wait3A_725 = arith.constant 0 : i32
    %dma_wait3A_726 = tpu.memref_slice %arg4[%select_n3A, %add3A_389, %dma_wait3A_725] : memref<4x512x512xf32, #tpu.memory_space<hbm>> -> memref<1x8x512xf32, #tpu.memory_space<hbm>>
    %dma_wait3A_727 = tpu.memref_squeeze %dma_wait3A_726 : memref<1x8x512xf32, #tpu.memory_space<hbm>> -> memref<8x512xf32, #tpu.memory_space<hbm>>
    %dma_wait3A_728 = arith.constant 0 : i32
    %dma_wait3A_729 = tpu.memref_slice %arg4[%select_n3A, %add3A_389, %dma_wait3A_728] : memref<4x512x512xf32, #tpu.memory_space<hbm>> -> memref<1x8x512xf32, #tpu.memory_space<hbm>>
    %dma_wait3A_730 = tpu.memref_squeeze %dma_wait3A_729 : memref<1x8x512xf32, #tpu.memory_space<hbm>> -> memref<8x512xf32, #tpu.memory_space<hbm>>
    %dma_wait3A_731 = arith.constant 0 : i32
    %dma_wait3A_732 = arith.constant 0 : i32
    %dma_wait3A_733 = tpu.memref_slice %arg5[%dma_wait3A_720, %dma_wait3A_731, %dma_wait3A_732] : memref<8x8x512xf32, #tpu.memory_space<vmem>> -> memref<1x8x512xf32, #tpu.memory_space<vmem>>
    %dma_wait3A_734 = tpu.memref_squeeze %dma_wait3A_733 : memref<1x8x512xf32, #tpu.memory_space<vmem>> -> memref<8x512xf32, #tpu.memory_space<vmem>>
    tpu.wait_dma2 semaphore(%arg16 : memref<!tpu.dma_semaphore, #tpu.memory_space<semaphore_mem>>) src(%dma_wait3A_734 : memref<8x512xf32, #tpu.memory_space<vmem>>) dst(%dma_wait3A_730 : memref<8x512xf32, #tpu.memory_space<hbm>>)
    %dma_wait3A_735 = arith.constant 2 : i32
    %dma_wait3A_736 = arith.constant 0 : i32
    %dma_wait3A_737 = arith.constant 0 : i32
    %dma_wait3A_738 = tpu.memref_slice %arg5[%dma_wait3A_735, %dma_wait3A_736, %dma_wait3A_737] : memref<8x8x512xf32, #tpu.memory_space<vmem>> -> memref<1x8x512xf32, #tpu.memory_space<vmem>>
    %dma_wait3A_739 = tpu.memref_squeeze %dma_wait3A_738 : memref<1x8x512xf32, #tpu.memory_space<vmem>> -> memref<8x512xf32, #tpu.memory_space<vmem>>
    %dma_wait3A_740 = arith.constant 0 : i32
    %dma_wait3A_741 = tpu.memref_slice %arg4[%select_n3A, %add3A_439, %dma_wait3A_740] : memref<4x512x512xf32, #tpu.memory_space<hbm>> -> memref<1x8x512xf32, #tpu.memory_space<hbm>>
    %dma_wait3A_742 = tpu.memref_squeeze %dma_wait3A_741 : memref<1x8x512xf32, #tpu.memory_space<hbm>> -> memref<8x512xf32, #tpu.memory_space<hbm>>
    %dma_wait3A_743 = arith.constant 0 : i32
    %dma_wait3A_744 = tpu.memref_slice %arg4[%select_n3A, %add3A_439, %dma_wait3A_743] : memref<4x512x512xf32, #tpu.memory_space<hbm>> -> memref<1x8x512xf32, #tpu.memory_space<hbm>>
    %dma_wait3A_745 = tpu.memref_squeeze %dma_wait3A_744 : memref<1x8x512xf32, #tpu.memory_space<hbm>> -> memref<8x512xf32, #tpu.memory_space<hbm>>
    %dma_wait3A_746 = arith.constant 0 : i32
    %dma_wait3A_747 = arith.constant 0 : i32
    %dma_wait3A_748 = tpu.memref_slice %arg5[%dma_wait3A_735, %dma_wait3A_746, %dma_wait3A_747] : memref<8x8x512xf32, #tpu.memory_space<vmem>> -> memref<1x8x512xf32, #tpu.memory_space<vmem>>
    %dma_wait3A_749 = tpu.memref_squeeze %dma_wait3A_748 : memref<1x8x512xf32, #tpu.memory_space<vmem>> -> memref<8x512xf32, #tpu.memory_space<vmem>>
    tpu.wait_dma2 semaphore(%arg17 : memref<!tpu.dma_semaphore, #tpu.memory_space<semaphore_mem>>) src(%dma_wait3A_749 : memref<8x512xf32, #tpu.memory_space<vmem>>) dst(%dma_wait3A_745 : memref<8x512xf32, #tpu.memory_space<hbm>>)
    %dma_wait3A_750 = arith.constant 3 : i32
    %dma_wait3A_751 = arith.constant 0 : i32
    %dma_wait3A_752 = arith.constant 0 : i32
    %dma_wait3A_753 = tpu.memref_slice %arg5[%dma_wait3A_750, %dma_wait3A_751, %dma_wait3A_752] : memref<8x8x512xf32, #tpu.memory_space<vmem>> -> memref<1x8x512xf32, #tpu.memory_space<vmem>>
    %dma_wait3A_754 = tpu.memref_squeeze %dma_wait3A_753 : memref<1x8x512xf32, #tpu.memory_space<vmem>> -> memref<8x512xf32, #tpu.memory_space<vmem>>
    %dma_wait3A_755 = arith.constant 0 : i32
    %dma_wait3A_756 = tpu.memref_slice %arg4[%select_n3A, %add3A_489, %dma_wait3A_755] : memref<4x512x512xf32, #tpu.memory_space<hbm>> -> memref<1x8x512xf32, #tpu.memory_space<hbm>>
    %dma_wait3A_757 = tpu.memref_squeeze %dma_wait3A_756 : memref<1x8x512xf32, #tpu.memory_space<hbm>> -> memref<8x512xf32, #tpu.memory_space<hbm>>
    %dma_wait3A_758 = arith.constant 0 : i32
    %dma_wait3A_759 = tpu.memref_slice %arg4[%select_n3A, %add3A_489, %dma_wait3A_758] : memref<4x512x512xf32, #tpu.memory_space<hbm>> -> memref<1x8x512xf32, #tpu.memory_space<hbm>>
    %dma_wait3A_760 = tpu.memref_squeeze %dma_wait3A_759 : memref<1x8x512xf32, #tpu.memory_space<hbm>> -> memref<8x512xf32, #tpu.memory_space<hbm>>
    %dma_wait3A_761 = arith.constant 0 : i32
    %dma_wait3A_762 = arith.constant 0 : i32
    %dma_wait3A_763 = tpu.memref_slice %arg5[%dma_wait3A_750, %dma_wait3A_761, %dma_wait3A_762] : memref<8x8x512xf32, #tpu.memory_space<vmem>> -> memref<1x8x512xf32, #tpu.memory_space<vmem>>
    %dma_wait3A_764 = tpu.memref_squeeze %dma_wait3A_763 : memref<1x8x512xf32, #tpu.memory_space<vmem>> -> memref<8x512xf32, #tpu.memory_space<vmem>>
    tpu.wait_dma2 semaphore(%arg18 : memref<!tpu.dma_semaphore, #tpu.memory_space<semaphore_mem>>) src(%dma_wait3A_764 : memref<8x512xf32, #tpu.memory_space<vmem>>) dst(%dma_wait3A_760 : memref<8x512xf32, #tpu.memory_space<hbm>>)
    %dma_wait3A_765 = arith.constant 4 : i32
    %dma_wait3A_766 = arith.constant 0 : i32
    %dma_wait3A_767 = arith.constant 0 : i32
    %dma_wait3A_768 = tpu.memref_slice %arg5[%dma_wait3A_765, %dma_wait3A_766, %dma_wait3A_767] : memref<8x8x512xf32, #tpu.memory_space<vmem>> -> memref<1x8x512xf32, #tpu.memory_space<vmem>>
    %dma_wait3A_769 = tpu.memref_squeeze %dma_wait3A_768 : memref<1x8x512xf32, #tpu.memory_space<vmem>> -> memref<8x512xf32, #tpu.memory_space<vmem>>
    %dma_wait3A_770 = arith.constant 0 : i32
    %dma_wait3A_771 = tpu.memref_slice %arg4[%select_n3A, %add3A_539, %dma_wait3A_770] : memref<4x512x512xf32, #tpu.memory_space<hbm>> -> memref<1x8x512xf32, #tpu.memory_space<hbm>>
    %dma_wait3A_772 = tpu.memref_squeeze %dma_wait3A_771 : memref<1x8x512xf32, #tpu.memory_space<hbm>> -> memref<8x512xf32, #tpu.memory_space<hbm>>
    %dma_wait3A_773 = arith.constant 0 : i32
    %dma_wait3A_774 = tpu.memref_slice %arg4[%select_n3A, %add3A_539, %dma_wait3A_773] : memref<4x512x512xf32, #tpu.memory_space<hbm>> -> memref<1x8x512xf32, #tpu.memory_space<hbm>>
    %dma_wait3A_775 = tpu.memref_squeeze %dma_wait3A_774 : memref<1x8x512xf32, #tpu.memory_space<hbm>> -> memref<8x512xf32, #tpu.memory_space<hbm>>
    %dma_wait3A_776 = arith.constant 0 : i32
    %dma_wait3A_777 = arith.constant 0 : i32
    %dma_wait3A_778 = tpu.memref_slice %arg5[%dma_wait3A_765, %dma_wait3A_776, %dma_wait3A_777] : memref<8x8x512xf32, #tpu.memory_space<vmem>> -> memref<1x8x512xf32, #tpu.memory_space<vmem>>
    %dma_wait3A_779 = tpu.memref_squeeze %dma_wait3A_778 : memref<1x8x512xf32, #tpu.memory_space<vmem>> -> memref<8x512xf32, #tpu.memory_space<vmem>>
    tpu.wait_dma2 semaphore(%arg19 : memref<!tpu.dma_semaphore, #tpu.memory_space<semaphore_mem>>) src(%dma_wait3A_779 : memref<8x512xf32, #tpu.memory_space<vmem>>) dst(%dma_wait3A_775 : memref<8x512xf32, #tpu.memory_space<hbm>>)
    %dma_wait3A_780 = arith.constant 5 : i32
    %dma_wait3A_781 = arith.constant 0 : i32
    %dma_wait3A_782 = arith.constant 0 : i32
    %dma_wait3A_783 = tpu.memref_slice %arg5[%dma_wait3A_780, %dma_wait3A_781, %dma_wait3A_782] : memref<8x8x512xf32, #tpu.memory_space<vmem>> -> memref<1x8x512xf32, #tpu.memory_space<vmem>>
    %dma_wait3A_784 = tpu.memref_squeeze %dma_wait3A_783 : memref<1x8x512xf32, #tpu.memory_space<vmem>> -> memref<8x512xf32, #tpu.memory_space<vmem>>
    %dma_wait3A_785 = arith.constant 0 : i32
    %dma_wait3A_786 = tpu.memref_slice %arg4[%select_n3A, %add3A_589, %dma_wait3A_785] : memref<4x512x512xf32, #tpu.memory_space<hbm>> -> memref<1x8x512xf32, #tpu.memory_space<hbm>>
    %dma_wait3A_787 = tpu.memref_squeeze %dma_wait3A_786 : memref<1x8x512xf32, #tpu.memory_space<hbm>> -> memref<8x512xf32, #tpu.memory_space<hbm>>
    %dma_wait3A_788 = arith.constant 0 : i32
    %dma_wait3A_789 = tpu.memref_slice %arg4[%select_n3A, %add3A_589, %dma_wait3A_788] : memref<4x512x512xf32, #tpu.memory_space<hbm>> -> memref<1x8x512xf32, #tpu.memory_space<hbm>>
    %dma_wait3A_790 = tpu.memref_squeeze %dma_wait3A_789 : memref<1x8x512xf32, #tpu.memory_space<hbm>> -> memref<8x512xf32, #tpu.memory_space<hbm>>
    %dma_wait3A_791 = arith.constant 0 : i32
    %dma_wait3A_792 = arith.constant 0 : i32
    %dma_wait3A_793 = tpu.memref_slice %arg5[%dma_wait3A_780, %dma_wait3A_791, %dma_wait3A_792] : memref<8x8x512xf32, #tpu.memory_space<vmem>> -> memref<1x8x512xf32, #tpu.memory_space<vmem>>
    %dma_wait3A_794 = tpu.memref_squeeze %dma_wait3A_793 : memref<1x8x512xf32, #tpu.memory_space<vmem>> -> memref<8x512xf32, #tpu.memory_space<vmem>>
    tpu.wait_dma2 semaphore(%arg20 : memref<!tpu.dma_semaphore, #tpu.memory_space<semaphore_mem>>) src(%dma_wait3A_794 : memref<8x512xf32, #tpu.memory_space<vmem>>) dst(%dma_wait3A_790 : memref<8x512xf32, #tpu.memory_space<hbm>>)
    %dma_wait3A_795 = arith.constant 6 : i32
    %dma_wait3A_796 = arith.constant 0 : i32
    %dma_wait3A_797 = arith.constant 0 : i32
    %dma_wait3A_798 = tpu.memref_slice %arg5[%dma_wait3A_795, %dma_wait3A_796, %dma_wait3A_797] : memref<8x8x512xf32, #tpu.memory_space<vmem>> -> memref<1x8x512xf32, #tpu.memory_space<vmem>>
    %dma_wait3A_799 = tpu.memref_squeeze %dma_wait3A_798 : memref<1x8x512xf32, #tpu.memory_space<vmem>> -> memref<8x512xf32, #tpu.memory_space<vmem>>
    %dma_wait3A_800 = arith.constant 0 : i32
    %dma_wait3A_801 = tpu.memref_slice %arg4[%select_n3A, %add3A_639, %dma_wait3A_800] : memref<4x512x512xf32, #tpu.memory_space<hbm>> -> memref<1x8x512xf32, #tpu.memory_space<hbm>>
    %dma_wait3A_802 = tpu.memref_squeeze %dma_wait3A_801 : memref<1x8x512xf32, #tpu.memory_space<hbm>> -> memref<8x512xf32, #tpu.memory_space<hbm>>
    %dma_wait3A_803 = arith.constant 0 : i32
    %dma_wait3A_804 = tpu.memref_slice %arg4[%select_n3A, %add3A_639, %dma_wait3A_803] : memref<4x512x512xf32, #tpu.memory_space<hbm>> -> memref<1x8x512xf32, #tpu.memory_space<hbm>>
    %dma_wait3A_805 = tpu.memref_squeeze %dma_wait3A_804 : memref<1x8x512xf32, #tpu.memory_space<hbm>> -> memref<8x512xf32, #tpu.memory_space<hbm>>
    %dma_wait3A_806 = arith.constant 0 : i32
    %dma_wait3A_807 = arith.constant 0 : i32
    %dma_wait3A_808 = tpu.memref_slice %arg5[%dma_wait3A_795, %dma_wait3A_806, %dma_wait3A_807] : memref<8x8x512xf32, #tpu.memory_space<vmem>> -> memref<1x8x512xf32, #tpu.memory_space<vmem>>
    %dma_wait3A_809 = tpu.memref_squeeze %dma_wait3A_808 : memref<1x8x512xf32, #tpu.memory_space<vmem>> -> memref<8x512xf32, #tpu.memory_space<vmem>>
    tpu.wait_dma2 semaphore(%arg21 : memref<!tpu.dma_semaphore, #tpu.memory_space<semaphore_mem>>) src(%dma_wait3A_809 : memref<8x512xf32, #tpu.memory_space<vmem>>) dst(%dma_wait3A_805 : memref<8x512xf32, #tpu.memory_space<hbm>>)
    %dma_wait3A_810 = arith.constant 7 : i32
    %dma_wait3A_811 = arith.constant 0 : i32
    %dma_wait3A_812 = arith.constant 0 : i32
    %dma_wait3A_813 = tpu.memref_slice %arg5[%dma_wait3A_810, %dma_wait3A_811, %dma_wait3A_812] : memref<8x8x512xf32, #tpu.memory_space<vmem>> -> memref<1x8x512xf32, #tpu.memory_space<vmem>>
    %dma_wait3A_814 = tpu.memref_squeeze %dma_wait3A_813 : memref<1x8x512xf32, #tpu.memory_space<vmem>> -> memref<8x512xf32, #tpu.memory_space<vmem>>
    %dma_wait3A_815 = arith.constant 0 : i32
    %dma_wait3A_816 = tpu.memref_slice %arg4[%select_n3A, %add3A_689, %dma_wait3A_815] : memref<4x512x512xf32, #tpu.memory_space<hbm>> -> memref<1x8x512xf32, #tpu.memory_space<hbm>>
    %dma_wait3A_817 = tpu.memref_squeeze %dma_wait3A_816 : memref<1x8x512xf32, #tpu.memory_space<hbm>> -> memref<8x512xf32, #tpu.memory_space<hbm>>
    %dma_wait3A_818 = arith.constant 0 : i32
    %dma_wait3A_819 = tpu.memref_slice %arg4[%select_n3A, %add3A_689, %dma_wait3A_818] : memref<4x512x512xf32, #tpu.memory_space<hbm>> -> memref<1x8x512xf32, #tpu.memory_space<hbm>>
    %dma_wait3A_820 = tpu.memref_squeeze %dma_wait3A_819 : memref<1x8x512xf32, #tpu.memory_space<hbm>> -> memref<8x512xf32, #tpu.memory_space<hbm>>
    %dma_wait3A_821 = arith.constant 0 : i32
    %dma_wait3A_822 = arith.constant 0 : i32
    %dma_wait3A_823 = tpu.memref_slice %arg5[%dma_wait3A_810, %dma_wait3A_821, %dma_wait3A_822] : memref<8x8x512xf32, #tpu.memory_space<vmem>> -> memref<1x8x512xf32, #tpu.memory_space<vmem>>
    %dma_wait3A_824 = tpu.memref_squeeze %dma_wait3A_823 : memref<1x8x512xf32, #tpu.memory_space<vmem>> -> memref<8x512xf32, #tpu.memory_space<vmem>>
    tpu.wait_dma2 semaphore(%arg22 : memref<!tpu.dma_semaphore, #tpu.memory_space<semaphore_mem>>) src(%dma_wait3A_824 : memref<8x512xf32, #tpu.memory_space<vmem>>) dst(%dma_wait3A_820 : memref<8x512xf32, #tpu.memory_space<hbm>>)
    return
  }
}

</mosaic_0001>

<sc_bundles>
// kernel: kernel.3.cloned.1.call-start
scs
__scs_entry_jumppad:
0x0: {  	(pc) =	sbr.rel $0x88, $3  }
0x1: {  	(tag) =	ssettag $0x0;
	lr =	simm.s32 $0x1  }
0x2: {  	[smem:$0x3F9F] =	sst lr;
	_ =	strace $0xD0000000  }
0x3: {  	_ = 	snop  }
0x4: {  	_ = 	snop  }
0x5: {  	_ = 	snop  }
0x6: {  	_ = 	snop  }
0x7: {  	_ = 	snop  }
__scs_overlays_trampoline_lowered:
0x8: {  	[smem:$0x3FAE] =	sst s0  }
0x9: {  	[smem:$0x3FAF] =	sst s1  }
0xa: {  	[smem:$0x3FB0] =	sst s2  }
0xb: {  	[smem:$0x3FB1] =	sst s3  }
0xc: {  	[smem:$0x3FB2] =	sst s4  }
0xd: {  	[smem:$0x3FB3] =	sst s5  }
0xe: {  	[smem:$0x3FB4] =	sst s6  }
0xf: {  	[smem:$0x3FB5] =	sst s7  }
0x10: {  	[smem:$0x3FB6] =	sst s8  }
0x11: {  	[smem:$0x3FB7] =	sst s9;
	s0 =	simm.s32 @!p0 $0x0  }
0x12: {  	s1 =	sld [smem:$0x3F9D];
	s0 =	simm.s32 @p0 $0x1  }
0x13: {  	[smem:$0x3FB8] =	sst s0;
	s0 =	simm.s32 @!p1 $0x0  }
0x14: {  	s2 =	sld [smem:$0x3F9C];
	s0 =	simm.s32 @p1 $0x1  }
0x15: {  	[smem:$0x3FB9] =	sst s0;
	s0 =	simm.s32 @!p2 $0x0  }
0x16: {  	s3 =	sld [smem:$0x3FDB];
	s0 =	simm.s32 @p2 $0x1  }
0x17: {  	s4 =	simm.s32 $0x1BF5;
	[smem:$0x3FBB] =	sst s0  }
0x18: {  	s0 =	sld [smem:$0x3F9E];
	_ =	swait.ge [sflag:s4], $0x0  }
0x19: {  	s7 =	sld [smem:$0x3F9F]  }
0x1a: {  	s8 =	sadd.s32 $0xFFFFE003, lr  }
0x1b: {  	s9 =	sadd.s32 $0xFFFFFEF7, lr;
	s5 =	simm.s32 $0xFFFFFFFF;
	p2 =	slt.u32 s8, $0xFFFFF086  }
0x1c: {  	p1 =	slt.u32 s9, $0xF7A;
	s5 =	simm.s32 @!p2 $0x0  }
0x1d: {  	s5 =	simm.s32 @p1 $0x1;
	p0 =	seq.s32 s7, s2  }
0x1e: {  	s7 =	smul.u32 @!p0 $0xF7A, s2;
	p2 =	seq.s32 @!p0 s5, $0x0  }
0x1f: {  	s9 =	smul.u32 $0xF7A, s1;
	s8 =	simm.s32 @!p0 $0x1BF5;
	p2 =	por !p2, p0  }
0x20: {  	[sflag:s8] =	ssyncset.s32 @!p0 $0xFFFFF086;
	s6 =	sadd.s32 @!p0 s3, s7;
	s7 =	simm.s32 @!p0 $0x108  }
0x21: {  	s3 =	sadd.s32 s3, s9;
	s6 =	sadd.s32 @!p0 $0x88, s6;
	s7 =	simm.s32 @p2 $0x1082  }
0x22: {  	[simem:s7], [sflag:s8] =	dma.local @!p0 [hbm:s6], $0xF7A  }
0x23: {  	s9 =	sor.u32 $0xD0000000, s2;
	s6 =	simm.s32 $0x108;
	_ =	swait.ge @!p0 [sflag:s8], $0x0  }
0x24: {  	s3 =	sadd.s32 $0x88, s3;
	s6 =	simm.s32 @!p1 $0x1082;
	[sflag:s4] =	ssyncset.s32 $0xFFFFF086  }
0x25: {  	[simem:s6], [sflag:s4] =	dma.local [hbm:s3], $0xF7A  }
0x26: {  	[smem:$0x3F9F] =	sst s1;
	(tag) =	ssettag s2;
	_ =	strace s9  }
0x27: {  	s1 =	sld [smem:$0x3FAF]  }
0x28: {  	s2 =	sld [smem:$0x3FB0]  }
0x29: {  	s4 =	sld [smem:$0x3FB2]  }
0x2a: {  	p0 =	seq.s32 s5, $0x0;
	s5 =	sld [smem:$0x3FB3]  }
0x2b: {  	s6 =	sld [smem:$0x3FB4]  }
0x2c: {  	s7 =	sld [smem:$0x3FB5]  }
0x2d: {  	s3 =	simm.s32 $0x108;
	s8 =	sld [smem:$0x3FB6]  }
0x2e: {  	s3 =	simm.s32 @!p0 $0x1082;
	s9 =	sld [smem:$0x3FB7]  }
0x2f: {  	lr =	sadd.s32 s0, s3;
	s0 =	sld [smem:$0x3FAE]  }
0x30: {  	s3 =	sld [smem:$0x3FB1]  }
0x31: {  	[smem:$0x3FBA] =	sst s10  }
0x32: {  	s10 =	sld [smem:$0x3FB8];
	_ =	sdelay $0x3  }
0x33: {  	p0 =	seq.s32 s10, $0x1;
	s10 =	sld [smem:$0x3FBA];
	_ =	sdelay $0x3  }
0x34: {  	[smem:$0x3FBA] =	sst s10  }
0x35: {  	s10 =	sld [smem:$0x3FB9];
	_ =	sdelay $0x3  }
0x36: {  	p1 =	seq.s32 s10, $0x1;
	s10 =	sld [smem:$0x3FBA];
	_ =	sdelay $0x3  }
0x37: {  	[smem:$0x3FBA] =	sst s10  }
0x38: {  	s10 =	sld [smem:$0x3FBB]  }
0x39: {  	_ = 	snop;
	(pc) =	sbr.ind lr, $3  }
0x3a: {  	_ = 	snop  }
0x3b: {  	_ = 	snop  }
0x3c: {  	p2 =	seq.s32 s10, $0x1;
	s10 =	sld [smem:$0x3FBA]  }
0x3d: {  	_ =	shalt  }
0x3e: {  	_ =	shalt  }
0x3f: {  	_ =	shalt  }
0x40: {  	_ =	shalt  }
0x41: {  	_ =	shalt  }
0x42: {  	_ =	shalt  }
0x43: {  	_ =	shalt  }
0x44: {  	_ =	shalt  }
0x45: {  	_ =	shalt  }
0x46: {  	_ =	shalt  }
0x47: {  	_ =	shalt  }
0x48: {  	_ =	shalt  }
0x49: {  	_ =	shalt  }
0x4a: {  	_ =	shalt  }
0x4b: {  	_ =	shalt  }
0x4c: {  	_ =	shalt  }
0x4d: {  	_ =	shalt  }
0x4e: {  	_ =	shalt  }
0x4f: {  	_ =	shalt  }
0x50: {  	_ =	shalt  }
0x51: {  	_ =	shalt  }
0x52: {  	_ =	shalt  }
0x53: {  	_ =	shalt  }
0x54: {  	_ =	shalt  }
0x55: {  	_ =	shalt  }
0x56: {  	_ =	shalt  }
0x57: {  	_ =	shalt  }
0x58: {  	_ =	shalt  }
0x59: {  	_ =	shalt  }
0x5a: {  	_ =	shalt  }
0x5b: {  	_ =	shalt  }
0x5c: {  	_ =	shalt  }
0x5d: {  	_ =	shalt  }
0x5e: {  	_ =	shalt  }
0x5f: {  	_ =	shalt  }
0x60: {  	_ =	shalt  }
0x61: {  	_ =	shalt  }
0x62: {  	_ =	shalt  }
0x63: {  	_ =	shalt  }
0x64: {  	_ =	shalt  }
0x65: {  	_ =	shalt  }
0x66: {  	_ =	shalt  }
0x67: {  	_ =	shalt  }
0x68: {  	_ =	shalt  }
0x69: {  	_ =	shalt  }
0x6a: {  	_ =	shalt  }
0x6b: {  	_ =	shalt  }
0x6c: {  	_ =	shalt  }
0x6d: {  	_ =	shalt  }
0x6e: {  	_ =	shalt  }
0x6f: {  	_ =	shalt  }
0x70: {  	_ =	shalt  }
0x71: {  	_ =	shalt  }
0x72: {  	_ =	shalt  }
0x73: {  	_ =	shalt  }
0x74: {  	_ =	shalt  }
0x75: {  	_ =	shalt  }
0x76: {  	_ =	shalt  }
0x77: {  	_ =	shalt  }
0x78: {  	_ =	shalt  }
0x79: {  	_ =	shalt  }
0x7a: {  	_ =	shalt  }
0x7b: {  	_ =	shalt  }
0x7c: {  	_ =	shalt  }
0x7d: {  	_ =	shalt  }
0x7e: {  	_ =	shalt  }
0x7f: {  	_ =	shalt  }
0x80: {  	_ =	shalt  }
0x81: {  	_ =	shalt  }
0x82: {  	_ =	shalt  }
0x83: {  	_ =	shalt  }
0x84: {  	_ =	shalt  }
0x85: {  	_ =	shalt  }
0x86: {  	_ =	shalt  }
0x87: {  	_ =	shalt  }
.Lfunc_end0:
.L_simem_size_0:
called_computation_lowered:
.L_overlay_start_0:
0x88: {  	s2 =	sld [smem:$0x3FD9]  }
0x89: {  	s3 =	sld [smem:$0x3FFE];
	_ =	sdelay $0x1  }
0x8a: {  	s1 =	srdreg.scid  }
0x8b: {  	s0 =	sand.u32 $0x1, s1  }
0x8c: {  	s18 =	sshll.u32 s0, $0xA;
	s2 =	sadd.s32 s3, s2  }
0x8d: {  	s2 =	sadd.s32 s2, s18  }
0x8e: {  	[smem:$0x3FC6] =	sst s2  }
0x8f: {  	_ = 	snop  }
0x90: {  	s2 =	sld [smem:$0x3FC9]  }
0x91: {  	s19 =	sld [smem:$0x3FC8]  }
0x92: {  	s4 =	sld [smem:$0x3FD0];
	(tm) =	ssettm $0x1  }
0x93: {  	s5 =	sld [smem:$0x3FFB];
	_ =	sdelay $0x3  }
0x94: {  	_ =	strace s5  }
0x95: {  	s5 =	sld [smem:$0x3FFC];
	_ =	sdelay $0x3  }
0x96: {  	_ =	strace s5  }
0x97: {  	s5 =	sld [smem:$0x3FFD];
	_ =	sdelay $0x3  }
0x98: {  	_ =	strace s5  }
0x99: {  	_ =	strace $0x8FFFFFFF  }
0x9a: {  	s20 =	sld [smem:$0x3FDB];
	_ =	sdelay $0x1  }
0x9b: {  	s6 =	simm.s32 $_scs_section_size  }
0x9c: {  	s7 =	simm.s32 $_size__tile_overlayer_lowered;
	s8 =	simm.s32 $_tile_overlayer_lowered  }
0x9d: {  	s23 =	simm.s32 $0x1BFF;
	s22 =	sshll.u32 s8, $0x1;
	s5 =	sadd.s32 s6, s20  }
0x9e: {  	s9 =	simm.s32 $0x0;
	s21 =	sshll.u32 s7, $0x1;
	s7 =	sadd.s32 s22, s5  }
0x9f: {  	[timem:s9], [sflag:s23] =	dma.local [hbm:s7], s21  }
0xa0: {  	_ =	swait.ge [sflag:s23], s21  }
0xa1: {  	s6 =	ssub.s32 $0x0, s21;
	[sflag:s23] =	ssyncset.done $0x0  }
0xa2: {  	[sflag:s23] =	ssyncadd.s32 s6;
	_ =	sdelay $0x1  }
0xa3: {  	s24 =	simm.s32 $0x1B8B  }
0xa4: {  	_ =	swait.ge [sflag:s24], $0x1  }
0xa5: {  	[sflag:s24] =	ssyncset.done $0x0  }
0xa6: {  	s25 =	simm.s32 $0x1B8E;
	[sflag:s24] =	ssyncadd.s32 $0xFFFFFFFF  }
0xa7: {  	s26 =	simm.s32 $execute0_lowered;
	[smem:$0x3FD2] =	sst s25  }
0xa8: {  	s6 =	sshll.u32 s26, $0x1;
	_ =	strace $0x80000046;
	[dreg:$0x1] =	wrdreg $0xFFFFFFFF  }
0xa9: {  	s28 =	simm.s32 $_size_execute0_lowered;
	s5 =	sadd.s32 s5, s6;
	[dreg:$0x0] =	wrdreg $0x0  }
0xaa: {  	s6 =	sshll.u32 s28, $0x1;
	[dreg:$0x2] =	wrdreg s5  }
0xab: {  	[dreg:$0x3] =	wrdreg s6  }
0xac: {  	[dreg:$0x4] =	wrdreg $0xC0  }
0xad: {  	_ =	task [dreg:s9], $0x5FFFF  }
0xae: {  	[dreg:$0x1] =	wrdreg $0xFFFFFFFF  }
0xaf: {  	[dreg:$0x0] =	wrdreg $0x60  }
0xb0: {  	[dreg:$0x2] =	wrdreg s2  }
0xb1: {  	[dreg:$0x3] =	wrdreg s19  }
0xb2: {  	[dreg:$0x4] =	wrdreg s4  }
0xb3: {  	[dreg:$0x5] =	wrdreg $0x9  }
0xb4: {  	_ =	task.clear_ibuf [dreg:s9], $0x6FFFF;
	_ =	strace $0x90000046  }
0xb5: {  	s29 =	simm.s32 $0x9;
	_ =	strace $0x80000048  }
0xb6: {  	_ =	swait.ge [sflag:s29], $0x1  }
0xb7: {  	[sflag:s29] =	ssyncadd.s32 $0xFFFFFFFF  }
0xb8: {  	_ =	strace $0x90000048  }
0xb9: {  	_ =	sfence  }
0xba: {  	s30 =	sld [smem:$0x0];
	_ =	sdelay $0x2  }
0xbb: {  	s31 =	sshll.u32 s1, $0xD;
	s1 =	sshrl.u32 s1, $0x2  }
0xbc: {  	s3 =	sand.u32 $0x4000, s31;
	s1 =	sadd.s32 s1, s30  }
0xbd: {  	s0 =	sor.u32 s3, s0;
	s1 =	sshll.u32 s1, $0x11  }
0xbe: {  	s0 =	sor.u32 s1, s0  }
0xbf: {  	s0 =	sadd.s32 $0x8F2B, s0  }
0xc0: {  	[sflag:s0] =	ssyncadd.remote.s32 $0x1  }
0xc1: {  	_ =	sfence.sel $0xFFFF  }
0xc2: {  	[dreg:$0x0] =	wrdreg $0xFFFFFFFF;
	(pc) =	sbr.abs _section_cstart, $3  }
0xc3: {  	[dreg:$0x1] =	wrdreg $0xFFFFFFFF  }
0xc4: {  	_ =	task.clear_ibuf [dreg:s9], $0x2FFFF;
	_ =	strace $0x9FFFFFFF  }
0xc5: {  	(tm) =	ssettm $0x7FFFFFFF  }
tec
execute0_lowered:
.L_overlay_start_1:
0x0: {  	(tag) =	ssettag $0x1  }
0x1: {  	s7 =	stileid.u32  }
0x2: {  	s4 =	srdreg.scid;
	s5 =	sshll.u32 s7, $0x1  }
0x3: {  	s0 =	rddreg [dreg:$0x0];
	s4 =	sand.u32 $0x1, s4;
	s5 =	sand.u32 $0x6, s5  }
0x4: {  	s17 =	sshll.u32 s7, $0xD;
	s6 =	ssub.s32 $0x2, s4;
	s4 =	sor.u32 s4, s5  }
0x5: {  	s2 =	rddreg [dreg:$0x1];
	s5 =	sand.u32 $0x18000, s17;
	s4 =	sshll.u32 s4, $0xC  }
0x6: {  	s3 =	rddreg [dreg:$0x2];
	s1 =	simm.s32 $0x0;
	s4 =	sor.u32 s5, s4  }
0x7: {  	[smem:$0x7FF] =	sst s1;
	s5 =	sadd.s32 s0, s4  }
0x8: {  	s19 =	sadd.s32 s2, s4;
	s20 =	sor.u32 $0x200, s4;
	[dreg:$0x4] =	wrdreg s5  }
0x9: {  	s28 =	simm.s32 $0x5000;
	[dreg:$0x5] =	wrdreg s19;
	s21 =	sadd.s32 s0, s20  }
0xa: {  	s23 =	sor.u32 $0x400, s4;
	s22 =	sadd.s32 s2, s20;
	[dreg:$0x6] =	wrdreg s21  }
0xb: {  	s29 =	simm.s32 $0x6000;
	s8 =	sadd.s32 s0, s23;
	[dreg:$0x7] =	wrdreg s22  }
0xc: {  	s25 =	sor.u32 $0x600, s4;
	s24 =	sadd.s32 s2, s23;
	[dreg:$0x8] =	wrdreg s8  }
0xd: {  	s30 =	simm.s32 $0x4;
	s9 =	sadd.s32 s0, s25;
	[dreg:$0x9] =	wrdreg s24  }
0xe: {  	s31 =	sor.u32 $0x800, s4;
	s26 =	sadd.s32 s2, s25;
	[dreg:$0xa] =	wrdreg s9  }
0xf: {  	s7 =	simm.s32 $0x5;
	s10 =	sadd.s32 s0, s31;
	[dreg:$0xb] =	wrdreg s26  }
0x10: {  	s14 =	sor.u32 $0xA00, s4;
	s13 =	sadd.s32 s2, s31;
	[dreg:$0xc] =	wrdreg s10  }
0x11: {  	s18 =	sshrl.u32 s6, $0x1;
	s11 =	sadd.s32 s0, s14;
	[dreg:$0xd] =	wrdreg s13  }
0x12: {  	s15 =	sor.u32 $0xC00, s4;
	s16 =	sadd.s32 s2, s14;
	[dreg:$0xe] =	wrdreg s11  }
0x13: {  	s12 =	sor.u32 $0xE00, s4;
	s17 =	sadd.s32 s2, s15;
	[dreg:$0x11] =	wrdreg s16  }
0x14: {  	s6 =	ssub.s32 s6, s18;
	s18 =	sadd.s32 s2, s12;
	[dreg:$0x12] =	wrdreg s17  }
0x15: {  	s19 =	sadd.s32 s3, s4;
	s20 =	sadd.s32 s3, s20;
	[dreg:$0x13] =	wrdreg s18  }
0x16: {  	s4 =	simm.s32 $0x1;
	s5 =	simm.s32 $0x2;
	[dreg:$0x14] =	wrdreg s19  }
0x17: {  	s2 =	simm.s32 $0xF;
	s13 =	sadd.s32 s0, s15;
	[dreg:$0x15] =	wrdreg s20  }
0x18: {  	s0 =	sadd.s32 s0, s12;
	s21 =	sadd.s32 s3, s23;
	[dreg:$0xf] =	wrdreg s13  }
0x19: {  	s22 =	sadd.s32 s3, s25;
	s23 =	sadd.s32 s3, s31;
	[dreg:$0x10] =	wrdreg s0  }
0x1a: {  	s24 =	sadd.s32 s3, s14;
	s25 =	sadd.s32 s3, s15;
	[dreg:$0x16] =	wrdreg s21  }
0x1b: {  	s26 =	sadd.s32 s3, s12;
	s31 =	smax.u32 s6, $0x1;
	[dreg:$0x17] =	wrdreg s22  }
0x1c: {  	s11 =	simm.s32 $0x1000;
	s14 =	simm.s32 $0x7000;
	[dreg:$0x18] =	wrdreg s23  }
0x1d: {  	s6 =	simm.s32 $0x3;
	s18 =	simm.s32 $0x6;
	[dreg:$0x19] =	wrdreg s24  }
0x1e: {  	s8 =	simm.s32 $0x7;
	s9 =	simm.s32 $0x8;
	[dreg:$0x1a] =	wrdreg s25  }
0x1f: {  	s12 =	simm.s32 $0xE;
	s3 =	simm.s32 $0x0;
	[dreg:$0x1b] =	wrdreg s26  }
0x20: {  	s24 =	simm.s32 $0x2000;
	s25 =	simm.s32 $0x3000;
	s26 =	simm.s32 $0x4000  }
0x21: {  	v0 =	vimm.s32 $0x4C65DA36;
	s13 =	simm.s32 $0x10;
	_ =	strace $0x80000047;
	[dreg:$0x1c] =	wrdreg s31  }
.LBB2_1:
0x22: {  	s0 =	rddreg [dreg:$0x4]  }
0x23: {  	[tilespmem:s1], [sflag:$0x1] =	stream.linear.gather [hbm4b:s0+s1], $0x1000, $0x38;
	[tilespmem:$0x10000] =	vst v63  }
0x24: {  	s21 =	rddreg [dreg:$0x5];
	s10 =	simm.s32 $0x8000  }
0x25: {  	[tilespmem:s10], [sflag:$0x1] =	stream.linear.gather [hbm4b:s21+s1], $0x1000, $0x38;
	[tilespmem:$0x10000] =	vst v63  }
0x26: {  	s22 =	rddreg [dreg:$0x6]  }
0x27: {  	[tilespmem:s11], [sflag:$0x2] =	stream.linear.gather [hbm4b:s22+s1], $0x1000, $0x38;
	[tilespmem:$0x10000] =	vst v63  }
0x28: {  	s23 =	rddreg [dreg:$0x7];
	s31 =	simm.s32 $0x9000  }
0x29: {  	[tilespmem:s31], [sflag:$0x2] =	stream.linear.gather [hbm4b:s23+s1], $0x1000, $0x38;
	[tilespmem:$0x10000] =	vst v63  }
0x2a: {  	s15 =	rddreg [dreg:$0x8]  }
0x2b: {  	[tilespmem:s24], [sflag:$0x3] =	stream.linear.gather [hbm4b:s15+s1], $0x1000, $0x38;
	[tilespmem:$0x10000] =	vst v63  }
0x2c: {  	s16 =	rddreg [dreg:$0x9];
	s17 =	simm.s32 $0xA000  }
0x2d: {  	[tilespmem:s17], [sflag:$0x3] =	stream.linear.gather [hbm4b:s16+s1], $0x1000, $0x38;
	[tilespmem:$0x10000] =	vst v63  }
0x2e: {  	s19 =	rddreg [dreg:$0xa]  }
0x2f: {  	[tilespmem:s25], [sflag:$0x4] =	stream.linear.gather [hbm4b:s19+s1], $0x1000, $0x38;
	[tilespmem:$0x10000] =	vst v63  }
0x30: {  	s20 =	rddreg [dreg:$0xb];
	s21 =	simm.s32 $0xB000  }
0x31: {  	[tilespmem:s21], [sflag:$0x4] =	stream.linear.gather [hbm4b:s20+s1], $0x1000, $0x38;
	[tilespmem:$0x10000] =	vst v63  }
0x32: {  	s22 =	rddreg [dreg:$0xc]  }
0x33: {  	[tilespmem:s26], [sflag:$0x5] =	stream.linear.gather [hbm4b:s22+s1], $0x1000, $0x38;
	[tilespmem:$0x10000] =	vst v63  }
0x34: {  	s23 =	rddreg [dreg:$0xd];
	s31 =	simm.s32 $0xC000  }
0x35: {  	[tilespmem:s31], [sflag:$0x5] =	stream.linear.gather [hbm4b:s23+s1], $0x1000, $0x38;
	[tilespmem:$0x10000] =	vst v63  }
0x36: {  	s10 =	rddreg [dreg:$0xe]  }
0x37: {  	[tilespmem:s28], [sflag:$0x6] =	stream.linear.gather [hbm4b:s10+s1], $0x1000, $0x38;
	[tilespmem:$0x10000] =	vst v63  }
0x38: {  	s15 =	rddreg [dreg:$0x11];
	s16 =	simm.s32 $0xD000  }
0x39: {  	[tilespmem:s16], [sflag:$0x6] =	stream.linear.gather [hbm4b:s15+s1], $0x1000, $0x38;
	[tilespmem:$0x10000] =	vst v63  }
0x3a: {  	s17 =	rddreg [dreg:$0xf]  }
0x3b: {  	[tilespmem:s29], [sflag:$0x7] =	stream.linear.gather [hbm4b:s17+s1], $0x1000, $0x38;
	[tilespmem:$0x10000] =	vst v63  }
0x3c: {  	s19 =	rddreg [dreg:$0x12];
	s20 =	simm.s32 $0xE000  }
0x3d: {  	[tilespmem:s20], [sflag:$0x7] =	stream.linear.gather [hbm4b:s19+s1], $0x1000, $0x38;
	[tilespmem:$0x10000] =	vst v63  }
0x3e: {  	s21 =	rddreg [dreg:$0x10]  }
0x3f: {  	[tilespmem:s14], [sflag:$0x8] =	stream.linear.gather [hbm4b:s21+s1], $0x1000, $0x38;
	[tilespmem:$0x10000] =	vst v63  }
0x40: {  	s22 =	rddreg [dreg:$0x13];
	s23 =	simm.s32 $0xF000  }
0x41: {  	[tilespmem:s23], [sflag:$0x8] =	stream.linear.gather [hbm4b:s22+s1], $0x1000, $0x38;
	[tilespmem:$0x10000] =	vst v63  }
0x42: {  	_ =	swait.ge [sflag:s4], $0x1000  }
0x43: {  	[sflag:s4] =	ssyncset.done $0x0  }
0x44: {  	s31 =	sand.u32 $0x3, s1;
	[sflag:s4] =	ssyncadd.s32 $0xFFFFF000  }
0x45: {  	s14 =	sshll.u32 s31, $0xA;
	_ =	swait.ge [sflag:s4], $0x1000  }
0x46: {  	s14 =	sadd.s32 $0x0, s14;
	[sflag:s4] =	ssyncset.done $0x0  }
0x47: {  	s17 =	sor.u32 $0x70, s14;
	[sflag:s4] =	ssyncadd.s32 $0xFFFFF000  }
0x48: {  	s16 =	sand.u32 $0xC00, s1;
	s19 =	sand.u32 $0x380, s1;
	s15 =	sor.u32 $0x60, s14;
	v1 =	vld [tilespmem:s17+$0x8000]  }
0x49: {  	s14 =	sor.u32 s19, s16;
	v2 =	vld [tilespmem:s15+$0x8000]  }
0x4a: {  	v3 =	vld [tilespmem:s14+$0x8000]  }
0x4b: {  	v4 =	vld [tilespmem:s14+$0x8010]  }
0x4c: {  	v5 =	vld [tilespmem:s14+$0x8020]  }
0x4d: {  	v16 =	vld [tilespmem:s14+$0x8030]  }
0x4e: {  	v18 =	vld [tilespmem:s14+$0x8040]  }
0x4f: {  	v19 =	vld [tilespmem:s14+$0x8050];
	vm0 =	vlt.s32 v1, $0x20  }
0x50: {  	vm1 =	vlt.s32 v2, $0x20;
	v1 =	vand.u32 $0x1F, v1;
	vm10 =	vlt.s32 v3, $0x20  }
0x51: {  	vm11 =	vlt.s32 v4, $0x20;
	vm12 =	vlt.s32 v5, $0x20;
	v13 =	vand.u32 $0x1F, v3  }
0x52: {  	v6 =	vld [tilespmem:s17+$0x0];
	v14 =	vand.u32 $0x1F, v4;
	vm13 =	vlt.s32 v16, $0x20;
	v12 =	vand.u32 $0x1F, v5  }
0x53: {  	v3 =	vld [tilespmem:s14+$0x10];
	vm14 =	vlt.s32 v18, $0x20;
	v16 =	vand.u32 $0x1F, v16;
	v8 =	vsel vm0, $0x728BBBAF, v0  }
0x54: {  	v4 =	vld [tilespmem:s14+$0x20];
	vm15 =	vlt.s32 v19, $0x20;
	v20 =	vand.u32 $0x1F, v18;
	v1 =	vshrl.u32 v8, v1  }
0x55: {  	v5 =	vld [tilespmem:s14+$0x30];
	v19 =	vand.u32 $0x1F, v19;
	v8 =	vand.u32 $0x1F, v2;
	v2 =	vand.u32 $0x1, v1  }
0x56: {  	v7 =	vsel vm1, $0x728BBBAF, v0;
	v9 =	vsel vm10, $0x728BBBAF, v0;
	v1 =	vld [tilespmem:s15+$0x0];
	vm2 =	veq.s32 v2, $0x0  }
0x57: {  	s20 =	simm.s32 $0x0;
	v11 =	vsel vm11, $0x728BBBAF, v0;
	v10 =	vsel vm12, $0x728BBBAF, v0;
	v2 =	vld [tilespmem:s14+$0x0];
	v6 =	vsel vm2, $0x0, v6  }
0x58: {  	s16 =	simm.s32 $0x0;
	s19 =	simm.s32 $0x0;
	v15 =	vsel vm13, $0x728BBBAF, v0;
	v17 =	vsel vm14, $0x728BBBAF, v0;
	v18 =	vsel vm15, $0x728BBBAF, v0;
	[tilespmem:s17+$0x0] =	vst v6;
	v6 =	vld [tilespmem:s14+$0x40];
	s17 =	simm.s32 $0x1  }
.LBB2_2:
0x59: {  	s21 =	sand.u32 $0x3, s17;
	s16 =	sadd.s32 $0x80, s16;
	v9 =	vshrl.u32 v9, v13;
	v11 =	vshrl.u32 v11, v14;
	v13 =	vld [tilespmem:s14+$0x50];
	v7 =	vshrl.u32 v7, v8;
	s19 =	sadd.s32 $0x400, s19  }
0x5a: {  	v8 =	vshrl.u32 v10, v12;
	v10 =	vshrl.u32 v15, v16;
	v12 =	vshrl.u32 v17, v20;
	s20 =	sadd.s32 $0x20, s20;
	s21 =	sshll.u32 s21, $0xA;
	p0 =	slt.u32 s16, $0xF80  }
0x5b: {  	v14 =	vshrl.u32 v18, v19;
	s22 =	sand.u32 $0xC00, s19;
	s23 =	sand.u32 $0x380, s20;
	v9 =	vand.u32 $0x1, v9;
	v7 =	vand.u32 $0x1, v7;
	s21 =	sadd.s32 s21, s20  }
0x5c: {  	v11 =	vand.u32 $0x1, v11;
	v8 =	vand.u32 $0x1, v8;
	v10 =	vand.u32 $0x1, v10;
	s22 =	sor.u32 s23, s22;
	s23 =	sor.u32 $0x60, s21;
	s21 =	sor.u32 $0x70, s21  }
0x5d: {  	v12 =	vand.u32 $0x1, v12;
	v14 =	vand.u32 $0x1, v14;
	vm0 =	veq.s32 v7, $0x0;
	v15 =	vld [tilespmem:s21+$0x8000]  }
0x5e: {  	vm1 =	veq.s32 v9, $0x0;
	vm2 =	veq.s32 v11, $0x0;
	vm3 =	veq.s32 v8, $0x0;
	v16 =	vld [tilespmem:s23+$0x8000]  }
0x5f: {  	vm4 =	veq.s32 v10, $0x0;
	vm5 =	veq.s32 v12, $0x0;
	vm6 =	veq.s32 v14, $0x0;
	v17 =	vld [tilespmem:s22+$0x8000]  }
0x60: {  	v2 =	vsel vm1, $0x0, v2;
	v3 =	vsel vm2, $0x0, v3;
	v1 =	vsel vm0, $0x0, v1;
	v12 =	vld [tilespmem:s22+$0x8010]  }
0x61: {  	v4 =	vsel vm3, $0x0, v4;
	v5 =	vsel vm4, $0x0, v5;
	v6 =	vsel vm5, $0x0, v6;
	v18 =	vld [tilespmem:s22+$0x8020];
	[tilespmem:s15+$0x0] =	vst v1;
	s15 =	smov.u32 s23  }
0x62: {  	v13 =	vsel vm6, $0x0, v13;
	vm0 =	vlt.s32 v15, $0x20;
	v14 =	vld [tilespmem:s21+$0x0];
	[tilespmem:s14+$0x0] =	vst v2  }
0x63: {  	v2 =	vand.u32 $0x1F, v15;
	v19 =	vld [tilespmem:s22+$0x8030];
	vm1 =	vlt.s32 v16, $0x20;
	v1 =	vsel vm0, $0x728BBBAF, v0;
	[tilespmem:s14+$0x10] =	vst v3  }
0x64: {  	vm0 =	vlt.s32 v17, $0x20;
	v20 =	vld [tilespmem:s22+$0x8040];
	v7 =	vsel vm1, $0x728BBBAF, v0;
	v1 =	vshrl.u32 v1, v2;
	[tilespmem:s14+$0x20] =	vst v4  }
0x65: {  	v8 =	vand.u32 $0x1F, v16;
	vm1 =	vlt.s32 v12, $0x20;
	v21 =	vld [tilespmem:s22+$0x8050];
	v2 =	vand.u32 $0x1, v1;
	[tilespmem:s14+$0x30] =	vst v5  }
0x66: {  	v9 =	vsel vm0, $0x728BBBAF, v0;
	vm0 =	vlt.s32 v18, $0x20;
	v1 =	vld [tilespmem:s15+$0x0];
	vm2 =	veq.s32 v2, $0x0;
	[tilespmem:s14+$0x40] =	vst v6  }
.Ltmp0:
0x67: {  	v11 =	vsel vm1, $0x728BBBAF, v0;
	v2 =	vld [tilespmem:s22+$0x0];
	v10 =	vsel vm0, $0x728BBBAF, v0;
	v4 =	vsel vm2, $0x0, v14;
	[tilespmem:s14+$0x50] =	vst v13;
	s14 =	smov.u32 s22;
	(pc) =	sbr.rel @p0 .LBB2_2-.Ltmp0, $4  }
0x68: {  	v13 =	vand.u32 $0x1F, v17;
	v14 =	vand.u32 $0x1F, v12;
	v3 =	vld [tilespmem:s14+$0x10];
	vm0 =	vlt.s32 v19, $0x20;
	[tilespmem:s21+$0x0] =	vst v4  }
0x69: {  	v12 =	vand.u32 $0x1F, v18;
	v4 =	vld [tilespmem:s14+$0x20];
	v15 =	vsel vm0, $0x728BBBAF, v0;
	vm0 =	vlt.s32 v20, $0x20  }
0x6a: {  	v16 =	vand.u32 $0x1F, v19;
	v5 =	vld [tilespmem:s14+$0x30];
	v17 =	vsel vm0, $0x728BBBAF, v0;
	vm0 =	vlt.s32 v21, $0x20  }
0x6b: {  	s17 =	sadd.s32 $0x1, s17;
	v20 =	vand.u32 $0x1F, v20;
	v19 =	vand.u32 $0x1F, v21;
	v6 =	vld [tilespmem:s14+$0x40];
	v18 =	vsel vm0, $0x728BBBAF, v0  }
0x6c: {  	v9 =	vshrl.u32 v9, v13  }
0x6d: {  	v11 =	vshrl.u32 v11, v14;
	v7 =	vshrl.u32 v7, v8;
	v8 =	vshrl.u32 v10, v12  }
0x6e: {  	v10 =	vshrl.u32 v15, v16;
	v12 =	vshrl.u32 v17, v20;
	v7 =	vand.u32 $0x1, v7  }
0x6f: {  	v13 =	vshrl.u32 v18, v19;
	v9 =	vand.u32 $0x1, v9;
	vm0 =	veq.s32 v7, $0x0  }
0x70: {  	v7 =	vand.u32 $0x1, v11;
	vm1 =	veq.s32 v9, $0x0;
	v1 =	vsel vm0, $0x0, v1  }
0x71: {  	v8 =	vand.u32 $0x1, v8;
	v9 =	vld [tilespmem:s14+$0x50];
	vm15 =	veq.s32 v7, $0x0;
	v2 =	vsel vm1, $0x0, v2;
	[tilespmem:s15+$0x0] =	vst v1  }
0x72: {  	vm4 =	veq.s32 v8, $0x0;
	v1 =	vand.u32 $0x1, v10;
	v3 =	vsel vm15, $0x0, v3;
	[tilespmem:s14+$0x0] =	vst v2  }
0x73: {  	v2 =	vand.u32 $0x1, v12;
	vm5 =	veq.s32 v1, $0x0;
	v1 =	vsel vm4, $0x0, v4;
	[tilespmem:s14+$0x10] =	vst v3  }
0x74: {  	v3 =	vand.u32 $0x1, v13;
	vm6 =	veq.s32 v2, $0x0;
	v2 =	vsel vm5, $0x0, v5;
	[tilespmem:s14+$0x20] =	vst v1  }
0x75: {  	vm7 =	veq.s32 v3, $0x0;
	v1 =	vsel vm6, $0x0, v6;
	[tilespmem:s14+$0x30] =	vst v2  }
0x76: {  	v2 =	vsel vm7, $0x0, v9;
	[tilespmem:s14+$0x40] =	vst v1  }
0x77: {  	[tilespmem:s14+$0x50] =	vst v2  }
0x78: {  	s16 =	simm.s32 $0x0;
	s0 =	rddreg [dreg:$0x14]  }
0x79: {  	[hbm4b:s0+s16] =	stream.linear.scatter [tilespmem:s16], [sflag:$0x9], $0x1000, $0x38;
	[tilespmem:$0x10000] =	vst v63  }
0x7a: {  	_ =	swait.ge [sflag:s5], $0x1000  }
0x7b: {  	[sflag:s5] =	ssyncset.done $0x0  }
0x7c: {  	s31 =	sand.u32 $0x3, s16;
	[sflag:s5] =	ssyncadd.s32 $0xFFFFF000  }
0x7d: {  	s14 =	sshll.u32 s31, $0xA;
	_ =	swait.ge [sflag:s5], $0x1000  }
0x7e: {  	s14 =	sadd.s32 $0x0, s14;
	[sflag:s5] =	ssyncset.done $0x0  }
0x7f: {  	s19 =	sor.u32 $0x1070, s14;
	[sflag:s5] =	ssyncadd.s32 $0xFFFFF000  }
0x80: {  	s17 =	sand.u32 $0xC00, s16;
	s20 =	sand.u32 $0x380, s16;
	s15 =	sor.u32 $0x1060, s14;
	v1 =	vld [tilespmem:s19+$0x8000]  }
0x81: {  	s14 =	sor.u32 s20, s17;
	v2 =	vld [tilespmem:s15+$0x8000]  }
0x82: {  	v3 =	vld [tilespmem:s14+$0x9000]  }
0x83: {  	v4 =	vld [tilespmem:s14+$0x9010]  }
0x84: {  	v5 =	vld [tilespmem:s14+$0x9020]  }
0x85: {  	v16 =	vld [tilespmem:s14+$0x9030]  }
0x86: {  	v18 =	vld [tilespmem:s14+$0x9040]  }
0x87: {  	v19 =	vld [tilespmem:s14+$0x9050];
	vm8 =	vlt.s32 v1, $0x20  }
0x88: {  	vm9 =	vlt.s32 v2, $0x20;
	v1 =	vand.u32 $0x1F, v1;
	vm10 =	vlt.s32 v3, $0x20  }
0x89: {  	vm11 =	vlt.s32 v4, $0x20;
	vm12 =	vlt.s32 v5, $0x20;
	v13 =	vand.u32 $0x1F, v3  }
0x8a: {  	v6 =	vld [tilespmem:s19+$0x0];
	v14 =	vand.u32 $0x1F, v4;
	vm13 =	vlt.s32 v16, $0x20;
	v12 =	vand.u32 $0x1F, v5  }
0x8b: {  	v3 =	vld [tilespmem:s14+$0x1010];
	vm14 =	vlt.s32 v18, $0x20;
	v16 =	vand.u32 $0x1F, v16;
	v8 =	vsel vm8, $0x728BBBAF, v0  }
0x8c: {  	v4 =	vld [tilespmem:s14+$0x1020];
	vm15 =	vlt.s32 v19, $0x20;
	v20 =	vand.u32 $0x1F, v18;
	v1 =	vshrl.u32 v8, v1  }
0x8d: {  	v5 =	vld [tilespmem:s14+$0x1030];
	v19 =	vand.u32 $0x1F, v19;
	v8 =	vand.u32 $0x1F, v2;
	v2 =	vand.u32 $0x1, v1  }
0x8e: {  	v7 =	vsel vm9, $0x728BBBAF, v0;
	v9 =	vsel vm10, $0x728BBBAF, v0;
	v1 =	vld [tilespmem:s15+$0x0];
	vm2 =	veq.s32 v2, $0x0  }
0x8f: {  	v11 =	vsel vm11, $0x728BBBAF, v0;
	v10 =	vsel vm12, $0x728BBBAF, v0;
	v2 =	vld [tilespmem:s14+$0x1000];
	v6 =	vsel vm2, $0x0, v6  }
0x90: {  	s17 =	simm.s32 $0x0;
	s20 =	simm.s32 $0x0;
	v15 =	vsel vm13, $0x728BBBAF, v0;
	v17 =	vsel vm14, $0x728BBBAF, v0;
	v18 =	vsel vm15, $0x728BBBAF, v0;
	[tilespmem:s19+$0x0] =	vst v6;
	v6 =	vld [tilespmem:s14+$0x1040];
	s19 =	simm.s32 $0x1  }
.LBB2_4:
0x91: {  	s21 =	sand.u32 $0x3, s19;
	s17 =	sadd.s32 $0x80, s17;
	v9 =	vshrl.u32 v9, v13;
	v11 =	vshrl.u32 v11, v14;
	v13 =	vld [tilespmem:s14+$0x1050];
	v7 =	vshrl.u32 v7, v8;
	s16 =	sadd.s32 $0x400, s16  }
0x92: {  	v8 =	vshrl.u32 v10, v12;
	v10 =	vshrl.u32 v15, v16;
	v12 =	vshrl.u32 v17, v20;
	s20 =	sadd.s32 $0x20, s20;
	s21 =	sshll.u32 s21, $0xA;
	p0 =	slt.u32 s17, $0xF80  }
0x93: {  	v14 =	vshrl.u32 v18, v19;
	s22 =	sand.u32 $0xC00, s16;
	s23 =	sand.u32 $0x380, s20;
	v9 =	vand.u32 $0x1, v9;
	v7 =	vand.u32 $0x1, v7;
	s21 =	sadd.s32 s21, s20  }
0x94: {  	v11 =	vand.u32 $0x1, v11;
	v8 =	vand.u32 $0x1, v8;
	v10 =	vand.u32 $0x1, v10;
	s22 =	sor.u32 s23, s22;
	s23 =	sor.u32 $0x1060, s21;
	s21 =	sor.u32 $0x1070, s21  }
0x95: {  	v12 =	vand.u32 $0x1, v12;
	v14 =	vand.u32 $0x1, v14;
	vm0 =	veq.s32 v7, $0x0;
	v15 =	vld [tilespmem:s21+$0x8000]  }
0x96: {  	vm1 =	veq.s32 v9, $0x0;
	vm2 =	veq.s32 v11, $0x0;
	vm3 =	veq.s32 v8, $0x0;
	v16 =	vld [tilespmem:s23+$0x8000]  }
0x97: {  	vm4 =	veq.s32 v10, $0x0;
	vm5 =	veq.s32 v12, $0x0;
	vm6 =	veq.s32 v14, $0x0;
	v17 =	vld [tilespmem:s22+$0x9000]  }
0x98: {  	v2 =	vsel vm1, $0x0, v2;
	v3 =	vsel vm2, $0x0, v3;
	v1 =	vsel vm0, $0x0, v1;
	v12 =	vld [tilespmem:s22+$0x9010]  }
0x99: {  	v4 =	vsel vm3, $0x0, v4;
	v5 =	vsel vm4, $0x0, v5;
	v6 =	vsel vm5, $0x0, v6;
	v18 =	vld [tilespmem:s22+$0x9020];
	[tilespmem:s15+$0x0] =	vst v1;
	s15 =	smov.u32 s23  }
0x9a: {  	v13 =	vsel vm6, $0x0, v13;
	vm0 =	vlt.s32 v15, $0x20;
	v14 =	vld [tilespmem:s21+$0x0];
	[tilespmem:s14+$0x1000] =	vst v2  }
0x9b: {  	v2 =	vand.u32 $0x1F, v15;
	v19 =	vld [tilespmem:s22+$0x9030];
	vm1 =	vlt.s32 v16, $0x20;
	v1 =	vsel vm0, $0x728BBBAF, v0;
	[tilespmem:s14+$0x1010] =	vst v3  }
0x9c: {  	vm0 =	vlt.s32 v17, $0x20;
	v20 =	vld [tilespmem:s22+$0x9040];
	v7 =	vsel vm1, $0x728BBBAF, v0;
	v1 =	vshrl.u32 v1, v2;
	[tilespmem:s14+$0x1020] =	vst v4  }
0x9d: {  	v8 =	vand.u32 $0x1F, v16;
	vm1 =	vlt.s32 v12, $0x20;
	v21 =	vld [tilespmem:s22+$0x9050];
	v2 =	vand.u32 $0x1, v1;
	[tilespmem:s14+$0x1030] =	vst v5  }
0x9e: {  	v9 =	vsel vm0, $0x728BBBAF, v0;
	vm0 =	vlt.s32 v18, $0x20;
	v1 =	vld [tilespmem:s15+$0x0];
	vm2 =	veq.s32 v2, $0x0;
	[tilespmem:s14+$0x1040] =	vst v6  }
.Ltmp1:
0x9f: {  	v11 =	vsel vm1, $0x728BBBAF, v0;
	v2 =	vld [tilespmem:s22+$0x1000];
	v10 =	vsel vm0, $0x728BBBAF, v0;
	v4 =	vsel vm2, $0x0, v14;
	[tilespmem:s14+$0x1050] =	vst v13;
	s14 =	smov.u32 s22;
	(pc) =	sbr.rel @p0 .LBB2_4-.Ltmp1, $4  }
0xa0: {  	v13 =	vand.u32 $0x1F, v17;
	v14 =	vand.u32 $0x1F, v12;
	v3 =	vld [tilespmem:s14+$0x1010];
	vm0 =	vlt.s32 v19, $0x20;
	[tilespmem:s21+$0x0] =	vst v4  }
0xa1: {  	v12 =	vand.u32 $0x1F, v18;
	v4 =	vld [tilespmem:s14+$0x1020];
	v15 =	vsel vm0, $0x728BBBAF, v0;
	vm0 =	vlt.s32 v20, $0x20  }
0xa2: {  	v16 =	vand.u32 $0x1F, v19;
	v5 =	vld [tilespmem:s14+$0x1030];
	v17 =	vsel vm0, $0x728BBBAF, v0;
	vm0 =	vlt.s32 v21, $0x20  }
0xa3: {  	s19 =	sadd.s32 $0x1, s19;
	v20 =	vand.u32 $0x1F, v20;
	v19 =	vand.u32 $0x1F, v21;
	v6 =	vld [tilespmem:s14+$0x1040];
	v18 =	vsel vm0, $0x728BBBAF, v0  }
0xa4: {  	v9 =	vshrl.u32 v9, v13  }
0xa5: {  	v11 =	vshrl.u32 v11, v14;
	v7 =	vshrl.u32 v7, v8;
	v8 =	vshrl.u32 v10, v12  }
0xa6: {  	v10 =	vshrl.u32 v15, v16;
	v12 =	vshrl.u32 v17, v20;
	v7 =	vand.u32 $0x1, v7  }
0xa7: {  	v13 =	vshrl.u32 v18, v19;
	v9 =	vand.u32 $0x1, v9;
	vm0 =	veq.s32 v7, $0x0  }
0xa8: {  	v7 =	vand.u32 $0x1, v11;
	vm1 =	veq.s32 v9, $0x0;
	v1 =	vsel vm0, $0x0, v1  }
0xa9: {  	v8 =	vand.u32 $0x1, v8;
	v9 =	vld [tilespmem:s14+$0x1050];
	vm15 =	veq.s32 v7, $0x0;
	v2 =	vsel vm1, $0x0, v2;
	[tilespmem:s15+$0x0] =	vst v1  }
0xaa: {  	vm4 =	veq.s32 v8, $0x0;
	v1 =	vand.u32 $0x1, v10;
	v3 =	vsel vm15, $0x0, v3;
	[tilespmem:s14+$0x1000] =	vst v2  }
0xab: {  	v2 =	vand.u32 $0x1, v12;
	vm5 =	veq.s32 v1, $0x0;
	v1 =	vsel vm4, $0x0, v4;
	[tilespmem:s14+$0x1010] =	vst v3  }
0xac: {  	v3 =	vand.u32 $0x1, v13;
	vm6 =	veq.s32 v2, $0x0;
	v2 =	vsel vm5, $0x0, v5;
	[tilespmem:s14+$0x1020] =	vst v1  }
0xad: {  	vm7 =	veq.s32 v3, $0x0;
	v1 =	vsel vm6, $0x0, v6;
	[tilespmem:s14+$0x1030] =	vst v2  }
0xae: {  	v2 =	vsel vm7, $0x0, v9;
	[tilespmem:s14+$0x1040] =	vst v1  }
0xaf: {  	[tilespmem:s14+$0x1050] =	vst v2  }
0xb0: {  	s16 =	simm.s32 $0x0;
	s0 =	rddreg [dreg:$0x15]  }
0xb1: {  	[hbm4b:s0+s16] =	stream.linear.scatter [tilespmem:s11], [sflag:$0xA], $0x1000, $0x38;
	[tilespmem:$0x10000] =	vst v63  }
0xb2: {  	_ =	swait.ge [sflag:s6], $0x1000  }
0xb3: {  	[sflag:s6] =	ssyncset.done $0x0  }
0xb4: {  	s31 =	sand.u32 $0x3, s16;
	[sflag:s6] =	ssyncadd.s32 $0xFFFFF000  }
0xb5: {  	s14 =	sshll.u32 s31, $0xA;
	_ =	swait.ge [sflag:s6], $0x1000  }
0xb6: {  	s14 =	sadd.s32 $0x0, s14;
	[sflag:s6] =	ssyncset.done $0x0  }
0xb7: {  	s19 =	sor.u32 $0x2070, s14;
	[sflag:s6] =	ssyncadd.s32 $0xFFFFF000  }
0xb8: {  	s17 =	sand.u32 $0xC00, s16;
	s20 =	sand.u32 $0x380, s16;
	s15 =	sor.u32 $0x2060, s14;
	v1 =	vld [tilespmem:s19+$0x8000]  }
0xb9: {  	s14 =	sor.u32 s20, s17;
	v2 =	vld [tilespmem:s15+$0x8000]  }
0xba: {  	v3 =	vld [tilespmem:s14+$0xA000]  }
0xbb: {  	v4 =	vld [tilespmem:s14+$0xA010]  }
0xbc: {  	v5 =	vld [tilespmem:s14+$0xA020]  }
0xbd: {  	v16 =	vld [tilespmem:s14+$0xA030]  }
0xbe: {  	v18 =	vld [tilespmem:s14+$0xA040]  }
0xbf: {  	v19 =	vld [tilespmem:s14+$0xA050];
	vm8 =	vlt.s32 v1, $0x20  }
0xc0: {  	vm9 =	vlt.s32 v2, $0x20;
	v1 =	vand.u32 $0x1F, v1;
	vm10 =	vlt.s32 v3, $0x20  }
0xc1: {  	vm11 =	vlt.s32 v4, $0x20;
	vm12 =	vlt.s32 v5, $0x20;
	v13 =	vand.u32 $0x1F, v3  }
0xc2: {  	v6 =	vld [tilespmem:s19+$0x0];
	v14 =	vand.u32 $0x1F, v4;
	vm13 =	vlt.s32 v16, $0x20;
	v12 =	vand.u32 $0x1F, v5  }
0xc3: {  	v3 =	vld [tilespmem:s14+$0x2010];
	vm14 =	vlt.s32 v18, $0x20;
	v16 =	vand.u32 $0x1F, v16;
	v8 =	vsel vm8, $0x728BBBAF, v0  }
0xc4: {  	v4 =	vld [tilespmem:s14+$0x2020];
	vm15 =	vlt.s32 v19, $0x20;
	v20 =	vand.u32 $0x1F, v18;
	v1 =	vshrl.u32 v8, v1  }
0xc5: {  	v5 =	vld [tilespmem:s14+$0x2030];
	v19 =	vand.u32 $0x1F, v19;
	v8 =	vand.u32 $0x1F, v2;
	v2 =	vand.u32 $0x1, v1  }
0xc6: {  	v7 =	vsel vm9, $0x728BBBAF, v0;
	v9 =	vsel vm10, $0x728BBBAF, v0;
	v1 =	vld [tilespmem:s15+$0x0];
	vm2 =	veq.s32 v2, $0x0  }
0xc7: {  	v11 =	vsel vm11, $0x728BBBAF, v0;
	v10 =	vsel vm12, $0x728BBBAF, v0;
	v2 =	vld [tilespmem:s14+$0x2000];
	v6 =	vsel vm2, $0x0, v6  }
0xc8: {  	s17 =	simm.s32 $0x0;
	s20 =	simm.s32 $0x0;
	v15 =	vsel vm13, $0x728BBBAF, v0;
	v17 =	vsel vm14, $0x728BBBAF, v0;
	v18 =	vsel vm15, $0x728BBBAF, v0;
	[tilespmem:s19+$0x0] =	vst v6;
	v6 =	vld [tilespmem:s14+$0x2040];
	s19 =	simm.s32 $0x1  }
.LBB2_6:
0xc9: {  	s21 =	sand.u32 $0x3, s19;
	s17 =	sadd.s32 $0x80, s17;
	v9 =	vshrl.u32 v9, v13;
	v11 =	vshrl.u32 v11, v14;
	v13 =	vld [tilespmem:s14+$0x2050];
	v7 =	vshrl.u32 v7, v8;
	s16 =	sadd.s32 $0x400, s16  }
0xca: {  	v8 =	vshrl.u32 v10, v12;
	v10 =	vshrl.u32 v15, v16;
	v12 =	vshrl.u32 v17, v20;
	s20 =	sadd.s32 $0x20, s20;
	s21 =	sshll.u32 s21, $0xA;
	p0 =	slt.u32 s17, $0xF80  }
0xcb: {  	v14 =	vshrl.u32 v18, v19;
	s22 =	sand.u32 $0xC00, s16;
	s23 =	sand.u32 $0x380, s20;
	v9 =	vand.u32 $0x1, v9;
	v7 =	vand.u32 $0x1, v7;
	s21 =	sadd.s32 s21, s20  }
0xcc: {  	v11 =	vand.u32 $0x1, v11;
	v8 =	vand.u32 $0x1, v8;
	v10 =	vand.u32 $0x1, v10;
	s22 =	sor.u32 s23, s22;
	s23 =	sor.u32 $0x2060, s21;
	s21 =	sor.u32 $0x2070, s21  }
0xcd: {  	v12 =	vand.u32 $0x1, v12;
	v14 =	vand.u32 $0x1, v14;
	vm0 =	veq.s32 v7, $0x0;
	v15 =	vld [tilespmem:s21+$0x8000]  }
0xce: {  	vm1 =	veq.s32 v9, $0x0;
	vm2 =	veq.s32 v11, $0x0;
	vm3 =	veq.s32 v8, $0x0;
	v16 =	vld [tilespmem:s23+$0x8000]  }
0xcf: {  	vm4 =	veq.s32 v10, $0x0;
	vm5 =	veq.s32 v12, $0x0;
	vm6 =	veq.s32 v14, $0x0;
	v17 =	vld [tilespmem:s22+$0xA000]  }
0xd0: {  	v2 =	vsel vm1, $0x0, v2;
	v3 =	vsel vm2, $0x0, v3;
	v1 =	vsel vm0, $0x0, v1;
	v12 =	vld [tilespmem:s22+$0xA010]  }
0xd1: {  	v4 =	vsel vm3, $0x0, v4;
	v5 =	vsel vm4, $0x0, v5;
	v6 =	vsel vm5, $0x0, v6;
	v18 =	vld [tilespmem:s22+$0xA020];
	[tilespmem:s15+$0x0] =	vst v1;
	s15 =	smov.u32 s23  }
0xd2: {  	v13 =	vsel vm6, $0x0, v13;
	vm0 =	vlt.s32 v15, $0x20;
	v14 =	vld [tilespmem:s21+$0x0];
	[tilespmem:s14+$0x2000] =	vst v2  }
0xd3: {  	v2 =	vand.u32 $0x1F, v15;
	v19 =	vld [tilespmem:s22+$0xA030];
	vm1 =	vlt.s32 v16, $0x20;
	v1 =	vsel vm0, $0x728BBBAF, v0;
	[tilespmem:s14+$0x2010] =	vst v3  }
0xd4: {  	vm0 =	vlt.s32 v17, $0x20;
	v20 =	vld [tilespmem:s22+$0xA040];
	v7 =	vsel vm1, $0x728BBBAF, v0;
	v1 =	vshrl.u32 v1, v2;
	[tilespmem:s14+$0x2020] =	vst v4  }
0xd5: {  	v8 =	vand.u32 $0x1F, v16;
	vm1 =	vlt.s32 v12, $0x20;
	v21 =	vld [tilespmem:s22+$0xA050];
	v2 =	vand.u32 $0x1, v1;
	[tilespmem:s14+$0x2030] =	vst v5  }
0xd6: {  	v9 =	vsel vm0, $0x728BBBAF, v0;
	vm0 =	vlt.s32 v18, $0x20;
	v1 =	vld [tilespmem:s15+$0x0];
	vm2 =	veq.s32 v2, $0x0;
	[tilespmem:s14+$0x2040] =	vst v6  }
.Ltmp2:
0xd7: {  	v11 =	vsel vm1, $0x728BBBAF, v0;
	v2 =	vld [tilespmem:s22+$0x2000];
	v10 =	vsel vm0, $0x728BBBAF, v0;
	v4 =	vsel vm2, $0x0, v14;
	[tilespmem:s14+$0x2050] =	vst v13;
	s14 =	smov.u32 s22;
	(pc) =	sbr.rel @p0 .LBB2_6-.Ltmp2, $4  }
0xd8: {  	v13 =	vand.u32 $0x1F, v17;
	v14 =	vand.u32 $0x1F, v12;
	v3 =	vld [tilespmem:s14+$0x2010];
	vm0 =	vlt.s32 v19, $0x20;
	[tilespmem:s21+$0x0] =	vst v4  }
0xd9: {  	v12 =	vand.u32 $0x1F, v18;
	v4 =	vld [tilespmem:s14+$0x2020];
	v15 =	vsel vm0, $0x728BBBAF, v0;
	vm0 =	vlt.s32 v20, $0x20  }
0xda: {  	v16 =	vand.u32 $0x1F, v19;
	v5 =	vld [tilespmem:s14+$0x2030];
	v17 =	vsel vm0, $0x728BBBAF, v0;
	vm0 =	vlt.s32 v21, $0x20  }
0xdb: {  	s19 =	sadd.s32 $0x1, s19;
	v20 =	vand.u32 $0x1F, v20;
	v19 =	vand.u32 $0x1F, v21;
	v6 =	vld [tilespmem:s14+$0x2040];
	v18 =	vsel vm0, $0x728BBBAF, v0  }
0xdc: {  	v9 =	vshrl.u32 v9, v13  }
0xdd: {  	v11 =	vshrl.u32 v11, v14;
	v7 =	vshrl.u32 v7, v8;
	v8 =	vshrl.u32 v10, v12  }
0xde: {  	v10 =	vshrl.u32 v15, v16;
	v12 =	vshrl.u32 v17, v20;
	v7 =	vand.u32 $0x1, v7  }
0xdf: {  	v13 =	vshrl.u32 v18, v19;
	v9 =	vand.u32 $0x1, v9;
	vm0 =	veq.s32 v7, $0x0  }
0xe0: {  	v7 =	vand.u32 $0x1, v11;
	vm1 =	veq.s32 v9, $0x0;
	v1 =	vsel vm0, $0x0, v1  }
0xe1: {  	v8 =	vand.u32 $0x1, v8;
	v9 =	vld [tilespmem:s14+$0x2050];
	vm15 =	veq.s32 v7, $0x0;
	v2 =	vsel vm1, $0x0, v2;
	[tilespmem:s15+$0x0] =	vst v1  }
0xe2: {  	vm4 =	veq.s32 v8, $0x0;
	v1 =	vand.u32 $0x1, v10;
	v3 =	vsel vm15, $0x0, v3;
	[tilespmem:s14+$0x2000] =	vst v2  }
0xe3: {  	v2 =	vand.u32 $0x1, v12;
	vm5 =	veq.s32 v1, $0x0;
	v1 =	vsel vm4, $0x0, v4;
	[tilespmem:s14+$0x2010] =	vst v3  }
0xe4: {  	v3 =	vand.u32 $0x1, v13;
	vm6 =	veq.s32 v2, $0x0;
	v2 =	vsel vm5, $0x0, v5;
	[tilespmem:s14+$0x2020] =	vst v1  }
0xe5: {  	vm7 =	veq.s32 v3, $0x0;
	v1 =	vsel vm6, $0x0, v6;
	[tilespmem:s14+$0x2030] =	vst v2  }
0xe6: {  	v2 =	vsel vm7, $0x0, v9;
	[tilespmem:s14+$0x2040] =	vst v1  }
0xe7: {  	[tilespmem:s14+$0x2050] =	vst v2  }
0xe8: {  	s16 =	simm.s32 $0x0;
	s0 =	rddreg [dreg:$0x16]  }
0xe9: {  	[hbm4b:s0+s16] =	stream.linear.scatter [tilespmem:s24], [sflag:$0xB], $0x1000, $0x38;
	[tilespmem:$0x10000] =	vst v63  }
0xea: {  	_ =	swait.ge [sflag:s30], $0x1000  }
0xeb: {  	[sflag:s30] =	ssyncset.done $0x0  }
0xec: {  	s31 =	sand.u32 $0x3, s16;
	[sflag:s30] =	ssyncadd.s32 $0xFFFFF000  }
0xed: {  	s14 =	sshll.u32 s31, $0xA;
	_ =	swait.ge [sflag:s30], $0x1000  }
0xee: {  	s14 =	sadd.s32 $0x0, s14;
	[sflag:s30] =	ssyncset.done $0x0  }
0xef: {  	s19 =	sor.u32 $0x3070, s14;
	[sflag:s30] =	ssyncadd.s32 $0xFFFFF000  }
0xf0: {  	s17 =	sand.u32 $0xC00, s16;
	s20 =	sand.u32 $0x380, s16;
	s15 =	sor.u32 $0x3060, s14;
	v1 =	vld [tilespmem:s19+$0x8000]  }
0xf1: {  	s14 =	sor.u32 s20, s17;
	v2 =	vld [tilespmem:s15+$0x8000]  }
0xf2: {  	v3 =	vld [tilespmem:s14+$0xB000]  }
0xf3: {  	v4 =	vld [tilespmem:s14+$0xB010]  }
0xf4: {  	v5 =	vld [tilespmem:s14+$0xB020]  }
0xf5: {  	v16 =	vld [tilespmem:s14+$0xB030]  }
0xf6: {  	v18 =	vld [tilespmem:s14+$0xB040]  }
0xf7: {  	v19 =	vld [tilespmem:s14+$0xB050];
	vm8 =	vlt.s32 v1, $0x20  }
0xf8: {  	vm9 =	vlt.s32 v2, $0x20;
	v1 =	vand.u32 $0x1F, v1;
	vm10 =	vlt.s32 v3, $0x20  }
0xf9: {  	vm11 =	vlt.s32 v4, $0x20;
	vm12 =	vlt.s32 v5, $0x20;
	v13 =	vand.u32 $0x1F, v3  }
0xfa: {  	v6 =	vld [tilespmem:s19+$0x0];
	v14 =	vand.u32 $0x1F, v4;
	vm13 =	vlt.s32 v16, $0x20;
	v12 =	vand.u32 $0x1F, v5  }
0xfb: {  	v3 =	vld [tilespmem:s14+$0x3010];
	vm14 =	vlt.s32 v18, $0x20;
	v16 =	vand.u32 $0x1F, v16;
	v8 =	vsel vm8, $0x728BBBAF, v0  }
0xfc: {  	v4 =	vld [tilespmem:s14+$0x3020];
	vm15 =	vlt.s32 v19, $0x20;
	v20 =	vand.u32 $0x1F, v18;
	v1 =	vshrl.u32 v8, v1  }
0xfd: {  	v5 =	vld [tilespmem:s14+$0x3030];
	v19 =	vand.u32 $0x1F, v19;
	v8 =	vand.u32 $0x1F, v2;
	v2 =	vand.u32 $0x1, v1  }
0xfe: {  	v7 =	vsel vm9, $0x728BBBAF, v0;
	v9 =	vsel vm10, $0x728BBBAF, v0;
	v1 =	vld [tilespmem:s15+$0x0];
	vm2 =	veq.s32 v2, $0x0  }
0xff: {  	v11 =	vsel vm11, $0x728BBBAF, v0;
	v10 =	vsel vm12, $0x728BBBAF, v0;
	v2 =	vld [tilespmem:s14+$0x3000];
	v6 =	vsel vm2, $0x0, v6  }
0x100: {  	s17 =	simm.s32 $0x0;
	s20 =	simm.s32 $0x0;
	v15 =	vsel vm13, $0x728BBBAF, v0;
	v17 =	vsel vm14, $0x728BBBAF, v0;
	v18 =	vsel vm15, $0x728BBBAF, v0;
	[tilespmem:s19+$0x0] =	vst v6;
	v6 =	vld [tilespmem:s14+$0x3040];
	s19 =	simm.s32 $0x1  }
.LBB2_8:
0x101: {  	s21 =	sand.u32 $0x3, s19;
	s17 =	sadd.s32 $0x80, s17;
	v9 =	vshrl.u32 v9, v13;
	v11 =	vshrl.u32 v11, v14;
	v13 =	vld [tilespmem:s14+$0x3050];
	v7 =	vshrl.u32 v7, v8;
	s16 =	sadd.s32 $0x400, s16  }
0x102: {  	v8 =	vshrl.u32 v10, v12;
	v10 =	vshrl.u32 v15, v16;
	v12 =	vshrl.u32 v17, v20;
	s20 =	sadd.s32 $0x20, s20;
	s21 =	sshll.u32 s21, $0xA;
	p0 =	slt.u32 s17, $0xF80  }
0x103: {  	v14 =	vshrl.u32 v18, v19;
	s22 =	sand.u32 $0xC00, s16;
	s23 =	sand.u32 $0x380, s20;
	v9 =	vand.u32 $0x1, v9;
	v7 =	vand.u32 $0x1, v7;
	s21 =	sadd.s32 s21, s20  }
0x104: {  	v11 =	vand.u32 $0x1, v11;
	v8 =	vand.u32 $0x1, v8;
	v10 =	vand.u32 $0x1, v10;
	s22 =	sor.u32 s23, s22;
	s23 =	sor.u32 $0x3060, s21;
	s21 =	sor.u32 $0x3070, s21  }
0x105: {  	v12 =	vand.u32 $0x1, v12;
	v14 =	vand.u32 $0x1, v14;
	vm0 =	veq.s32 v7, $0x0;
	v15 =	vld [tilespmem:s21+$0x8000]  }
0x106: {  	vm1 =	veq.s32 v9, $0x0;
	vm2 =	veq.s32 v11, $0x0;
	vm3 =	veq.s32 v8, $0x0;
	v16 =	vld [tilespmem:s23+$0x8000]  }
0x107: {  	vm4 =	veq.s32 v10, $0x0;
	vm5 =	veq.s32 v12, $0x0;
	vm6 =	veq.s32 v14, $0x0;
	v17 =	vld [tilespmem:s22+$0xB000]  }
0x108: {  	v2 =	vsel vm1, $0x0, v2;
	v3 =	vsel vm2, $0x0, v3;
	v1 =	vsel vm0, $0x0, v1;
	v12 =	vld [tilespmem:s22+$0xB010]  }
0x109: {  	v4 =	vsel vm3, $0x0, v4;
	v5 =	vsel vm4, $0x0, v5;
	v6 =	vsel vm5, $0x0, v6;
	v18 =	vld [tilespmem:s22+$0xB020];
	[tilespmem:s15+$0x0] =	vst v1;
	s15 =	smov.u32 s23  }
0x10a: {  	v13 =	vsel vm6, $0x0, v13;
	vm0 =	vlt.s32 v15, $0x20;
	v14 =	vld [tilespmem:s21+$0x0];
	[tilespmem:s14+$0x3000] =	vst v2  }
0x10b: {  	v2 =	vand.u32 $0x1F, v15;
	v19 =	vld [tilespmem:s22+$0xB030];
	vm1 =	vlt.s32 v16, $0x20;
	v1 =	vsel vm0, $0x728BBBAF, v0;
	[tilespmem:s14+$0x3010] =	vst v3  }
0x10c: {  	vm0 =	vlt.s32 v17, $0x20;
	v20 =	vld [tilespmem:s22+$0xB040];
	v7 =	vsel vm1, $0x728BBBAF, v0;
	v1 =	vshrl.u32 v1, v2;
	[tilespmem:s14+$0x3020] =	vst v4  }
0x10d: {  	v8 =	vand.u32 $0x1F, v16;
	vm1 =	vlt.s32 v12, $0x20;
	v21 =	vld [tilespmem:s22+$0xB050];
	v2 =	vand.u32 $0x1, v1;
	[tilespmem:s14+$0x3030] =	vst v5  }
0x10e: {  	v9 =	vsel vm0, $0x728BBBAF, v0;
	vm0 =	vlt.s32 v18, $0x20;
	v1 =	vld [tilespmem:s15+$0x0];
	vm2 =	veq.s32 v2, $0x0;
	[tilespmem:s14+$0x3040] =	vst v6  }
.Ltmp3:
0x10f: {  	v11 =	vsel vm1, $0x728BBBAF, v0;
	v2 =	vld [tilespmem:s22+$0x3000];
	v10 =	vsel vm0, $0x728BBBAF, v0;
	v4 =	vsel vm2, $0x0, v14;
	[tilespmem:s14+$0x3050] =	vst v13;
	s14 =	smov.u32 s22;
	(pc) =	sbr.rel @p0 .LBB2_8-.Ltmp3, $4  }
0x110: {  	v13 =	vand.u32 $0x1F, v17;
	v14 =	vand.u32 $0x1F, v12;
	v3 =	vld [tilespmem:s14+$0x3010];
	vm0 =	vlt.s32 v19, $0x20;
	[tilespmem:s21+$0x0] =	vst v4  }
0x111: {  	v12 =	vand.u32 $0x1F, v18;
	v4 =	vld [tilespmem:s14+$0x3020];
	v15 =	vsel vm0, $0x728BBBAF, v0;
	vm0 =	vlt.s32 v20, $0x20  }
0x112: {  	v16 =	vand.u32 $0x1F, v19;
	v5 =	vld [tilespmem:s14+$0x3030];
	v17 =	vsel vm0, $0x728BBBAF, v0;
	vm0 =	vlt.s32 v21, $0x20  }
0x113: {  	s19 =	sadd.s32 $0x1, s19;
	v20 =	vand.u32 $0x1F, v20;
	v19 =	vand.u32 $0x1F, v21;
	v6 =	vld [tilespmem:s14+$0x3040];
	v18 =	vsel vm0, $0x728BBBAF, v0  }
0x114: {  	v9 =	vshrl.u32 v9, v13  }
0x115: {  	v11 =	vshrl.u32 v11, v14;
	v7 =	vshrl.u32 v7, v8;
	v8 =	vshrl.u32 v10, v12  }
0x116: {  	v10 =	vshrl.u32 v15, v16;
	v12 =	vshrl.u32 v17, v20;
	v7 =	vand.u32 $0x1, v7  }
0x117: {  	v13 =	vshrl.u32 v18, v19;
	v9 =	vand.u32 $0x1, v9;
	vm0 =	veq.s32 v7, $0x0  }
0x118: {  	v7 =	vand.u32 $0x1, v11;
	vm1 =	veq.s32 v9, $0x0;
	v1 =	vsel vm0, $0x0, v1  }
0x119: {  	v8 =	vand.u32 $0x1, v8;
	v9 =	vld [tilespmem:s14+$0x3050];
	vm15 =	veq.s32 v7, $0x0;
	v2 =	vsel vm1, $0x0, v2;
	[tilespmem:s15+$0x0] =	vst v1  }
0x11a: {  	vm4 =	veq.s32 v8, $0x0;
	v1 =	vand.u32 $0x1, v10;
	v3 =	vsel vm15, $0x0, v3;
	[tilespmem:s14+$0x3000] =	vst v2  }
0x11b: {  	v2 =	vand.u32 $0x1, v12;
	vm5 =	veq.s32 v1, $0x0;
	v1 =	vsel vm4, $0x0, v4;
	[tilespmem:s14+$0x3010] =	vst v3  }
0x11c: {  	v3 =	vand.u32 $0x1, v13;
	vm6 =	veq.s32 v2, $0x0;
	v2 =	vsel vm5, $0x0, v5;
	[tilespmem:s14+$0x3020] =	vst v1  }
0x11d: {  	vm7 =	veq.s32 v3, $0x0;
	v1 =	vsel vm6, $0x0, v6;
	[tilespmem:s14+$0x3030] =	vst v2  }
0x11e: {  	v2 =	vsel vm7, $0x0, v9;
	[tilespmem:s14+$0x3040] =	vst v1  }
0x11f: {  	[tilespmem:s14+$0x3050] =	vst v2  }
0x120: {  	s16 =	simm.s32 $0x0;
	s0 =	rddreg [dreg:$0x17]  }
0x121: {  	[hbm4b:s0+s16] =	stream.linear.scatter [tilespmem:s25], [sflag:$0xC], $0x1000, $0x38;
	[tilespmem:$0x10000] =	vst v63  }
0x122: {  	_ =	swait.ge [sflag:s7], $0x1000  }
0x123: {  	[sflag:s7] =	ssyncset.done $0x0  }
0x124: {  	s31 =	sand.u32 $0x3, s16;
	[sflag:s7] =	ssyncadd.s32 $0xFFFFF000  }
0x125: {  	s14 =	sshll.u32 s31, $0xA;
	_ =	swait.ge [sflag:s7], $0x1000  }
0x126: {  	s14 =	sadd.s32 $0x0, s14;
	[sflag:s7] =	ssyncset.done $0x0  }
0x127: {  	s19 =	sor.u32 $0x4070, s14;
	[sflag:s7] =	ssyncadd.s32 $0xFFFFF000  }
0x128: {  	s17 =	sand.u32 $0xC00, s16;
	s20 =	sand.u32 $0x380, s16;
	s15 =	sor.u32 $0x4060, s14;
	v1 =	vld [tilespmem:s19+$0x8000]  }
0x129: {  	s14 =	sor.u32 s20, s17;
	v2 =	vld [tilespmem:s15+$0x8000]  }
0x12a: {  	v3 =	vld [tilespmem:s14+$0xC000]  }
0x12b: {  	v4 =	vld [tilespmem:s14+$0xC010]  }
0x12c: {  	v5 =	vld [tilespmem:s14+$0xC020]  }
0x12d: {  	v16 =	vld [tilespmem:s14+$0xC030]  }
0x12e: {  	v18 =	vld [tilespmem:s14+$0xC040]  }
0x12f: {  	v19 =	vld [tilespmem:s14+$0xC050];
	vm8 =	vlt.s32 v1, $0x20  }
0x130: {  	vm9 =	vlt.s32 v2, $0x20;
	v1 =	vand.u32 $0x1F, v1;
	vm10 =	vlt.s32 v3, $0x20  }
0x131: {  	vm11 =	vlt.s32 v4, $0x20;
	vm12 =	vlt.s32 v5, $0x20;
	v13 =	vand.u32 $0x1F, v3  }
0x132: {  	v6 =	vld [tilespmem:s19+$0x0];
	v14 =	vand.u32 $0x1F, v4;
	vm13 =	vlt.s32 v16, $0x20;
	v12 =	vand.u32 $0x1F, v5  }
0x133: {  	v3 =	vld [tilespmem:s14+$0x4010];
	vm14 =	vlt.s32 v18, $0x20;
	v16 =	vand.u32 $0x1F, v16;
	v8 =	vsel vm8, $0x728BBBAF, v0  }
0x134: {  	v4 =	vld [tilespmem:s14+$0x4020];
	vm15 =	vlt.s32 v19, $0x20;
	v20 =	vand.u32 $0x1F, v18;
	v1 =	vshrl.u32 v8, v1  }
0x135: {  	v5 =	vld [tilespmem:s14+$0x4030];
	v19 =	vand.u32 $0x1F, v19;
	v8 =	vand.u32 $0x1F, v2;
	v2 =	vand.u32 $0x1, v1  }
0x136: {  	v7 =	vsel vm9, $0x728BBBAF, v0;
	v9 =	vsel vm10, $0x728BBBAF, v0;
	v1 =	vld [tilespmem:s15+$0x0];
	vm2 =	veq.s32 v2, $0x0  }
0x137: {  	v11 =	vsel vm11, $0x728BBBAF, v0;
	v10 =	vsel vm12, $0x728BBBAF, v0;
	v2 =	vld [tilespmem:s14+$0x4000];
	v6 =	vsel vm2, $0x0, v6  }
0x138: {  	s17 =	simm.s32 $0x0;
	s20 =	simm.s32 $0x0;
	v15 =	vsel vm13, $0x728BBBAF, v0;
	v17 =	vsel vm14, $0x728BBBAF, v0;
	v18 =	vsel vm15, $0x728BBBAF, v0;
	[tilespmem:s19+$0x0] =	vst v6;
	v6 =	vld [tilespmem:s14+$0x4040];
	s19 =	simm.s32 $0x1  }
.LBB2_10:
0x139: {  	s21 =	sand.u32 $0x3, s19;
	s17 =	sadd.s32 $0x80, s17;
	v9 =	vshrl.u32 v9, v13;
	v11 =	vshrl.u32 v11, v14;
	v13 =	vld [tilespmem:s14+$0x4050];
	v7 =	vshrl.u32 v7, v8;
	s16 =	sadd.s32 $0x400, s16  }
0x13a: {  	v8 =	vshrl.u32 v10, v12;
	v10 =	vshrl.u32 v15, v16;
	v12 =	vshrl.u32 v17, v20;
	s20 =	sadd.s32 $0x20, s20;
	s21 =	sshll.u32 s21, $0xA;
	p0 =	slt.u32 s17, $0xF80  }
0x13b: {  	v14 =	vshrl.u32 v18, v19;
	s22 =	sand.u32 $0xC00, s16;
	s23 =	sand.u32 $0x380, s20;
	v9 =	vand.u32 $0x1, v9;
	v7 =	vand.u32 $0x1, v7;
	s21 =	sadd.s32 s21, s20  }
0x13c: {  	v11 =	vand.u32 $0x1, v11;
	v8 =	vand.u32 $0x1, v8;
	v10 =	vand.u32 $0x1, v10;
	s22 =	sor.u32 s23, s22;
	s23 =	sor.u32 $0x4060, s21;
	s21 =	sor.u32 $0x4070, s21  }
0x13d: {  	v12 =	vand.u32 $0x1, v12;
	v14 =	vand.u32 $0x1, v14;
	vm0 =	veq.s32 v7, $0x0;
	v15 =	vld [tilespmem:s21+$0x8000]  }
0x13e: {  	vm1 =	veq.s32 v9, $0x0;
	vm2 =	veq.s32 v11, $0x0;
	vm3 =	veq.s32 v8, $0x0;
	v16 =	vld [tilespmem:s23+$0x8000]  }
0x13f: {  	vm4 =	veq.s32 v10, $0x0;
	vm5 =	veq.s32 v12, $0x0;
	vm6 =	veq.s32 v14, $0x0;
	v17 =	vld [tilespmem:s22+$0xC000]  }
0x140: {  	v2 =	vsel vm1, $0x0, v2;
	v3 =	vsel vm2, $0x0, v3;
	v1 =	vsel vm0, $0x0, v1;
	v12 =	vld [tilespmem:s22+$0xC010]  }
0x141: {  	v4 =	vsel vm3, $0x0, v4;
	v5 =	vsel vm4, $0x0, v5;
	v6 =	vsel vm5, $0x0, v6;
	v18 =	vld [tilespmem:s22+$0xC020];
	[tilespmem:s15+$0x0] =	vst v1;
	s15 =	smov.u32 s23  }
0x142: {  	v13 =	vsel vm6, $0x0, v13;
	vm0 =	vlt.s32 v15, $0x20;
	v14 =	vld [tilespmem:s21+$0x0];
	[tilespmem:s14+$0x4000] =	vst v2  }
0x143: {  	v2 =	vand.u32 $0x1F, v15;
	v19 =	vld [tilespmem:s22+$0xC030];
	vm1 =	vlt.s32 v16, $0x20;
	v1 =	vsel vm0, $0x728BBBAF, v0;
	[tilespmem:s14+$0x4010] =	vst v3  }
0x144: {  	vm0 =	vlt.s32 v17, $0x20;
	v20 =	vld [tilespmem:s22+$0xC040];
	v7 =	vsel vm1, $0x728BBBAF, v0;
	v1 =	vshrl.u32 v1, v2;
	[tilespmem:s14+$0x4020] =	vst v4  }
0x145: {  	v8 =	vand.u32 $0x1F, v16;
	vm1 =	vlt.s32 v12, $0x20;
	v21 =	vld [tilespmem:s22+$0xC050];
	v2 =	vand.u32 $0x1, v1;
	[tilespmem:s14+$0x4030] =	vst v5  }
0x146: {  	v9 =	vsel vm0, $0x728BBBAF, v0;
	vm0 =	vlt.s32 v18, $0x20;
	v1 =	vld [tilespmem:s15+$0x0];
	vm2 =	veq.s32 v2, $0x0;
	[tilespmem:s14+$0x4040] =	vst v6  }
.Ltmp4:
0x147: {  	v11 =	vsel vm1, $0x728BBBAF, v0;
	v2 =	vld [tilespmem:s22+$0x4000];
	v10 =	vsel vm0, $0x728BBBAF, v0;
	v4 =	vsel vm2, $0x0, v14;
	[tilespmem:s14+$0x4050] =	vst v13;
	s14 =	smov.u32 s22;
	(pc) =	sbr.rel @p0 .LBB2_10-.Ltmp4, $4  }
0x148: {  	v13 =	vand.u32 $0x1F, v17;
	v14 =	vand.u32 $0x1F, v12;
	v3 =	vld [tilespmem:s14+$0x4010];
	vm0 =	vlt.s32 v19, $0x20;
	[tilespmem:s21+$0x0] =	vst v4  }
0x149: {  	v12 =	vand.u32 $0x1F, v18;
	v4 =	vld [tilespmem:s14+$0x4020];
	v15 =	vsel vm0, $0x728BBBAF, v0;
	vm0 =	vlt.s32 v20, $0x20  }
0x14a: {  	v16 =	vand.u32 $0x1F, v19;
	v5 =	vld [tilespmem:s14+$0x4030];
	v17 =	vsel vm0, $0x728BBBAF, v0;
	vm0 =	vlt.s32 v21, $0x20  }
0x14b: {  	s19 =	sadd.s32 $0x1, s19;
	v20 =	vand.u32 $0x1F, v20;
	v19 =	vand.u32 $0x1F, v21;
	v6 =	vld [tilespmem:s14+$0x4040];
	v18 =	vsel vm0, $0x728BBBAF, v0  }
0x14c: {  	v9 =	vshrl.u32 v9, v13  }
0x14d: {  	v11 =	vshrl.u32 v11, v14;
	v7 =	vshrl.u32 v7, v8;
	v8 =	vshrl.u32 v10, v12  }
0x14e: {  	v10 =	vshrl.u32 v15, v16;
	v12 =	vshrl.u32 v17, v20;
	v7 =	vand.u32 $0x1, v7  }
0x14f: {  	v13 =	vshrl.u32 v18, v19;
	v9 =	vand.u32 $0x1, v9;
	vm0 =	veq.s32 v7, $0x0  }
0x150: {  	v7 =	vand.u32 $0x1, v11;
	vm1 =	veq.s32 v9, $0x0;
	v1 =	vsel vm0, $0x0, v1  }
0x151: {  	v8 =	vand.u32 $0x1, v8;
	v9 =	vld [tilespmem:s14+$0x4050];
	vm15 =	veq.s32 v7, $0x0;
	v2 =	vsel vm1, $0x0, v2;
	[tilespmem:s15+$0x0] =	vst v1  }
0x152: {  	vm4 =	veq.s32 v8, $0x0;
	v1 =	vand.u32 $0x1, v10;
	v3 =	vsel vm15, $0x0, v3;
	[tilespmem:s14+$0x4000] =	vst v2  }
0x153: {  	v2 =	vand.u32 $0x1, v12;
	vm5 =	veq.s32 v1, $0x0;
	v1 =	vsel vm4, $0x0, v4;
	[tilespmem:s14+$0x4010] =	vst v3  }
0x154: {  	v3 =	vand.u32 $0x1, v13;
	vm6 =	veq.s32 v2, $0x0;
	v2 =	vsel vm5, $0x0, v5;
	[tilespmem:s14+$0x4020] =	vst v1  }
0x155: {  	vm7 =	veq.s32 v3, $0x0;
	v1 =	vsel vm6, $0x0, v6;
	[tilespmem:s14+$0x4030] =	vst v2  }
0x156: {  	v2 =	vsel vm7, $0x0, v9;
	[tilespmem:s14+$0x4040] =	vst v1  }
0x157: {  	[tilespmem:s14+$0x4050] =	vst v2  }
0x158: {  	s16 =	simm.s32 $0x0;
	s0 =	rddreg [dreg:$0x18]  }
0x159: {  	[hbm4b:s0+s16] =	stream.linear.scatter [tilespmem:s26], [sflag:$0xD], $0x1000, $0x38;
	[tilespmem:$0x10000] =	vst v63  }
0x15a: {  	_ =	swait.ge [sflag:s18], $0x1000  }
0x15b: {  	[sflag:s18] =	ssyncset.done $0x0  }
0x15c: {  	s31 =	sand.u32 $0x3, s16;
	[sflag:s18] =	ssyncadd.s32 $0xFFFFF000  }
0x15d: {  	s14 =	sshll.u32 s31, $0xA;
	_ =	swait.ge [sflag:s18], $0x1000  }
0x15e: {  	s14 =	sadd.s32 $0x0, s14;
	[sflag:s18] =	ssyncset.done $0x0  }
0x15f: {  	s19 =	sor.u32 $0x5070, s14;
	[sflag:s18] =	ssyncadd.s32 $0xFFFFF000  }
0x160: {  	s17 =	sand.u32 $0xC00, s16;
	s20 =	sand.u32 $0x380, s16;
	s15 =	sor.u32 $0x5060, s14;
	v1 =	vld [tilespmem:s19+$0x8000]  }
0x161: {  	s14 =	sor.u32 s20, s17;
	v2 =	vld [tilespmem:s15+$0x8000]  }
0x162: {  	v3 =	vld [tilespmem:s14+$0xD000]  }
0x163: {  	v4 =	vld [tilespmem:s14+$0xD010]  }
0x164: {  	v5 =	vld [tilespmem:s14+$0xD020]  }
0x165: {  	v16 =	vld [tilespmem:s14+$0xD030]  }
0x166: {  	v18 =	vld [tilespmem:s14+$0xD040]  }
0x167: {  	v19 =	vld [tilespmem:s14+$0xD050];
	vm8 =	vlt.s32 v1, $0x20  }
0x168: {  	vm9 =	vlt.s32 v2, $0x20;
	v1 =	vand.u32 $0x1F, v1;
	vm10 =	vlt.s32 v3, $0x20  }
0x169: {  	vm11 =	vlt.s32 v4, $0x20;
	vm12 =	vlt.s32 v5, $0x20;
	v13 =	vand.u32 $0x1F, v3  }
0x16a: {  	v6 =	vld [tilespmem:s19+$0x0];
	v14 =	vand.u32 $0x1F, v4;
	vm13 =	vlt.s32 v16, $0x20;
	v12 =	vand.u32 $0x1F, v5  }
0x16b: {  	v3 =	vld [tilespmem:s14+$0x5010];
	vm14 =	vlt.s32 v18, $0x20;
	v16 =	vand.u32 $0x1F, v16;
	v8 =	vsel vm8, $0x728BBBAF, v0  }
0x16c: {  	v4 =	vld [tilespmem:s14+$0x5020];
	vm15 =	vlt.s32 v19, $0x20;
	v20 =	vand.u32 $0x1F, v18;
	v1 =	vshrl.u32 v8, v1  }
0x16d: {  	v5 =	vld [tilespmem:s14+$0x5030];
	v19 =	vand.u32 $0x1F, v19;
	v8 =	vand.u32 $0x1F, v2;
	v2 =	vand.u32 $0x1, v1  }
0x16e: {  	v7 =	vsel vm9, $0x728BBBAF, v0;
	v9 =	vsel vm10, $0x728BBBAF, v0;
	v1 =	vld [tilespmem:s15+$0x0];
	vm2 =	veq.s32 v2, $0x0  }
0x16f: {  	v11 =	vsel vm11, $0x728BBBAF, v0;
	v10 =	vsel vm12, $0x728BBBAF, v0;
	v2 =	vld [tilespmem:s14+$0x5000];
	v6 =	vsel vm2, $0x0, v6  }
0x170: {  	s17 =	simm.s32 $0x0;
	s20 =	simm.s32 $0x0;
	v15 =	vsel vm13, $0x728BBBAF, v0;
	v17 =	vsel vm14, $0x728BBBAF, v0;
	v18 =	vsel vm15, $0x728BBBAF, v0;
	[tilespmem:s19+$0x0] =	vst v6;
	v6 =	vld [tilespmem:s14+$0x5040];
	s19 =	simm.s32 $0x1  }
.LBB2_12:
0x171: {  	s21 =	sand.u32 $0x3, s19;
	s17 =	sadd.s32 $0x80, s17;
	v9 =	vshrl.u32 v9, v13;
	v11 =	vshrl.u32 v11, v14;
	v13 =	vld [tilespmem:s14+$0x5050];
	v7 =	vshrl.u32 v7, v8;
	s16 =	sadd.s32 $0x400, s16  }
0x172: {  	v8 =	vshrl.u32 v10, v12;
	v10 =	vshrl.u32 v15, v16;
	v12 =	vshrl.u32 v17, v20;
	s20 =	sadd.s32 $0x20, s20;
	s21 =	sshll.u32 s21, $0xA;
	p0 =	slt.u32 s17, $0xF80  }
0x173: {  	v14 =	vshrl.u32 v18, v19;
	s22 =	sand.u32 $0xC00, s16;
	s23 =	sand.u32 $0x380, s20;
	v9 =	vand.u32 $0x1, v9;
	v7 =	vand.u32 $0x1, v7;
	s21 =	sadd.s32 s21, s20  }
0x174: {  	v11 =	vand.u32 $0x1, v11;
	v8 =	vand.u32 $0x1, v8;
	v10 =	vand.u32 $0x1, v10;
	s22 =	sor.u32 s23, s22;
	s23 =	sor.u32 $0x5060, s21;
	s21 =	sor.u32 $0x5070, s21  }
0x175: {  	v12 =	vand.u32 $0x1, v12;
	v14 =	vand.u32 $0x1, v14;
	vm0 =	veq.s32 v7, $0x0;
	v15 =	vld [tilespmem:s21+$0x8000]  }
0x176: {  	vm1 =	veq.s32 v9, $0x0;
	vm2 =	veq.s32 v11, $0x0;
	vm3 =	veq.s32 v8, $0x0;
	v16 =	vld [tilespmem:s23+$0x8000]  }
0x177: {  	vm4 =	veq.s32 v10, $0x0;
	vm5 =	veq.s32 v12, $0x0;
	vm6 =	veq.s32 v14, $0x0;
	v17 =	vld [tilespmem:s22+$0xD000]  }
0x178: {  	v2 =	vsel vm1, $0x0, v2;
	v3 =	vsel vm2, $0x0, v3;
	v1 =	vsel vm0, $0x0, v1;
	v12 =	vld [tilespmem:s22+$0xD010]  }
0x179: {  	v4 =	vsel vm3, $0x0, v4;
	v5 =	vsel vm4, $0x0, v5;
	v6 =	vsel vm5, $0x0, v6;
	v18 =	vld [tilespmem:s22+$0xD020];
	[tilespmem:s15+$0x0] =	vst v1;
	s15 =	smov.u32 s23  }
0x17a: {  	v13 =	vsel vm6, $0x0, v13;
	vm0 =	vlt.s32 v15, $0x20;
	v14 =	vld [tilespmem:s21+$0x0];
	[tilespmem:s14+$0x5000] =	vst v2  }
0x17b: {  	v2 =	vand.u32 $0x1F, v15;
	v19 =	vld [tilespmem:s22+$0xD030];
	vm1 =	vlt.s32 v16, $0x20;
	v1 =	vsel vm0, $0x728BBBAF, v0;
	[tilespmem:s14+$0x5010] =	vst v3  }
0x17c: {  	vm0 =	vlt.s32 v17, $0x20;
	v20 =	vld [tilespmem:s22+$0xD040];
	v7 =	vsel vm1, $0x728BBBAF, v0;
	v1 =	vshrl.u32 v1, v2;
	[tilespmem:s14+$0x5020] =	vst v4  }
0x17d: {  	v8 =	vand.u32 $0x1F, v16;
	vm1 =	vlt.s32 v12, $0x20;
	v21 =	vld [tilespmem:s22+$0xD050];
	v2 =	vand.u32 $0x1, v1;
	[tilespmem:s14+$0x5030] =	vst v5  }
0x17e: {  	v9 =	vsel vm0, $0x728BBBAF, v0;
	vm0 =	vlt.s32 v18, $0x20;
	v1 =	vld [tilespmem:s15+$0x0];
	vm2 =	veq.s32 v2, $0x0;
	[tilespmem:s14+$0x5040] =	vst v6  }
.Ltmp5:
0x17f: {  	v11 =	vsel vm1, $0x728BBBAF, v0;
	v2 =	vld [tilespmem:s22+$0x5000];
	v10 =	vsel vm0, $0x728BBBAF, v0;
	v4 =	vsel vm2, $0x0, v14;
	[tilespmem:s14+$0x5050] =	vst v13;
	s14 =	smov.u32 s22;
	(pc) =	sbr.rel @p0 .LBB2_12-.Ltmp5, $4  }
0x180: {  	v13 =	vand.u32 $0x1F, v17;
	v14 =	vand.u32 $0x1F, v12;
	v3 =	vld [tilespmem:s14+$0x5010];
	vm0 =	vlt.s32 v19, $0x20;
	[tilespmem:s21+$0x0] =	vst v4  }
0x181: {  	v12 =	vand.u32 $0x1F, v18;
	v4 =	vld [tilespmem:s14+$0x5020];
	v15 =	vsel vm0, $0x728BBBAF, v0;
	vm0 =	vlt.s32 v20, $0x20  }
0x182: {  	v16 =	vand.u32 $0x1F, v19;
	v5 =	vld [tilespmem:s14+$0x5030];
	v17 =	vsel vm0, $0x728BBBAF, v0;
	vm0 =	vlt.s32 v21, $0x20  }
0x183: {  	s19 =	sadd.s32 $0x1, s19;
	v20 =	vand.u32 $0x1F, v20;
	v19 =	vand.u32 $0x1F, v21;
	v6 =	vld [tilespmem:s14+$0x5040];
	v18 =	vsel vm0, $0x728BBBAF, v0  }
0x184: {  	v9 =	vshrl.u32 v9, v13  }
0x185: {  	v11 =	vshrl.u32 v11, v14;
	v7 =	vshrl.u32 v7, v8;
	v8 =	vshrl.u32 v10, v12  }
0x186: {  	v10 =	vshrl.u32 v15, v16;
	v12 =	vshrl.u32 v17, v20;
	v7 =	vand.u32 $0x1, v7  }
0x187: {  	v13 =	vshrl.u32 v18, v19;
	v9 =	vand.u32 $0x1, v9;
	vm0 =	veq.s32 v7, $0x0  }
0x188: {  	v7 =	vand.u32 $0x1, v11;
	vm1 =	veq.s32 v9, $0x0;
	v1 =	vsel vm0, $0x0, v1  }
0x189: {  	v8 =	vand.u32 $0x1, v8;
	v9 =	vld [tilespmem:s14+$0x5050];
	vm15 =	veq.s32 v7, $0x0;
	v2 =	vsel vm1, $0x0, v2;
	[tilespmem:s15+$0x0] =	vst v1  }
0x18a: {  	vm4 =	veq.s32 v8, $0x0;
	v1 =	vand.u32 $0x1, v10;
	v3 =	vsel vm15, $0x0, v3;
	[tilespmem:s14+$0x5000] =	vst v2  }
0x18b: {  	v2 =	vand.u32 $0x1, v12;
	vm5 =	veq.s32 v1, $0x0;
	v1 =	vsel vm4, $0x0, v4;
	[tilespmem:s14+$0x5010] =	vst v3  }
0x18c: {  	v3 =	vand.u32 $0x1, v13;
	vm6 =	veq.s32 v2, $0x0;
	v2 =	vsel vm5, $0x0, v5;
	[tilespmem:s14+$0x5020] =	vst v1  }
0x18d: {  	vm7 =	veq.s32 v3, $0x0;
	v1 =	vsel vm6, $0x0, v6;
	[tilespmem:s14+$0x5030] =	vst v2  }
0x18e: {  	v2 =	vsel vm7, $0x0, v9;
	[tilespmem:s14+$0x5040] =	vst v1  }
0x18f: {  	[tilespmem:s14+$0x5050] =	vst v2  }
0x190: {  	s16 =	simm.s32 $0x0;
	s0 =	rddreg [dreg:$0x19]  }
0x191: {  	[hbm4b:s0+s16] =	stream.linear.scatter [tilespmem:s28], [sflag:$0xE], $0x1000, $0x38;
	[tilespmem:$0x10000] =	vst v63  }
0x192: {  	_ =	swait.ge [sflag:s8], $0x1000  }
0x193: {  	[sflag:s8] =	ssyncset.done $0x0  }
0x194: {  	s31 =	sand.u32 $0x3, s16;
	[sflag:s8] =	ssyncadd.s32 $0xFFFFF000  }
0x195: {  	s14 =	sshll.u32 s31, $0xA;
	_ =	swait.ge [sflag:s8], $0x1000  }
0x196: {  	s14 =	sadd.s32 $0x0, s14;
	[sflag:s8] =	ssyncset.done $0x0  }
0x197: {  	s19 =	sor.u32 $0x6070, s14;
	[sflag:s8] =	ssyncadd.s32 $0xFFFFF000  }
0x198: {  	s17 =	sand.u32 $0xC00, s16;
	s20 =	sand.u32 $0x380, s16;
	s15 =	sor.u32 $0x6060, s14;
	v1 =	vld [tilespmem:s19+$0x8000]  }
0x199: {  	s14 =	sor.u32 s20, s17;
	v2 =	vld [tilespmem:s15+$0x8000]  }
0x19a: {  	v3 =	vld [tilespmem:s14+$0xE000]  }
0x19b: {  	v4 =	vld [tilespmem:s14+$0xE010]  }
0x19c: {  	v5 =	vld [tilespmem:s14+$0xE020]  }
0x19d: {  	v16 =	vld [tilespmem:s14+$0xE030]  }
0x19e: {  	v18 =	vld [tilespmem:s14+$0xE040]  }
0x19f: {  	v19 =	vld [tilespmem:s14+$0xE050];
	vm8 =	vlt.s32 v1, $0x20  }
0x1a0: {  	vm9 =	vlt.s32 v2, $0x20;
	v1 =	vand.u32 $0x1F, v1;
	vm10 =	vlt.s32 v3, $0x20  }
0x1a1: {  	vm11 =	vlt.s32 v4, $0x20;
	vm12 =	vlt.s32 v5, $0x20;
	v13 =	vand.u32 $0x1F, v3  }
0x1a2: {  	v6 =	vld [tilespmem:s19+$0x0];
	v14 =	vand.u32 $0x1F, v4;
	vm13 =	vlt.s32 v16, $0x20;
	v12 =	vand.u32 $0x1F, v5  }
0x1a3: {  	v3 =	vld [tilespmem:s14+$0x6010];
	vm14 =	vlt.s32 v18, $0x20;
	v16 =	vand.u32 $0x1F, v16;
	v8 =	vsel vm8, $0x728BBBAF, v0  }
0x1a4: {  	v4 =	vld [tilespmem:s14+$0x6020];
	vm15 =	vlt.s32 v19, $0x20;
	v20 =	vand.u32 $0x1F, v18;
	v1 =	vshrl.u32 v8, v1  }
0x1a5: {  	v5 =	vld [tilespmem:s14+$0x6030];
	v19 =	vand.u32 $0x1F, v19;
	v8 =	vand.u32 $0x1F, v2;
	v2 =	vand.u32 $0x1, v1  }
0x1a6: {  	v7 =	vsel vm9, $0x728BBBAF, v0;
	v9 =	vsel vm10, $0x728BBBAF, v0;
	v1 =	vld [tilespmem:s15+$0x0];
	vm2 =	veq.s32 v2, $0x0  }
0x1a7: {  	v11 =	vsel vm11, $0x728BBBAF, v0;
	v10 =	vsel vm12, $0x728BBBAF, v0;
	v2 =	vld [tilespmem:s14+$0x6000];
	v6 =	vsel vm2, $0x0, v6  }
0x1a8: {  	s17 =	simm.s32 $0x0;
	s20 =	simm.s32 $0x0;
	v15 =	vsel vm13, $0x728BBBAF, v0;
	v17 =	vsel vm14, $0x728BBBAF, v0;
	v18 =	vsel vm15, $0x728BBBAF, v0;
	[tilespmem:s19+$0x0] =	vst v6;
	v6 =	vld [tilespmem:s14+$0x6040];
	s19 =	simm.s32 $0x1  }
.LBB2_14:
0x1a9: {  	s21 =	sand.u32 $0x3, s19;
	s17 =	sadd.s32 $0x80, s17;
	v9 =	vshrl.u32 v9, v13;
	v11 =	vshrl.u32 v11, v14;
	v13 =	vld [tilespmem:s14+$0x6050];
	v7 =	vshrl.u32 v7, v8;
	s16 =	sadd.s32 $0x400, s16  }
0x1aa: {  	v8 =	vshrl.u32 v10, v12;
	v10 =	vshrl.u32 v15, v16;
	v12 =	vshrl.u32 v17, v20;
	s20 =	sadd.s32 $0x20, s20;
	s21 =	sshll.u32 s21, $0xA;
	p0 =	slt.u32 s17, $0xF80  }
0x1ab: {  	v14 =	vshrl.u32 v18, v19;
	s22 =	sand.u32 $0xC00, s16;
	s23 =	sand.u32 $0x380, s20;
	v9 =	vand.u32 $0x1, v9;
	v7 =	vand.u32 $0x1, v7;
	s21 =	sadd.s32 s21, s20  }
0x1ac: {  	v11 =	vand.u32 $0x1, v11;
	v8 =	vand.u32 $0x1, v8;
	v10 =	vand.u32 $0x1, v10;
	s22 =	sor.u32 s23, s22;
	s23 =	sor.u32 $0x6060, s21;
	s21 =	sor.u32 $0x6070, s21  }
0x1ad: {  	v12 =	vand.u32 $0x1, v12;
	v14 =	vand.u32 $0x1, v14;
	vm0 =	veq.s32 v7, $0x0;
	v15 =	vld [tilespmem:s21+$0x8000]  }
0x1ae: {  	vm1 =	veq.s32 v9, $0x0;
	vm2 =	veq.s32 v11, $0x0;
	vm3 =	veq.s32 v8, $0x0;
	v16 =	vld [tilespmem:s23+$0x8000]  }
0x1af: {  	vm4 =	veq.s32 v10, $0x0;
	vm5 =	veq.s32 v12, $0x0;
	vm6 =	veq.s32 v14, $0x0;
	v17 =	vld [tilespmem:s22+$0xE000]  }
0x1b0: {  	v2 =	vsel vm1, $0x0, v2;
	v3 =	vsel vm2, $0x0, v3;
	v1 =	vsel vm0, $0x0, v1;
	v12 =	vld [tilespmem:s22+$0xE010]  }
0x1b1: {  	v4 =	vsel vm3, $0x0, v4;
	v5 =	vsel vm4, $0x0, v5;
	v6 =	vsel vm5, $0x0, v6;
	v18 =	vld [tilespmem:s22+$0xE020];
	[tilespmem:s15+$0x0] =	vst v1;
	s15 =	smov.u32 s23  }
0x1b2: {  	v13 =	vsel vm6, $0x0, v13;
	vm0 =	vlt.s32 v15, $0x20;
	v14 =	vld [tilespmem:s21+$0x0];
	[tilespmem:s14+$0x6000] =	vst v2  }
0x1b3: {  	v2 =	vand.u32 $0x1F, v15;
	v19 =	vld [tilespmem:s22+$0xE030];
	vm1 =	vlt.s32 v16, $0x20;
	v1 =	vsel vm0, $0x728BBBAF, v0;
	[tilespmem:s14+$0x6010] =	vst v3  }
0x1b4: {  	vm0 =	vlt.s32 v17, $0x20;
	v20 =	vld [tilespmem:s22+$0xE040];
	v7 =	vsel vm1, $0x728BBBAF, v0;
	v1 =	vshrl.u32 v1, v2;
	[tilespmem:s14+$0x6020] =	vst v4  }
0x1b5: {  	v8 =	vand.u32 $0x1F, v16;
	vm1 =	vlt.s32 v12, $0x20;
	v21 =	vld [tilespmem:s22+$0xE050];
	v2 =	vand.u32 $0x1, v1;
	[tilespmem:s14+$0x6030] =	vst v5  }
0x1b6: {  	v9 =	vsel vm0, $0x728BBBAF, v0;
	vm0 =	vlt.s32 v18, $0x20;
	v1 =	vld [tilespmem:s15+$0x0];
	vm2 =	veq.s32 v2, $0x0;
	[tilespmem:s14+$0x6040] =	vst v6  }
.Ltmp6:
0x1b7: {  	v11 =	vsel vm1, $0x728BBBAF, v0;
	v2 =	vld [tilespmem:s22+$0x6000];
	v10 =	vsel vm0, $0x728BBBAF, v0;
	v4 =	vsel vm2, $0x0, v14;
	[tilespmem:s14+$0x6050] =	vst v13;
	s14 =	smov.u32 s22;
	(pc) =	sbr.rel @p0 .LBB2_14-.Ltmp6, $4  }
0x1b8: {  	v13 =	vand.u32 $0x1F, v17;
	v14 =	vand.u32 $0x1F, v12;
	v3 =	vld [tilespmem:s14+$0x6010];
	vm0 =	vlt.s32 v19, $0x20;
	[tilespmem:s21+$0x0] =	vst v4  }
0x1b9: {  	v12 =	vand.u32 $0x1F, v18;
	v4 =	vld [tilespmem:s14+$0x6020];
	v15 =	vsel vm0, $0x728BBBAF, v0;
	vm0 =	vlt.s32 v20, $0x20  }
0x1ba: {  	v16 =	vand.u32 $0x1F, v19;
	v5 =	vld [tilespmem:s14+$0x6030];
	v17 =	vsel vm0, $0x728BBBAF, v0;
	vm0 =	vlt.s32 v21, $0x20  }
0x1bb: {  	s19 =	sadd.s32 $0x1, s19;
	v20 =	vand.u32 $0x1F, v20;
	v19 =	vand.u32 $0x1F, v21;
	v6 =	vld [tilespmem:s14+$0x6040];
	v18 =	vsel vm0, $0x728BBBAF, v0  }
0x1bc: {  	v9 =	vshrl.u32 v9, v13  }
0x1bd: {  	v11 =	vshrl.u32 v11, v14;
	v7 =	vshrl.u32 v7, v8;
	v8 =	vshrl.u32 v10, v12  }
0x1be: {  	v10 =	vshrl.u32 v15, v16;
	v12 =	vshrl.u32 v17, v20;
	v7 =	vand.u32 $0x1, v7  }
0x1bf: {  	v13 =	vshrl.u32 v18, v19;
	v9 =	vand.u32 $0x1, v9;
	vm0 =	veq.s32 v7, $0x0  }
0x1c0: {  	v7 =	vand.u32 $0x1, v11;
	vm1 =	veq.s32 v9, $0x0;
	v1 =	vsel vm0, $0x0, v1  }
0x1c1: {  	v8 =	vand.u32 $0x1, v8;
	v9 =	vld [tilespmem:s14+$0x6050];
	vm0 =	veq.s32 v7, $0x0;
	v2 =	vsel vm1, $0x0, v2;
	[tilespmem:s15+$0x0] =	vst v1  }
0x1c2: {  	vm1 =	veq.s32 v8, $0x0;
	v1 =	vand.u32 $0x1, v10;
	v3 =	vsel vm0, $0x0, v3;
	[tilespmem:s14+$0x6000] =	vst v2  }
0x1c3: {  	v2 =	vand.u32 $0x1, v12;
	vm0 =	veq.s32 v1, $0x0;
	v1 =	vsel vm1, $0x0, v4;
	[tilespmem:s14+$0x6010] =	vst v3  }
0x1c4: {  	v3 =	vand.u32 $0x1, v13;
	vm1 =	veq.s32 v2, $0x0;
	v2 =	vsel vm0, $0x0, v5;
	[tilespmem:s14+$0x6020] =	vst v1  }
0x1c5: {  	vm0 =	veq.s32 v3, $0x0;
	v1 =	vsel vm1, $0x0, v6;
	[tilespmem:s14+$0x6030] =	vst v2  }
0x1c6: {  	v2 =	vsel vm0, $0x0, v9;
	[tilespmem:s14+$0x6040] =	vst v1  }
0x1c7: {  	[tilespmem:s14+$0x6050] =	vst v2  }
0x1c8: {  	s15 =	simm.s32 $0x0;
	s0 =	rddreg [dreg:$0x1a]  }
0x1c9: {  	[hbm4b:s0+s15] =	stream.linear.scatter [tilespmem:s29], [sflag:$0xF], $0x1000, $0x38;
	[tilespmem:$0x10000] =	vst v63  }
0x1ca: {  	_ =	swait.ge [sflag:s9], $0x1000  }
0x1cb: {  	[sflag:s9] =	ssyncset.done $0x0  }
0x1cc: {  	[sflag:s9] =	ssyncadd.s32 $0xFFFFF000  }
0x1cd: {  	_ =	swait.ge [sflag:s9], $0x1000  }
0x1ce: {  	[sflag:s9] =	ssyncset.done $0x0  }
0x1cf: {  	s22 =	sor.u32 $0x7070, s15;
	[sflag:s9] =	ssyncadd.s32 $0xFFFFF000  }
0x1d0: {  	s14 =	sor.u32 $0x7060, s15;
	v1 =	vld [tilespmem:s22+$0x8000]  }
0x1d1: {  	s16 =	sand.u32 $0xFFFFFF80, s15;
	v2 =	vld [tilespmem:s14+$0x8000]  }
0x1d2: {  	s21 =	sadd.s32 $0x0, s16  }
0x1d3: {  	s23 =	sor.u32 $0x7050, s21  }
0x1d4: {  	s20 =	sor.u32 $0x7000, s21;
	v4 =	vld [tilespmem:s23+$0x8000]  }
0x1d5: {  	v6 =	vld [tilespmem:s20+$0x8000]  }
0x1d6: {  	s16 =	sor.u32 $0x7010, s21;
	s17 =	sor.u32 $0x7020, s21;
	v3 =	vld [tilespmem:s22+$0x0];
	vm0 =	vlt.s32 v1, $0x20;
	vm1 =	vlt.s32 v2, $0x20;
	v1 =	vand.u32 $0x1F, v1  }
0x1d7: {  	s19 =	sor.u32 $0x7030, s21;
	s21 =	sor.u32 $0x7040, s21;
	v12 =	vld [tilespmem:s16+$0x8000];
	v2 =	vand.u32 $0x1F, v2;
	v5 =	vsel vm0, $0x728BBBAF, v0;
	v7 =	vsel vm1, $0x728BBBAF, v0  }
0x1d8: {  	v17 =	vld [tilespmem:s21+$0x8000];
	v1 =	vshrl.u32 v5, v1;
	v2 =	vshrl.u32 v7, v2  }
0x1d9: {  	v13 =	vld [tilespmem:s17+$0x8000];
	vm2 =	vlt.s32 v4, $0x20;
	v1 =	vand.u32 $0x1, v1;
	v2 =	vand.u32 $0x1, v2  }
0x1da: {  	v14 =	vld [tilespmem:s19+$0x8000];
	v11 =	vand.u32 $0x1F, v6;
	vm1 =	veq.s32 v1, $0x0;
	vm0 =	veq.s32 v2, $0x0  }
0x1db: {  	v15 =	vld [tilespmem:s23+$0x0];
	v2 =	vsel vm2, $0x728BBBAF, v0;
	v16 =	vsel vm1, $0x0, v3;
	vm1 =	vlt.s32 v6, $0x20  }
0x1dc: {  	v5 =	vld [tilespmem:s17+$0x0];
	v3 =	vand.u32 $0x1F, v4;
	v7 =	vsel vm1, $0x728BBBAF, v0;
	vm1 =	vlt.s32 v12, $0x20  }
0x1dd: {  	v1 =	vld [tilespmem:s14+$0x0];
	v3 =	vshrl.u32 v2, v3;
	[tilespmem:s22+$0x0] =	vst v16;
	v12 =	vand.u32 $0x1F, v12;
	v16 =	vand.u32 $0x1F, v17  }
0x1de: {  	v6 =	vld [tilespmem:s21+$0x0];
	v8 =	vsel vm1, $0x728BBBAF, v0;
	vm1 =	vlt.s32 v13, $0x20;
	v4 =	vand.u32 $0x1, v3  }
0x1df: {  	v2 =	vld [tilespmem:s20+$0x0];
	v9 =	vsel vm1, $0x728BBBAF, v0;
	vm1 =	vlt.s32 v14, $0x20;
	vm2 =	veq.s32 v4, $0x0  }
0x1e0: {  	v3 =	vld [tilespmem:s16+$0x0];
	v10 =	vsel vm1, $0x728BBBAF, v0;
	v15 =	vsel vm2, $0x0, v15;
	vm1 =	vlt.s32 v17, $0x20  }
0x1e1: {  	s24 =	simm.s32 $0x0;
	s22 =	simm.s32 $0x0;
	v13 =	vand.u32 $0x1F, v13;
	v4 =	vld [tilespmem:s19+$0x0];
	v14 =	vand.u32 $0x1F, v14;
	[tilespmem:s23+$0x0] =	vst v15;
	v15 =	vsel vm1, $0x728BBBAF, v0;
	s23 =	simm.s32 $0x420  }
.LBB2_16:
0x1e2: {  	s26 =	sor.u32 $0x7060, s23;
	s25 =	sor.u32 $0x7070, s23;
	v7 =	vshrl.u32 v7, v11;
	v8 =	vshrl.u32 v8, v12;
	v9 =	vshrl.u32 v9, v13  }
0x1e3: {  	v10 =	vshrl.u32 v10, v14;
	v12 =	vshrl.u32 v15, v16;
	v11 =	vld [tilespmem:s25+$0x8000];
	v7 =	vand.u32 $0x1, v7  }
0x1e4: {  	s15 =	sadd.s32 $0x20, s15;
	v8 =	vand.u32 $0x1, v8;
	v9 =	vand.u32 $0x1, v9;
	v10 =	vand.u32 $0x1, v10;
	v13 =	vld [tilespmem:s26+$0x8000]  }
0x1e5: {  	s22 =	sadd.s32 $0x80, s22;
	s24 =	sadd.s32 $0x400, s24;
	s28 =	sand.u32 $0xFFFFFF80, s15;
	vm1 =	veq.s32 v7, $0x0;
	vm2 =	veq.s32 v8, $0x0;
	v7 =	vand.u32 $0x1, v12;
	v14 =	vld [tilespmem:s26+$0x0]  }
0x1e6: {  	p0 =	slt.u32 s22, $0xF80;
	s29 =	sadd.s32 s28, s24;
	vm3 =	veq.s32 v9, $0x0;
	vm4 =	veq.s32 v10, $0x0;
	vm5 =	veq.s32 v7, $0x0  }
0x1e7: {  	s10 =	sor.u32 $0x7000, s29;
	s0 =	sor.u32 $0x7010, s29;
	s28 =	sor.u32 $0x7050, s29;
	v2 =	vsel vm1, $0x0, v2;
	v3 =	vsel vm2, $0x0, v3;
	v5 =	vsel vm3, $0x0, v5;
	v7 =	vld [tilespmem:s25+$0x0]  }
0x1e8: {  	s11 =	sor.u32 $0x7020, s29;
	s31 =	sor.u32 $0x7030, s29;
	s29 =	sor.u32 $0x7040, s29;
	v8 =	vld [tilespmem:s28+$0x8000];
	vm1 =	vlt.s32 v11, $0x20;
	[tilespmem:s20+$0x0] =	vst v2;
	v2 =	vsel vm4, $0x0, v4;
	v4 =	vsel vm5, $0x0, v6  }
0x1e9: {  	v10 =	vand.u32 $0x1F, v11;
	s20 =	smov.u32 s10;
	v6 =	vld [tilespmem:s10+$0x8000];
	vm2 =	vlt.s32 v13, $0x20;
	v9 =	vsel vm1, $0x728BBBAF, v0;
	[tilespmem:s16+$0x0] =	vst v3;
	s16 =	smov.u32 s0  }
0x1ea: {  	v11 =	vand.u32 $0x1F, v13;
	v12 =	vld [tilespmem:s16+$0x8000];
	v3 =	vsel vm2, $0x728BBBAF, v0;
	v9 =	vshrl.u32 v9, v10;
	[tilespmem:s17+$0x0] =	vst v5;
	s17 =	smov.u32 s11  }
0x1eb: {  	v13 =	vld [tilespmem:s17+$0x8000];
	v3 =	vshrl.u32 v3, v11;
	v5 =	vand.u32 $0x1, v9;
	[tilespmem:s19+$0x0] =	vst v2;
	v2 =	vsel vm0, $0x0, v1;
	v1 =	vmovc v14;
	s19 =	smov.u32 s31  }
0x1ec: {  	v14 =	vld [tilespmem:s19+$0x8000];
	v3 =	vand.u32 $0x1, v3;
	vm1 =	veq.s32 v5, $0x0;
	[tilespmem:s21+$0x0] =	vst v4;
	s21 =	smov.u32 s29  }
0x1ed: {  	vm2 =	vlt.s32 v8, $0x20;
	v15 =	vld [tilespmem:s28+$0x0];
	vm0 =	veq.s32 v3, $0x0;
	v16 =	vsel vm1, $0x0, v7;
	[tilespmem:s14+$0x0] =	vst v2;
	s14 =	smov.u32 s26  }
0x1ee: {  	v4 =	vand.u32 $0x1F, v8;
	vm1 =	vlt.s32 v6, $0x20;
	v17 =	vld [tilespmem:s21+$0x8000];
	v3 =	vsel vm2, $0x728BBBAF, v0  }
0x1ef: {  	v7 =	vsel vm1, $0x728BBBAF, v0;
	v2 =	vld [tilespmem:s20+$0x0];
	vm1 =	vlt.s32 v12, $0x20;
	v4 =	vshrl.u32 v3, v4  }
.Ltmp7:
0x1f0: {  	v8 =	vsel vm1, $0x728BBBAF, v0;
	v3 =	vld [tilespmem:s16+$0x0];
	vm1 =	vlt.s32 v13, $0x20;
	v4 =	vand.u32 $0x1, v4;
	(pc) =	sbr.rel @p0 .LBB2_16-.Ltmp7, $4  }
0x1f1: {  	v9 =	vsel vm1, $0x728BBBAF, v0;
	v5 =	vld [tilespmem:s17+$0x0];
	vm1 =	vlt.s32 v14, $0x20;
	vm2 =	veq.s32 v4, $0x0  }
0x1f2: {  	v11 =	vand.u32 $0x1F, v6;
	v10 =	vsel vm1, $0x728BBBAF, v0;
	v4 =	vld [tilespmem:s19+$0x0];
	v15 =	vsel vm2, $0x0, v15;
	[tilespmem:s25+$0x0] =	vst v16  }
0x1f3: {  	v12 =	vand.u32 $0x1F, v12;
	v13 =	vand.u32 $0x1F, v13;
	vm1 =	vlt.s32 v17, $0x20;
	v6 =	vld [tilespmem:s21+$0x0];
	[tilespmem:s28+$0x0] =	vst v15  }
0x1f4: {  	s23 =	sadd.s32 $0x420, s23;
	v14 =	vand.u32 $0x1F, v14;
	v16 =	vand.u32 $0x1F, v17;
	v15 =	vsel vm1, $0x728BBBAF, v0  }
0x1f5: {  	v7 =	vshrl.u32 v7, v11;
	v8 =	vshrl.u32 v8, v12;
	v9 =	vshrl.u32 v9, v13  }
0x1f6: {  	v10 =	vshrl.u32 v10, v14;
	v61 =	vshrl.u32 v15, v16;
	v7 =	vand.u32 $0x1, v7  }
0x1f7: {  	v1 =	vsel vm0, $0x0, v1;
	v8 =	vand.u32 $0x1, v8;
	vm1 =	veq.s32 v7, $0x0  }
0x1f8: {  	v62 =	vand.u32 $0x1, v9;
	[tilespmem:s14+$0x0] =	vst v1;
	vm2 =	veq.s32 v8, $0x0;
	v2 =	vsel vm1, $0x0, v2  }
0x1f9: {  	v63 =	vand.u32 $0x1, v10;
	vm13 =	veq.s32 v62, $0x0;
	v3 =	vsel vm2, $0x0, v3;
	[tilespmem:s20+$0x0] =	vst v2  }
0x1fa: {  	vm14 =	veq.s32 v63, $0x0;
	v5 =	vsel vm13, $0x0, v5;
	v2 =	vand.u32 $0x1, v61;
	[tilespmem:s16+$0x0] =	vst v3  }
0x1fb: {  	[tilespmem:s17+$0x0] =	vst v5;
	vm15 =	veq.s32 v2, $0x0;
	v2 =	vsel vm14, $0x0, v4  }
0x1fc: {  	v3 =	vsel vm15, $0x0, v6;
	[tilespmem:s19+$0x0] =	vst v2  }
0x1fd: {  	[tilespmem:s21+$0x0] =	vst v3  }
0x1fe: {  	s22 =	simm.s32 $0x9;
	s14 =	simm.s32 $0x7000;
	s0 =	rddreg [dreg:$0x1b]  }
0x1ff: {  	[hbm4b:s0+s1] =	stream.linear.scatter [tilespmem:s14], [sflag:$0x10], $0x1000, $0x38;
	[tilespmem:$0x10000] =	vst v63  }
0x200: {  	_ =	swait.ge [sflag:s22], $0x1000  }
0x201: {  	[sflag:s22] =	ssyncset.done $0x0  }
0x202: {  	s23 =	simm.s32 $0xA;
	[sflag:s22] =	ssyncadd.s32 $0xFFFFF000  }
0x203: {  	_ =	swait.ge [sflag:s23], $0x1000  }
0x204: {  	[sflag:s23] =	ssyncset.done $0x0  }
0x205: {  	s24 =	simm.s32 $0xB;
	[sflag:s23] =	ssyncadd.s32 $0xFFFFF000  }
0x206: {  	_ =	swait.ge [sflag:s24], $0x1000  }
0x207: {  	[sflag:s24] =	ssyncset.done $0x0  }
0x208: {  	s25 =	simm.s32 $0xC;
	[sflag:s24] =	ssyncadd.s32 $0xFFFFF000  }
0x209: {  	_ =	swait.ge [sflag:s25], $0x1000  }
0x20a: {  	[sflag:s25] =	ssyncset.done $0x0  }
0x20b: {  	s26 =	simm.s32 $0xD;
	[sflag:s25] =	ssyncadd.s32 $0xFFFFF000  }
0x20c: {  	_ =	swait.ge [sflag:s26], $0x1000  }
0x20d: {  	[sflag:s26] =	ssyncset.done $0x0  }
0x20e: {  	[sflag:s26] =	ssyncadd.s32 $0xFFFFF000  }
0x20f: {  	_ =	swait.ge [sflag:s12], $0x1000  }
0x210: {  	[sflag:s12] =	ssyncset.done $0x0  }
0x211: {  	[sflag:s12] =	ssyncadd.s32 $0xFFFFF000  }
0x212: {  	_ =	swait.ge [sflag:s2], $0x1000  }
0x213: {  	[sflag:s2] =	ssyncset.done $0x0  }
0x214: {  	[sflag:s2] =	ssyncadd.s32 $0xFFFFF000  }
0x215: {  	_ =	swait.ge [sflag:s13], $0x1000  }
0x216: {  	s3 =	sadd.s32 $0x1, s3;
	s31 =	rddreg [dreg:$0x1c]  }
0x217: {  	p0 =	sne.s32 s3, s31  }
.Ltmp8:
0x218: {  	_ = 	snop;
	(pc) =	sbr.rel @p0 .LBB2_1-.Ltmp8, $4  }
0x219: {  	_ = 	snop  }
0x21a: {  	s11 =	simm.s32 $0x1000;
	s28 =	simm.s32 $0x5000  }
0x21b: {  	s29 =	simm.s32 $0x6000;
	s24 =	simm.s32 $0x2000;
	[sflag:s13] =	ssyncset.done $0x0  }
0x21c: {  	s25 =	simm.s32 $0x3000;
	s26 =	simm.s32 $0x4000;
	[sflag:s13] =	ssyncadd.s32 $0xFFFFF000  }
0x21d: {  	_ =	sfence.sel $0x180000  }
0x21e: {  	[bflag:$0x0] =	sbarrier.arrive $0xFFFF  }
0x21f: {  	_ =	strace $0x90000047  }
0x220: {  	s0 =	stileid.u32;
	[bflag:$0x2] =	sbarrier.arrive $0xFFFF  }
0x221: {  	p0 =	sne.s32 s0, $0x0;
	s0 =	rddreg [dreg:$0x3]  }
0x222: {  	s0 =	sadd.s32 @!p0 $0x100000, s0  }
0x223: {  	[sflag:s0] =	ssyncadd.tile.s32 @!p0 $0x1;
	_ =	shalt  }
.Lfunc_end2:
_tile_overlayer_lowered:
.L_overlay_start_2:
0x224: {  	(tag) =	ssettag $0x2  }
0x225: {  	s0 =	rddreg [dreg:$0x0];
	s2 =	stileid.u32  }
0x226: {  	s1 =	rddreg [dreg:$0x1];
	p0 =	sne.s32 s2, $0x0  }
0x227: {  	s3 =	rddreg [dreg:$0x2];
	[bflag:$0x3] =	sbarrier.arrive $0xFFFF;
	s2 =	simm.s32 @!p0 $0x1C11  }
0x228: {  	[timem:s3], [sflag:s2] =	dma.local @!p0 [hbm:s0], s1  }
0x229: {  	s0 =	simm.s32 @!p0 $0x11  }
0x22a: {  	_ =	swait.ge @!p0 [sflag:s0], s1  }
0x22b: {  	s1 =	ssub.s32 @!p0 $0x0, s1;
	[sflag:s0] =	ssyncset.done @!p0 $0x0  }
0x22c: {  	[sflag:s0] =	ssyncadd.s32 @!p0 s1  }
0x22d: {  	[bflag:$0x3] =	sbarrier.arrive $0xFFFF  }
0x22e: {  	_ =	shalt  }

</sc_bundles>
